<compile_context>
chip_gen: v7x
topology: tpu7x:2x2x1
jax: 0.10.2.dev20260603
libtpu: 0.0.44.dev20260713+nightly
codegen_flags: <defaults>
</compile_context>

<pallas_src>
import functools

import jax
import jax.numpy as jnp
from jax import lax
from jax.experimental import pallas as pl
from jax.experimental.pallas import tpu as pltpu
from jax.experimental.pallas import tpu_sc as plsc

N = 10000
E = 320000
F = 128

NC = 2
NS = 16
G = 128
CH = 8
ECH = CH * G
NBIG = 24
TAILB = 312 * ECH
N_PAD = 10240
RPT = N_PAD // NS
RCH = 64
NCH = RPT // RCH
BLK = 1024
TRASH = N

_MESH = plsc.VectorSubcoreMesh(
    core_axis_name="c", subcore_axis_name="s", num_cores=NC, num_subcores=NS
)


def _edge_base(wid):
    big = jnp.minimum(wid, NBIG)
    return big * (10 * ECH) + jnp.maximum(wid - NBIG, 0) * (9 * ECH)


@functools.partial(
    pl.kernel,
    out_type=jax.ShapeDtypeStruct((NC, N_PAD), jnp.float32),
    mesh=_MESH,
    scratch_types=[
        pltpu.VMEM((2, ECH), jnp.int32),
        pltpu.VMEM((CH, G), jnp.int32),
        pltpu.VMEM((G,), jnp.float32),
        pltpu.VMEM((RPT,), jnp.float32),
        pltpu.VMEM_SHARED((N_PAD,), jnp.float32),
        pltpu.SemaphoreType.DMA,
    ],
)
def _sc_hist(adj_hbm, out_hbm, both, rowb, onesb, stage, deg_sh, sem):
    c = lax.axis_index("c")
    s = lax.axis_index("s")
    wid = c * NS + s

    def _z(i, _):
        stage[pl.ds(i * 16, 16)] = jnp.zeros((16,), jnp.float32)
        return 0

    lax.fori_loop(0, RPT // 16, _z, 0)
    pltpu.sync_copy(stage, deg_sh.at[pl.ds(s * RPT, RPT)])
    plsc.subcore_barrier()

    ebase = _edge_base(wid)

    def _do_groups(ng):
        def _group(g, _):
            def _mask(i, _):
                off = g * G + i * 16
                r = both[0, pl.ds(off, 16)]
                cc = both[1, pl.ds(off, 16)]
                rowb[g, pl.ds(i * 16, 16)] = r
                onesb[pl.ds(i * 16, 16)] = jnp.where(r != cc, 1.0, 0.0)
                return 0

            lax.fori_loop(0, G // 16, _mask, 0)
            pltpu.sync_copy(onesb, deg_sh.at[rowb.at[g]], add=True)
            return 0

        lax.fori_loop(0, ng, _group, 0)

    def _chunk(ch, _):
        pltpu.sync_copy(adj_hbm.at[:, pl.ds(ebase + ch * ECH, ECH)], both)
        _do_groups(CH)
        return 0

    nch = jnp.where(wid < NBIG, 10, 9)
    lax.fori_loop(0, nch, _chunk, 0)

    @pl.when(wid == NC * NS - 1)
    def _tail():
        pltpu.sync_copy(adj_hbm.at[:, pl.ds(TAILB, 512)],
                        both.at[:, pl.ds(0, 512)])
        _do_groups(4)

    plsc.subcore_barrier()
    pltpu.sync_copy(deg_sh.at[pl.ds(s * RPT, RPT)],
                    out_hbm.at[c, pl.ds(s * RPT, RPT)])


@functools.partial(
    pl.kernel,
    out_type=jax.ShapeDtypeStruct((NC, N_PAD, F), jnp.float32),
    mesh=_MESH,
    scratch_types=[
        pltpu.VMEM((2, ECH), jnp.int32),
        pltpu.VMEM((CH, G), jnp.int32),
        pltpu.VMEM((G, F), jnp.float32),
        pltpu.VMEM((G, F), jnp.float32),
        pltpu.VMEM((RCH, F), jnp.float32),
        pltpu.VMEM_SHARED((N_PAD, F), jnp.float32),
        pltpu.SemaphoreType.DMA,
        pltpu.SemaphoreType.DMA,
    ],
)
def _sc_scatter(adj_hbm, v_hbm, out_hbm, both, colb, rows0, rows1, stage,
                acc_sh, sem0, sem1):
    c = lax.axis_index("c")
    s = lax.axis_index("s")
    wid = c * NS + s

    def _z(i, _):
        for j in range(F // 16):
            stage[i, pl.ds(j * 16, 16)] = jnp.zeros((16,), jnp.float32)
        return 0

    lax.fori_loop(0, RCH, _z, 0)
    for k in range(NCH):
        pltpu.sync_copy(stage, acc_sh.at[pl.ds(s * RPT + k * RCH, RCH), :])
    plsc.subcore_barrier()

    ebase = _edge_base(wid)
    lane = lax.broadcasted_iota(jnp.int32, (16,), 0)
    bufs = (rows0, rows1)
    sems = (sem0, sem1)

    def _do_groups(ng, ch):
        def _mask(t, _):
            g = t // 8
            i = t % 8
            off = g * G + i * 16
            r = both[0, pl.ds(off, 16)]
            cc = both[1, pl.ds(off, 16)]
            trash = TRASH + ((t + ch) % 15) * 16 + lane
            colb[g, pl.ds(i * 16, 16)] = jnp.where(r == cc, trash, cc)
            return 0

        lax.fori_loop(0, ng * 8, _mask, 0)

        def _gidx(g):
            return both.at[0, pl.ds(g * G, G)]

        desc = [None] * ng
        desc[0] = pltpu.async_copy(v_hbm.at[_gidx(0)], bufs[0], sems[0])
        for g in range(ng):
            if g + 1 < ng:
                desc[g + 1] = pltpu.async_copy(
                    v_hbm.at[_gidx(g + 1)], bufs[(g + 1) % 2],
                    sems[(g + 1) % 2])
            desc[g].wait()
            pltpu.sync_copy(bufs[g % 2], acc_sh.at[colb.at[g]], add=True)

    def _chunk(ch, _):
        pltpu.sync_copy(adj_hbm.at[:, pl.ds(ebase + ch * ECH, ECH)], both)
        _do_groups(CH, ch)
        return 0

    nch = jnp.where(wid < NBIG, 10, 9)
    lax.fori_loop(0, nch, _chunk, 0)

    @pl.when(wid == NC * NS - 1)
    def _tail():
        pltpu.sync_copy(adj_hbm.at[:, pl.ds(TAILB, 512)],
                        both.at[:, pl.ds(0, 512)])
        _do_groups(4, 0)

    plsc.subcore_barrier()
    pltpu.sync_copy(acc_sh.at[pl.ds(s * RPT, RPT), :],
                    out_hbm.at[c, pl.ds(s * RPT, RPT), :])


def _dinv_sublane(deg_ref, i):
    ri = lax.broadcasted_iota(jnp.int32, (128, 128), 0)
    ci = lax.broadcasted_iota(jnp.int32, (128, 128), 1)
    pieces = []
    for j in range(BLK // 128):
        dsl = pl.ds(i * BLK + j * 128, 128)
        d = deg_ref[0:1, dsl] + deg_ref[1:2, dsl]
        dinv = jnp.where(d > 0, lax.rsqrt(d), 0.0)
        pieces.append(
            jnp.sum(jnp.where(ri == ci, dinv, 0.0), axis=1, keepdims=True)
        )
    return jnp.concatenate(pieces, axis=0)


def _tc_mm_body(x_ref, w0_ref, w1_ref, b_ref, y0_ref, y1_ref):
    xb = x_ref[...]
    y0_ref[...] = (
        jnp.dot(xb, w0_ref[...], preferred_element_type=jnp.float32)
        + b_ref[...]
    )
    y1_ref[...] = jnp.dot(xb, w1_ref[...], preferred_element_type=jnp.float32)


def _tc_vscale_body(deg_ref, y1_ref, v_ref):
    i = pl.program_id(0)
    v_ref[...] = _dinv_sublane(deg_ref, i) * y1_ref[...]


def _tc_final_body(deg_ref, y0_ref, a_ref, o_ref):
    i = pl.program_id(0)
    dinv_sub = _dinv_sublane(deg_ref, i)
    acc = a_ref[0] + a_ref[1]
    o_ref[...] = jnp.maximum(y0_ref[...] - dinv_sub * acc, 0.0)


_tc_mm = pl.pallas_call(
    _tc_mm_body,
    grid=(N_PAD // BLK,),
    in_specs=[
        pl.BlockSpec((BLK, F), lambda i: (i, 0)),
        pl.BlockSpec((F, F), lambda i: (0, 0)),
        pl.BlockSpec((F, F), lambda i: (0, 0)),
        pl.BlockSpec((1, F), lambda i: (0, 0)),
    ],
    out_specs=[
        pl.BlockSpec((BLK, F), lambda i: (i, 0)),
        pl.BlockSpec((BLK, F), lambda i: (i, 0)),
    ],
    out_shape=[
        jax.ShapeDtypeStruct((N, F), jnp.float32),
        jax.ShapeDtypeStruct((N, F), jnp.float32),
    ],
)

_tc_vscale = pl.pallas_call(
    _tc_vscale_body,
    grid=(N_PAD // BLK,),
    in_specs=[
        pl.BlockSpec((NC, N_PAD), lambda i: (0, 0)),
        pl.BlockSpec((BLK, F), lambda i: (i, 0)),
    ],
    out_specs=pl.BlockSpec((BLK, F), lambda i: (i, 0)),
    out_shape=jax.ShapeDtypeStruct((N_PAD, F), jnp.float32),
)

_tc_final = pl.pallas_call(
    _tc_final_body,
    grid=(N_PAD // BLK,),
    in_specs=[
        pl.BlockSpec((NC, N_PAD), lambda i: (0, 0)),
        pl.BlockSpec((BLK, F), lambda i: (i, 0)),
        pl.BlockSpec((NC, BLK, F), lambda i: (0, i, 0)),
    ],
    out_specs=pl.BlockSpec((BLK, F), lambda i: (i, 0)),
    out_shape=jax.ShapeDtypeStruct((N, F), jnp.float32),
)


@jax.jit
def kernel(x, adj, W0, W1, b):
    y0, y1 = _tc_mm(x, W0, W1, b.reshape(1, F))
    deg = _sc_hist(adj)
    v = _tc_vscale(deg, y1)
    acc = _sc_scatter(adj, v)
    return _tc_final(deg, y0, acc)

# --- scband reference (transcript-rebuilt; emitter-appended) ---
"""Pipeline reference for scband-cheb-gcn1-50371376447887 (READ-ONLY COPY).

The authoritative reference and input builder live on the scoring server;
editing this copy changes nothing except your own understanding.
"""

import jax, jax.numpy as jnp
import numpy as np

N_NODES = 10000
N_EDGES = 320000
NFEAT = 128
NCLASS = 128


def setup_inputs(seed: int = 0) -> dict:
    key = jax.random.key(seed)
    k1, k2, k3, k4, k5 = jax.random.split(key, 5)
    x = jax.random.normal(k1, (N_NODES, NFEAT), dtype=jnp.float32)
    adj = jax.random.randint(k2, (2, N_EDGES), 0, N_NODES, dtype=jnp.int32)
    # ChebConv(nfeat, nclass, K=2) parameters: two bias-free linears + shared bias (glorot-ish init)
    scale = (2.0 / (NFEAT + NCLASS)) ** 0.5
    W0 = jax.random.normal(k3, (NFEAT, NCLASS), dtype=jnp.float32) * scale
    W1 = jax.random.normal(k4, (NFEAT, NCLASS), dtype=jnp.float32) * scale
    b = jnp.zeros((NCLASS,), dtype=jnp.float32)
    return {"x": x, "adj": adj, "W0": W0, "W1": W1, "b": b}


def reference(x, adj, W0, W1, b):
    # Faithful PyG ChebConv with K=2, normalization='sym', lambda_max=2.0:
    #   L = I - D^{-1/2} A D^{-1/2}; L_hat = (2/lambda_max) L - I = -D^{-1/2} A D^{-1/2}
    #   (self loops removed first; rescaled loop weights become 0)
    #   Tx_0 = x ; Tx_1 = L_hat @ x ; out = Tx_0 @ W0 + Tx_1 @ W1 + b ; then ReLU
    row = adj[0]
    col = adj[1]
    ew = (row != col).astype(x.dtype)  # remove_self_loops: zero-weight self edges
    deg = jax.ops.segment_sum(ew, row, num_segments=N_NODES)
    dinv = jnp.where(deg > 0, deg ** -0.5, 0.0)  # inf -> 0 masking
    w = -dinv[row] * ew * dinv[col]
    # propagate: message = w_e * x[src]; aggregate sum at dst (col)
    Tx1 = jax.ops.segment_sum(w[:, None] * x[row], col, num_segments=N_NODES)
    out = x @ W0 + Tx1 @ W1 + b
    return jax.nn.relu(out)

if __name__ == "__main__":
    import jax
    _d = setup_inputs()
    print(jax.jit(kernel)(*tuple(_d.values())))

</pallas_src>

<mosaic_0001>
#map = affine_map<(d0, d1) -> (0, 0)>
module attributes {stable_mosaic.version = 14 : i64} {
  func.func @_sc_hist(%arg0: i32, %arg1: i32, %arg2: memref<2x320000xi32, #tpu.memory_space<hbm>>, %arg3: memref<2x10240xf32, #tpu.memory_space<hbm>>, %arg4: memref<2x1024xi32, #tpu.memory_space<vmem>>, %arg5: memref<8x128xi32, #tpu.memory_space<vmem>>, %arg6: memref<128xf32, #tpu.memory_space<vmem>>, %arg7: memref<640xf32, #tpu.memory_space<vmem>>, %arg8: memref<10240xf32, #tpu.memory_space<vmem_shared>>, %arg9: memref<!tpu.dma_semaphore, #tpu.memory_space<semaphore_mem>>) attributes {dimension_semantics = [#tpu.dimension_semantics<core_parallel>, #tpu.dimension_semantics<subcore_parallel>], iteration_bounds = array<i64: 2, 16>, scalar_prefetch = 0 : i64, scratch_operands = 6 : i64, tpu.core_type = #tpu.core_type<sc_vector_subcore>, window_params = [{transform_indices = #map}, {transform_indices = #map}]} {
    %mul3A = arith.constant 16 : i32
    %mul3A_0 = arith.muli %arg0, %mul3A : i32
    %add3A = arith.addi %mul3A_0, %arg1 : i32
    %scan3A = arith.constant 0 : i32
    %scan3A_1 = arith.constant 0 : i32
    %scan3A_2 = arith.constant 40 : i32
    %scan3A_3 = arith.addi %scan3A_1, %scan3A_2 : i32
    %scan3A_4 = arith.constant 1 : i32
    %scan3A_5 = scf.for %scan3A_37 = %scan3A_1 to %scan3A_3 step %scan3A_4 iter_args(%scan3A_38 = %scan3A) -> (i32)  : i32 {
      %broadcast_in_dim3A = arith.constant 0.000000e+00 : f32
      %broadcast_in_dim3A_39 = vector.broadcast %broadcast_in_dim3A : f32 to vector<16xf32>
      %mul3A_40 = arith.constant 16 : i32
      %mul3A_41 = arith.muli %scan3A_37, %mul3A_40 : i32
      %swap3A = arith.index_cast %mul3A_41 : i32 to index
      %swap3A_42 = tpu.vector_load %arg7[%swap3A] {strides = array<i32>} : memref<640xf32, #tpu.memory_space<vmem>>, vector<16xf32>,
      %swap3A_43 = vector.shape_cast %swap3A_42 : vector<16xf32> to vector<16xf32>
      %swap3A_44 = vector.shape_cast %broadcast_in_dim3A_39 : vector<16xf32> to vector<16xf32>
      tpu.vector_store %arg7[%swap3A], %swap3A_44 {strides = array<i32>} : memref<640xf32, #tpu.memory_space<vmem>>, vector<16xf32>,
      %scan3A_45 = arith.constant 0 : i32
      scf.yield %scan3A_45 : i32
    }
    %scan3A_6 = arith.constant 40 : i32
    %mul3A_7 = arith.constant 640 : i32
    %mul3A_8 = arith.muli %arg1, %mul3A_7 : i32
    "tpu.region"() ({
      %run_scoped3A = tpu.sem_alloc : memref<!tpu.dma_semaphore, #tpu.memory_space<semaphore_mem>>
      %dma_start3A = tpu.memref_slice %arg8[%mul3A_8] : memref<10240xf32, #tpu.memory_space<vmem_shared>> -> memref<640xf32, #tpu.memory_space<vmem_shared>>
      %dma_start3A_37 = tpu.memref_slice %arg8[%mul3A_8] : memref<10240xf32, #tpu.memory_space<vmem_shared>> -> memref<640xf32, #tpu.memory_space<vmem_shared>>
      tpu.enqueue_dma source(%arg7 : memref<640xf32, #tpu.memory_space<vmem>>) target(%dma_start3A_37 : memref<640xf32, #tpu.memory_space<vmem_shared>>) target_semaphore(%run_scoped3A : memref<!tpu.dma_semaphore, #tpu.memory_space<semaphore_mem>>)
      %dma_wait3A = tpu.memref_slice %arg8[%mul3A_8] : memref<10240xf32, #tpu.memory_space<vmem_shared>> -> memref<640xf32, #tpu.memory_space<vmem_shared>>
      %dma_wait3A_38 = tpu.memref_slice %arg8[%mul3A_8] : memref<10240xf32, #tpu.memory_space<vmem_shared>> -> memref<640xf32, #tpu.memory_space<vmem_shared>>
      tpu.wait_dma2 semaphore(%run_scoped3A : memref<!tpu.dma_semaphore, #tpu.memory_space<semaphore_mem>>) src(%arg7 : memref<640xf32, #tpu.memory_space<vmem>>) dst(%dma_wait3A_38 : memref<640xf32, #tpu.memory_space<vmem_shared>>)
      tpu.yield
    }) : () -> ()
    %barrier3A = arith.constant 0 : index
    tpu.barrier barrier_id(%barrier3A)
    %min3A = arith.constant 24 : i32
    %min3A_9 = arith.minsi %add3A, %min3A : i32
    %mul3A_10 = arith.constant 10240 : i32
    %mul3A_11 = arith.muli %min3A_9, %mul3A_10 : i32
    %sub3A = arith.constant 24 : i32
    %sub3A_12 = arith.subi %add3A, %sub3A : i32
    %max3A = arith.constant 0 : i32
    %max3A_13 = arith.maxsi %sub3A_12, %max3A : i32
    %mul3A_14 = arith.constant 9216 : i32
    %mul3A_15 = arith.muli %max3A_13, %mul3A_14 : i32
    %add3A_16 = arith.addi %mul3A_11, %mul3A_15 : i32
    %lt3A = arith.constant 24 : i32
    %lt3A_17 = arith.cmpi slt, %add3A, %lt3A : i32
    %jit3A = arith.constant 10 : i32
    %jit3A_18 = arith.constant 9 : i32
    %select_n3A = arith.select %lt3A_17, %jit3A, %jit3A_18 : i32
    %while3A = arith.constant 0 : i32
    %while3A_19 = arith.constant 0 : i32
    %while3A_20 = arith.subi %select_n3A, %while3A : i32
    %while3A_21 = arith.addi %while3A, %while3A_20 : i32
    %while3A_22 = arith.constant 1 : i32
    %while3A_23 = arith.divsi %while3A_20, %while3A_22 : i32
    %while3A_24 = arith.muli %while3A_23, %while3A_22 : i32
    %while3A_25 = arith.addi %while3A, %while3A_24 : i32
    %while3A_26 = arith.constant 1 : i32
    %while3A_27 = scf.for %while3A_37 = %while3A to %while3A_25 step %while3A_26 iter_args(%while3A_38 = %while3A_19) -> (i32)  : i32 {
      %mul3A_39 = arith.constant 1024 : i32
      %mul3A_40 = arith.muli %while3A_37, %mul3A_39 : i32
      %add3A_41 = arith.addi %add3A_16, %mul3A_40 : i32
      "tpu.region"() ({
        %run_scoped3A = tpu.sem_alloc : memref<!tpu.dma_semaphore, #tpu.memory_space<semaphore_mem>>
        %dma_start3A = arith.constant 0 : i32
        %dma_start3A_50 = tpu.memref_slice %arg2[%dma_start3A, %add3A_41] : memref<2x320000xi32, #tpu.memory_space<hbm>> -> memref<2x1024xi32, #tpu.memory_space<hbm>>
        %dma_start3A_51 = arith.constant 0 : i32
        %dma_start3A_52 = tpu.memref_slice %arg2[%dma_start3A_51, %add3A_41] : memref<2x320000xi32, #tpu.memory_space<hbm>> -> memref<2x1024xi32, #tpu.memory_space<hbm>>
        tpu.enqueue_dma source(%dma_start3A_52 : memref<2x1024xi32, #tpu.memory_space<hbm>>) target(%arg4 : memref<2x1024xi32, #tpu.memory_space<vmem>>) target_semaphore(%run_scoped3A : memref<!tpu.dma_semaphore, #tpu.memory_space<semaphore_mem>>)
        %dma_wait3A = arith.constant 0 : i32
        %dma_wait3A_53 = tpu.memref_slice %arg2[%dma_wait3A, %add3A_41] : memref<2x320000xi32, #tpu.memory_space<hbm>> -> memref<2x1024xi32, #tpu.memory_space<hbm>>
        %dma_wait3A_54 = arith.constant 0 : i32
        %dma_wait3A_55 = tpu.memref_slice %arg2[%dma_wait3A_54, %add3A_41] : memref<2x320000xi32, #tpu.memory_space<hbm>> -> memref<2x1024xi32, #tpu.memory_space<hbm>>
        tpu.wait_dma2 semaphore(%run_scoped3A : memref<!tpu.dma_semaphore, #tpu.memory_space<semaphore_mem>>) src(%dma_wait3A_55 : memref<2x1024xi32, #tpu.memory_space<hbm>>) dst(%arg4 : memref<2x1024xi32, #tpu.memory_space<vmem>>)
        tpu.yield
      }) : () -> ()
      %scan3A_42 = arith.constant 0 : i32
      %scan3A_43 = arith.constant 0 : i32
      %scan3A_44 = arith.constant 8 : i32
      %scan3A_45 = arith.addi %scan3A_43, %scan3A_44 : i32
      %scan3A_46 = arith.constant 1 : i32
      %scan3A_47 = scf.for %scan3A_50 = %scan3A_43 to %scan3A_45 step %scan3A_46 iter_args(%scan3A_51 = %scan3A_42) -> (i32)  : i32 {
        %scan3A_52 = arith.constant 0 : i32
        %scan3A_53 = arith.constant 0 : i32
        %scan3A_54 = arith.constant 8 : i32
        %scan3A_55 = arith.addi %scan3A_53, %scan3A_54 : i32
        %scan3A_56 = arith.constant 1 : i32
        %scan3A_57 = scf.for %scan3A_60 = %scan3A_53 to %scan3A_55 step %scan3A_56 iter_args(%scan3A_61 = %scan3A_52) -> (i32)  : i32 {
          %mul3A_62 = arith.constant 128 : i32
          %mul3A_63 = arith.muli %scan3A_50, %mul3A_62 : i32
          %mul3A_64 = arith.constant 16 : i32
          %mul3A_65 = arith.muli %scan3A_60, %mul3A_64 : i32
          %add3A_66 = arith.addi %mul3A_63, %mul3A_65 : i32
          %get3A = arith.constant 0 : i32
          %get3A_67 = arith.index_cast %get3A : i32 to index
          %get3A_68 = arith.index_cast %add3A_66 : i32 to index
          %get3A_69 = tpu.vector_load %arg4[%get3A_67, %get3A_68] {strides = array<i32>} : memref<2x1024xi32, #tpu.memory_space<vmem>>, vector<1x16xi32>,
          %get3A_70 = vector.shape_cast %get3A_69 : vector<1x16xi32> to vector<16xi32>
          %get3A_71 = arith.constant 1 : i32
          %get3A_72 = arith.index_cast %get3A_71 : i32 to index
          %get3A_73 = arith.index_cast %add3A_66 : i32 to index
          %get3A_74 = tpu.vector_load %arg4[%get3A_72, %get3A_73] {strides = array<i32>} : memref<2x1024xi32, #tpu.memory_space<vmem>>, vector<1x16xi32>,
          %get3A_75 = vector.shape_cast %get3A_74 : vector<1x16xi32> to vector<16xi32>
          %mul3A_76 = arith.constant 16 : i32
          %mul3A_77 = arith.muli %scan3A_60, %mul3A_76 : i32
          %swap3A = arith.index_cast %scan3A_50 : i32 to index
          %swap3A_78 = arith.index_cast %mul3A_77 : i32 to index
          %swap3A_79 = tpu.vector_load %arg5[%swap3A, %swap3A_78] {strides = array<i32>} : memref<8x128xi32, #tpu.memory_space<vmem>>, vector<1x16xi32>,
          %swap3A_80 = vector.shape_cast %swap3A_79 : vector<1x16xi32> to vector<16xi32>
          %swap3A_81 = vector.shape_cast %get3A_70 : vector<16xi32> to vector<1x16xi32>
          tpu.vector_store %arg5[%swap3A, %swap3A_78], %swap3A_81 {strides = array<i32>} : memref<8x128xi32, #tpu.memory_space<vmem>>, vector<1x16xi32>,
          %ne3A = arith.cmpi ne, %get3A_70, %get3A_75 : vector<16xi32>
          %jit3A_82 = arith.constant 1.000000e+00 : f32
          %jit3A_83 = arith.constant 0.000000e+00 : f32
          %broadcast_in_dim3A = vector.broadcast %jit3A_82 : f32 to vector<16xf32>
          %broadcast_in_dim3A_84 = vector.broadcast %jit3A_83 : f32 to vector<16xf32>
          %select_n3A_85 = arith.select %ne3A, %broadcast_in_dim3A, %broadcast_in_dim3A_84 : vector<16xi1>, vector<16xf32>
          %mul3A_86 = arith.constant 16 : i32
          %mul3A_87 = arith.muli %scan3A_60, %mul3A_86 : i32
          %swap3A_88 = arith.index_cast %mul3A_87 : i32 to index
          %swap3A_89 = tpu.vector_load %arg6[%swap3A_88] {strides = array<i32>} : memref<128xf32, #tpu.memory_space<vmem>>, vector<16xf32>,
          %swap3A_90 = vector.shape_cast %swap3A_89 : vector<16xf32> to vector<16xf32>
          %swap3A_91 = vector.shape_cast %select_n3A_85 : vector<16xf32> to vector<16xf32>
          tpu.vector_store %arg6[%swap3A_88], %swap3A_91 {strides = array<i32>} : memref<128xf32, #tpu.memory_space<vmem>>, vector<16xf32>,
          %scan3A_92 = arith.constant 0 : i32
          scf.yield %scan3A_92 : i32
        }
        %scan3A_58 = arith.constant 8 : i32
        "tpu.region"() ({
          %run_scoped3A = tpu.sem_alloc : memref<!tpu.dma_semaphore, #tpu.memory_space<semaphore_mem>>
          %dma_start3A = arith.constant 0 : i32
          %dma_start3A_60 = tpu.memref_slice %arg5[%scan3A_50, %dma_start3A] : memref<8x128xi32, #tpu.memory_space<vmem>> -> memref<1x128xi32, #tpu.memory_space<vmem>>
          %dma_start3A_61 = tpu.memref_squeeze %dma_start3A_60 : memref<1x128xi32, #tpu.memory_space<vmem>> -> memref<128xi32, #tpu.memory_space<vmem>>
          %dma_start3A_62 = arith.constant 0 : i32
          %dma_start3A_63 = tpu.memref_slice %arg8[%dma_start3A_62] : memref<10240xf32, #tpu.memory_space<vmem_shared>> -> memref<10240xf32, #tpu.memory_space<vmem_shared>>
          tpu.enqueue_indirect_dma source(%arg6 : memref<128xf32, #tpu.memory_space<vmem>>) target(%dma_start3A_63 : memref<10240xf32, #tpu.memory_space<vmem_shared>>) offsets(%dma_start3A_61 : memref<128xi32, #tpu.memory_space<vmem>>) semaphore(%run_scoped3A : memref<!tpu.dma_semaphore, #tpu.memory_space<semaphore_mem>>) {add = true}
          %dma_wait3A = arith.constant 0 : i32
          %dma_wait3A_64 = tpu.memref_slice %arg5[%scan3A_50, %dma_wait3A] : memref<8x128xi32, #tpu.memory_space<vmem>> -> memref<1x128xi32, #tpu.memory_space<vmem>>
          %dma_wait3A_65 = tpu.memref_squeeze %dma_wait3A_64 : memref<1x128xi32, #tpu.memory_space<vmem>> -> memref<128xi32, #tpu.memory_space<vmem>>
          %dma_wait3A_66 = arith.constant 0 : i32
          %dma_wait3A_67 = tpu.memref_slice %arg8[%dma_wait3A_66] : memref<10240xf32, #tpu.memory_space<vmem_shared>> -> memref<10240xf32, #tpu.memory_space<vmem_shared>>
          tpu.wait_indirect_dma semaphore(%run_scoped3A : memref<!tpu.dma_semaphore, #tpu.memory_space<semaphore_mem>>) src(%arg6 : memref<128xf32, #tpu.memory_space<vmem>>) dst(%dma_wait3A_67 : memref<10240xf32, #tpu.memory_space<vmem_shared>>)
          tpu.yield
        }) : () -> ()
        %scan3A_59 = arith.constant 0 : i32
        scf.yield %scan3A_59 : i32
      }
      %scan3A_48 = arith.constant 8 : i32
      %while3A_49 = arith.constant 0 : i32
      scf.yield %while3A_49 : i32
    }
    %while3A_28 = arith.constant 1 : i32
    %while3A_29 = scf.for %while3A_37 = %while3A_25 to %while3A_21 step %while3A_28 iter_args(%while3A_38 = %while3A_27) -> (i32)  : i32 {
      %mul3A_39 = arith.constant 1024 : i32
      %mul3A_40 = arith.muli %while3A_37, %mul3A_39 : i32
      %add3A_41 = arith.addi %add3A_16, %mul3A_40 : i32
      "tpu.region"() ({
        %run_scoped3A = tpu.sem_alloc : memref<!tpu.dma_semaphore, #tpu.memory_space<semaphore_mem>>
        %dma_start3A = arith.constant 0 : i32
        %dma_start3A_50 = tpu.memref_slice %arg2[%dma_start3A, %add3A_41] : memref<2x320000xi32, #tpu.memory_space<hbm>> -> memref<2x1024xi32, #tpu.memory_space<hbm>>
        %dma_start3A_51 = arith.constant 0 : i32
        %dma_start3A_52 = tpu.memref_slice %arg2[%dma_start3A_51, %add3A_41] : memref<2x320000xi32, #tpu.memory_space<hbm>> -> memref<2x1024xi32, #tpu.memory_space<hbm>>
        tpu.enqueue_dma source(%dma_start3A_52 : memref<2x1024xi32, #tpu.memory_space<hbm>>) target(%arg4 : memref<2x1024xi32, #tpu.memory_space<vmem>>) target_semaphore(%run_scoped3A : memref<!tpu.dma_semaphore, #tpu.memory_space<semaphore_mem>>)
        %dma_wait3A = arith.constant 0 : i32
        %dma_wait3A_53 = tpu.memref_slice %arg2[%dma_wait3A, %add3A_41] : memref<2x320000xi32, #tpu.memory_space<hbm>> -> memref<2x1024xi32, #tpu.memory_space<hbm>>
        %dma_wait3A_54 = arith.constant 0 : i32
        %dma_wait3A_55 = tpu.memref_slice %arg2[%dma_wait3A_54, %add3A_41] : memref<2x320000xi32, #tpu.memory_space<hbm>> -> memref<2x1024xi32, #tpu.memory_space<hbm>>
        tpu.wait_dma2 semaphore(%run_scoped3A : memref<!tpu.dma_semaphore, #tpu.memory_space<semaphore_mem>>) src(%dma_wait3A_55 : memref<2x1024xi32, #tpu.memory_space<hbm>>) dst(%arg4 : memref<2x1024xi32, #tpu.memory_space<vmem>>)
        tpu.yield
      }) : () -> ()
      %scan3A_42 = arith.constant 0 : i32
      %scan3A_43 = arith.constant 0 : i32
      %scan3A_44 = arith.constant 8 : i32
      %scan3A_45 = arith.addi %scan3A_43, %scan3A_44 : i32
      %scan3A_46 = arith.constant 1 : i32
      %scan3A_47 = scf.for %scan3A_50 = %scan3A_43 to %scan3A_45 step %scan3A_46 iter_args(%scan3A_51 = %scan3A_42) -> (i32)  : i32 {
        %scan3A_52 = arith.constant 0 : i32
        %scan3A_53 = arith.constant 0 : i32
        %scan3A_54 = arith.constant 8 : i32
        %scan3A_55 = arith.addi %scan3A_53, %scan3A_54 : i32
        %scan3A_56 = arith.constant 1 : i32
        %scan3A_57 = scf.for %scan3A_60 = %scan3A_53 to %scan3A_55 step %scan3A_56 iter_args(%scan3A_61 = %scan3A_52) -> (i32)  : i32 {
          %mul3A_62 = arith.constant 128 : i32
          %mul3A_63 = arith.muli %scan3A_50, %mul3A_62 : i32
          %mul3A_64 = arith.constant 16 : i32
          %mul3A_65 = arith.muli %scan3A_60, %mul3A_64 : i32
          %add3A_66 = arith.addi %mul3A_63, %mul3A_65 : i32
          %get3A = arith.constant 0 : i32
          %get3A_67 = arith.index_cast %get3A : i32 to index
          %get3A_68 = arith.index_cast %add3A_66 : i32 to index
          %get3A_69 = tpu.vector_load %arg4[%get3A_67, %get3A_68] {strides = array<i32>} : memref<2x1024xi32, #tpu.memory_space<vmem>>, vector<1x16xi32>,
          %get3A_70 = vector.shape_cast %get3A_69 : vector<1x16xi32> to vector<16xi32>
          %get3A_71 = arith.constant 1 : i32
          %get3A_72 = arith.index_cast %get3A_71 : i32 to index
          %get3A_73 = arith.index_cast %add3A_66 : i32 to index
          %get3A_74 = tpu.vector_load %arg4[%get3A_72, %get3A_73] {strides = array<i32>} : memref<2x1024xi32, #tpu.memory_space<vmem>>, vector<1x16xi32>,
          %get3A_75 = vector.shape_cast %get3A_74 : vector<1x16xi32> to vector<16xi32>
          %mul3A_76 = arith.constant 16 : i32
          %mul3A_77 = arith.muli %scan3A_60, %mul3A_76 : i32
          %swap3A = arith.index_cast %scan3A_50 : i32 to index
          %swap3A_78 = arith.index_cast %mul3A_77 : i32 to index
          %swap3A_79 = tpu.vector_load %arg5[%swap3A, %swap3A_78] {strides = array<i32>} : memref<8x128xi32, #tpu.memory_space<vmem>>, vector<1x16xi32>,
          %swap3A_80 = vector.shape_cast %swap3A_79 : vector<1x16xi32> to vector<16xi32>
          %swap3A_81 = vector.shape_cast %get3A_70 : vector<16xi32> to vector<1x16xi32>
          tpu.vector_store %arg5[%swap3A, %swap3A_78], %swap3A_81 {strides = array<i32>} : memref<8x128xi32, #tpu.memory_space<vmem>>, vector<1x16xi32>,
          %ne3A = arith.cmpi ne, %get3A_70, %get3A_75 : vector<16xi32>
          %jit3A_82 = arith.constant 1.000000e+00 : f32
          %jit3A_83 = arith.constant 0.000000e+00 : f32
          %broadcast_in_dim3A = vector.broadcast %jit3A_82 : f32 to vector<16xf32>
          %broadcast_in_dim3A_84 = vector.broadcast %jit3A_83 : f32 to vector<16xf32>
          %select_n3A_85 = arith.select %ne3A, %broadcast_in_dim3A, %broadcast_in_dim3A_84 : vector<16xi1>, vector<16xf32>
          %mul3A_86 = arith.constant 16 : i32
          %mul3A_87 = arith.muli %scan3A_60, %mul3A_86 : i32
          %swap3A_88 = arith.index_cast %mul3A_87 : i32 to index
          %swap3A_89 = tpu.vector_load %arg6[%swap3A_88] {strides = array<i32>} : memref<128xf32, #tpu.memory_space<vmem>>, vector<16xf32>,
          %swap3A_90 = vector.shape_cast %swap3A_89 : vector<16xf32> to vector<16xf32>
          %swap3A_91 = vector.shape_cast %select_n3A_85 : vector<16xf32> to vector<16xf32>
          tpu.vector_store %arg6[%swap3A_88], %swap3A_91 {strides = array<i32>} : memref<128xf32, #tpu.memory_space<vmem>>, vector<16xf32>,
          %scan3A_92 = arith.constant 0 : i32
          scf.yield %scan3A_92 : i32
        }
        %scan3A_58 = arith.constant 8 : i32
        "tpu.region"() ({
          %run_scoped3A = tpu.sem_alloc : memref<!tpu.dma_semaphore, #tpu.memory_space<semaphore_mem>>
          %dma_start3A = arith.constant 0 : i32
          %dma_start3A_60 = tpu.memref_slice %arg5[%scan3A_50, %dma_start3A] : memref<8x128xi32, #tpu.memory_space<vmem>> -> memref<1x128xi32, #tpu.memory_space<vmem>>
          %dma_start3A_61 = tpu.memref_squeeze %dma_start3A_60 : memref<1x128xi32, #tpu.memory_space<vmem>> -> memref<128xi32, #tpu.memory_space<vmem>>
          %dma_start3A_62 = arith.constant 0 : i32
          %dma_start3A_63 = tpu.memref_slice %arg8[%dma_start3A_62] : memref<10240xf32, #tpu.memory_space<vmem_shared>> -> memref<10240xf32, #tpu.memory_space<vmem_shared>>
          tpu.enqueue_indirect_dma source(%arg6 : memref<128xf32, #tpu.memory_space<vmem>>) target(%dma_start3A_63 : memref<10240xf32, #tpu.memory_space<vmem_shared>>) offsets(%dma_start3A_61 : memref<128xi32, #tpu.memory_space<vmem>>) semaphore(%run_scoped3A : memref<!tpu.dma_semaphore, #tpu.memory_space<semaphore_mem>>) {add = true}
          %dma_wait3A = arith.constant 0 : i32
          %dma_wait3A_64 = tpu.memref_slice %arg5[%scan3A_50, %dma_wait3A] : memref<8x128xi32, #tpu.memory_space<vmem>> -> memref<1x128xi32, #tpu.memory_space<vmem>>
          %dma_wait3A_65 = tpu.memref_squeeze %dma_wait3A_64 : memref<1x128xi32, #tpu.memory_space<vmem>> -> memref<128xi32, #tpu.memory_space<vmem>>
          %dma_wait3A_66 = arith.constant 0 : i32
          %dma_wait3A_67 = tpu.memref_slice %arg8[%dma_wait3A_66] : memref<10240xf32, #tpu.memory_space<vmem_shared>> -> memref<10240xf32, #tpu.memory_space<vmem_shared>>
          tpu.wait_indirect_dma semaphore(%run_scoped3A : memref<!tpu.dma_semaphore, #tpu.memory_space<semaphore_mem>>) src(%arg6 : memref<128xf32, #tpu.memory_space<vmem>>) dst(%dma_wait3A_67 : memref<10240xf32, #tpu.memory_space<vmem_shared>>)
          tpu.yield
        }) : () -> ()
        %scan3A_59 = arith.constant 0 : i32
        scf.yield %scan3A_59 : i32
      }
      %scan3A_48 = arith.constant 8 : i32
      %while3A_49 = arith.constant 0 : i32
      scf.yield %while3A_49 : i32
    }
    %eq3A = arith.constant 31 : i32
    %eq3A_30 = arith.cmpi eq, %add3A, %eq3A : i32
    %convert_element_type3A = arith.extui %eq3A_30 : i1 to i32
    %cond3A = arith.constant 0 : i32
    %cond3A_31 = arith.cmpi ne, %convert_element_type3A, %cond3A : i32
    scf.if %cond3A_31 {
      "tpu.region"() ({
        %run_scoped3A = tpu.sem_alloc : memref<!tpu.dma_semaphore, #tpu.memory_space<semaphore_mem>>
        %dma_start3A = arith.constant 0 : i32
        %dma_start3A_44 = arith.constant 0 : i32
        %dma_start3A_45 = tpu.memref_slice %arg4[%dma_start3A, %dma_start3A_44] : memref<2x1024xi32, #tpu.memory_space<vmem>> -> memref<2x512xi32, #tpu.memory_space<vmem>>
        %dma_start3A_46 = arith.constant 0 : i32
        %dma_start3A_47 = arith.constant 319488 : i32
        %dma_start3A_48 = tpu.memref_slice %arg2[%dma_start3A_46, %dma_start3A_47] : memref<2x320000xi32, #tpu.memory_space<hbm>> -> memref<2x512xi32, #tpu.memory_space<hbm>>
        %dma_start3A_49 = arith.constant 0 : i32
        %dma_start3A_50 = arith.constant 0 : i32
        %dma_start3A_51 = tpu.memref_slice %arg4[%dma_start3A_49, %dma_start3A_50] : memref<2x1024xi32, #tpu.memory_space<vmem>> -> memref<2x512xi32, #tpu.memory_space<vmem>>
        %dma_start3A_52 = arith.constant 0 : i32
        %dma_start3A_53 = arith.constant 319488 : i32
        %dma_start3A_54 = tpu.memref_slice %arg2[%dma_start3A_52, %dma_start3A_53] : memref<2x320000xi32, #tpu.memory_space<hbm>> -> memref<2x512xi32, #tpu.memory_space<hbm>>
        tpu.enqueue_dma source(%dma_start3A_54 : memref<2x512xi32, #tpu.memory_space<hbm>>) target(%dma_start3A_51 : memref<2x512xi32, #tpu.memory_space<vmem>>) target_semaphore(%run_scoped3A : memref<!tpu.dma_semaphore, #tpu.memory_space<semaphore_mem>>)
        %dma_wait3A = arith.constant 0 : i32
        %dma_wait3A_55 = arith.constant 0 : i32
        %dma_wait3A_56 = tpu.memref_slice %arg4[%dma_wait3A, %dma_wait3A_55] : memref<2x1024xi32, #tpu.memory_space<vmem>> -> memref<2x512xi32, #tpu.memory_space<vmem>>
        %dma_wait3A_57 = arith.constant 0 : i32
        %dma_wait3A_58 = arith.constant 319488 : i32
        %dma_wait3A_59 = tpu.memref_slice %arg2[%dma_wait3A_57, %dma_wait3A_58] : memref<2x320000xi32, #tpu.memory_space<hbm>> -> memref<2x512xi32, #tpu.memory_space<hbm>>
        %dma_wait3A_60 = arith.constant 0 : i32
        %dma_wait3A_61 = arith.constant 0 : i32
        %dma_wait3A_62 = tpu.memref_slice %arg4[%dma_wait3A_60, %dma_wait3A_61] : memref<2x1024xi32, #tpu.memory_space<vmem>> -> memref<2x512xi32, #tpu.memory_space<vmem>>
        %dma_wait3A_63 = arith.constant 0 : i32
        %dma_wait3A_64 = arith.constant 319488 : i32
        %dma_wait3A_65 = tpu.memref_slice %arg2[%dma_wait3A_63, %dma_wait3A_64] : memref<2x320000xi32, #tpu.memory_space<hbm>> -> memref<2x512xi32, #tpu.memory_space<hbm>>
        tpu.wait_dma2 semaphore(%run_scoped3A : memref<!tpu.dma_semaphore, #tpu.memory_space<semaphore_mem>>) src(%dma_wait3A_65 : memref<2x512xi32, #tpu.memory_space<hbm>>) dst(%dma_wait3A_62 : memref<2x512xi32, #tpu.memory_space<vmem>>)
        tpu.yield
      }) : () -> ()
      %scan3A_37 = arith.constant 0 : i32
      %scan3A_38 = arith.constant 0 : i32
      %scan3A_39 = arith.constant 4 : i32
      %scan3A_40 = arith.addi %scan3A_38, %scan3A_39 : i32
      %scan3A_41 = arith.constant 1 : i32
      %scan3A_42 = scf.for %scan3A_44 = %scan3A_38 to %scan3A_40 step %scan3A_41 iter_args(%scan3A_45 = %scan3A_37) -> (i32)  : i32 {
        %scan3A_46 = arith.constant 0 : i32
        %scan3A_47 = arith.constant 0 : i32
        %scan3A_48 = arith.constant 8 : i32
        %scan3A_49 = arith.addi %scan3A_47, %scan3A_48 : i32
        %scan3A_50 = arith.constant 1 : i32
        %scan3A_51 = scf.for %scan3A_54 = %scan3A_47 to %scan3A_49 step %scan3A_50 iter_args(%scan3A_55 = %scan3A_46) -> (i32)  : i32 {
          %mul3A_56 = arith.constant 128 : i32
          %mul3A_57 = arith.muli %scan3A_44, %mul3A_56 : i32
          %mul3A_58 = arith.constant 16 : i32
          %mul3A_59 = arith.muli %scan3A_54, %mul3A_58 : i32
          %add3A_60 = arith.addi %mul3A_57, %mul3A_59 : i32
          %get3A = arith.constant 0 : i32
          %get3A_61 = arith.index_cast %get3A : i32 to index
          %get3A_62 = arith.index_cast %add3A_60 : i32 to index
          %get3A_63 = tpu.vector_load %arg4[%get3A_61, %get3A_62] {strides = array<i32>} : memref<2x1024xi32, #tpu.memory_space<vmem>>, vector<1x16xi32>,
          %get3A_64 = vector.shape_cast %get3A_63 : vector<1x16xi32> to vector<16xi32>
          %get3A_65 = arith.constant 1 : i32
          %get3A_66 = arith.index_cast %get3A_65 : i32 to index
          %get3A_67 = arith.index_cast %add3A_60 : i32 to index
          %get3A_68 = tpu.vector_load %arg4[%get3A_66, %get3A_67] {strides = array<i32>} : memref<2x1024xi32, #tpu.memory_space<vmem>>, vector<1x16xi32>,
          %get3A_69 = vector.shape_cast %get3A_68 : vector<1x16xi32> to vector<16xi32>
          %mul3A_70 = arith.constant 16 : i32
          %mul3A_71 = arith.muli %scan3A_54, %mul3A_70 : i32
          %swap3A = arith.index_cast %scan3A_44 : i32 to index
          %swap3A_72 = arith.index_cast %mul3A_71 : i32 to index
          %swap3A_73 = tpu.vector_load %arg5[%swap3A, %swap3A_72] {strides = array<i32>} : memref<8x128xi32, #tpu.memory_space<vmem>>, vector<1x16xi32>,
          %swap3A_74 = vector.shape_cast %swap3A_73 : vector<1x16xi32> to vector<16xi32>
          %swap3A_75 = vector.shape_cast %get3A_64 : vector<16xi32> to vector<1x16xi32>
          tpu.vector_store %arg5[%swap3A, %swap3A_72], %swap3A_75 {strides = array<i32>} : memref<8x128xi32, #tpu.memory_space<vmem>>, vector<1x16xi32>,
          %ne3A = arith.cmpi ne, %get3A_64, %get3A_69 : vector<16xi32>
          %jit3A_76 = arith.constant 1.000000e+00 : f32
          %jit3A_77 = arith.constant 0.000000e+00 : f32
          %broadcast_in_dim3A = vector.broadcast %jit3A_76 : f32 to vector<16xf32>
          %broadcast_in_dim3A_78 = vector.broadcast %jit3A_77 : f32 to vector<16xf32>
          %select_n3A_79 = arith.select %ne3A, %broadcast_in_dim3A, %broadcast_in_dim3A_78 : vector<16xi1>, vector<16xf32>
          %mul3A_80 = arith.constant 16 : i32
          %mul3A_81 = arith.muli %scan3A_54, %mul3A_80 : i32
          %swap3A_82 = arith.index_cast %mul3A_81 : i32 to index
          %swap3A_83 = tpu.vector_load %arg6[%swap3A_82] {strides = array<i32>} : memref<128xf32, #tpu.memory_space<vmem>>, vector<16xf32>,
          %swap3A_84 = vector.shape_cast %swap3A_83 : vector<16xf32> to vector<16xf32>
          %swap3A_85 = vector.shape_cast %select_n3A_79 : vector<16xf32> to vector<16xf32>
          tpu.vector_store %arg6[%swap3A_82], %swap3A_85 {strides = array<i32>} : memref<128xf32, #tpu.memory_space<vmem>>, vector<16xf32>,
          %scan3A_86 = arith.constant 0 : i32
          scf.yield %scan3A_86 : i32
        }
        %scan3A_52 = arith.constant 8 : i32
        "tpu.region"() ({
          %run_scoped3A = tpu.sem_alloc : memref<!tpu.dma_semaphore, #tpu.memory_space<semaphore_mem>>
          %dma_start3A = arith.constant 0 : i32
          %dma_start3A_54 = tpu.memref_slice %arg5[%scan3A_44, %dma_start3A] : memref<8x128xi32, #tpu.memory_space<vmem>> -> memref<1x128xi32, #tpu.memory_space<vmem>>
          %dma_start3A_55 = tpu.memref_squeeze %dma_start3A_54 : memref<1x128xi32, #tpu.memory_space<vmem>> -> memref<128xi32, #tpu.memory_space<vmem>>
          %dma_start3A_56 = arith.constant 0 : i32
          %dma_start3A_57 = tpu.memref_slice %arg8[%dma_start3A_56] : memref<10240xf32, #tpu.memory_space<vmem_shared>> -> memref<10240xf32, #tpu.memory_space<vmem_shared>>
          tpu.enqueue_indirect_dma source(%arg6 : memref<128xf32, #tpu.memory_space<vmem>>) target(%dma_start3A_57 : memref<10240xf32, #tpu.memory_space<vmem_shared>>) offsets(%dma_start3A_55 : memref<128xi32, #tpu.memory_space<vmem>>) semaphore(%run_scoped3A : memref<!tpu.dma_semaphore, #tpu.memory_space<semaphore_mem>>) {add = true}
          %dma_wait3A = arith.constant 0 : i32
          %dma_wait3A_58 = tpu.memref_slice %arg5[%scan3A_44, %dma_wait3A] : memref<8x128xi32, #tpu.memory_space<vmem>> -> memref<1x128xi32, #tpu.memory_space<vmem>>
          %dma_wait3A_59 = tpu.memref_squeeze %dma_wait3A_58 : memref<1x128xi32, #tpu.memory_space<vmem>> -> memref<128xi32, #tpu.memory_space<vmem>>
          %dma_wait3A_60 = arith.constant 0 : i32
          %dma_wait3A_61 = tpu.memref_slice %arg8[%dma_wait3A_60] : memref<10240xf32, #tpu.memory_space<vmem_shared>> -> memref<10240xf32, #tpu.memory_space<vmem_shared>>
          tpu.wait_indirect_dma semaphore(%run_scoped3A : memref<!tpu.dma_semaphore, #tpu.memory_space<semaphore_mem>>) src(%arg6 : memref<128xf32, #tpu.memory_space<vmem>>) dst(%dma_wait3A_61 : memref<10240xf32, #tpu.memory_space<vmem_shared>>)
          tpu.yield
        }) : () -> ()
        %scan3A_53 = arith.constant 0 : i32
        scf.yield %scan3A_53 : i32
      }
      %scan3A_43 = arith.constant 4 : i32
    } else {
    }
    %barrier3A_32 = arith.constant 0 : index
    tpu.barrier barrier_id(%barrier3A_32)
    %mul3A_33 = arith.constant 640 : i32
    %mul3A_34 = arith.muli %arg1, %mul3A_33 : i32
    %mul3A_35 = arith.constant 640 : i32
    %mul3A_36 = arith.muli %arg1, %mul3A_35 : i32
    "tpu.region"() ({
      %run_scoped3A = tpu.sem_alloc : memref<!tpu.dma_semaphore, #tpu.memory_space<semaphore_mem>>
      %dma_start3A = tpu.memref_slice %arg3[%arg0, %mul3A_36] : memref<2x10240xf32, #tpu.memory_space<hbm>> -> memref<1x640xf32, #tpu.memory_space<hbm>>
      %dma_start3A_37 = tpu.memref_squeeze %dma_start3A : memref<1x640xf32, #tpu.memory_space<hbm>> -> memref<640xf32, #tpu.memory_space<hbm>>
      %dma_start3A_38 = tpu.memref_slice %arg8[%mul3A_34] : memref<10240xf32, #tpu.memory_space<vmem_shared>> -> memref<640xf32, #tpu.memory_space<vmem_shared>>
      tpu.enqueue_dma source(%dma_start3A_38 : memref<640xf32, #tpu.memory_space<vmem_shared>>) target(%dma_start3A_37 : memref<640xf32, #tpu.memory_space<hbm>>) target_semaphore(%run_scoped3A : memref<!tpu.dma_semaphore, #tpu.memory_space<semaphore_mem>>)
      %dma_wait3A = tpu.memref_slice %arg3[%arg0, %mul3A_36] : memref<2x10240xf32, #tpu.memory_space<hbm>> -> memref<1x640xf32, #tpu.memory_space<hbm>>
      %dma_wait3A_39 = tpu.memref_squeeze %dma_wait3A : memref<1x640xf32, #tpu.memory_space<hbm>> -> memref<640xf32, #tpu.memory_space<hbm>>
      %dma_wait3A_40 = tpu.memref_slice %arg8[%mul3A_34] : memref<10240xf32, #tpu.memory_space<vmem_shared>> -> memref<640xf32, #tpu.memory_space<vmem_shared>>
      tpu.wait_dma2 semaphore(%run_scoped3A : memref<!tpu.dma_semaphore, #tpu.memory_space<semaphore_mem>>) src(%dma_wait3A_40 : memref<640xf32, #tpu.memory_space<vmem_shared>>) dst(%dma_wait3A_39 : memref<640xf32, #tpu.memory_space<hbm>>)
      tpu.yield
    }) : () -> ()
    return
  }
}

#map = affine_map<(d0, d1) -> (0, 0)>
#map1 = affine_map<(d0, d1) -> (0, 0, 0)>
module attributes {stable_mosaic.version = 14 : i64} {
  func.func @_sc_scatter(%arg0: i32, %arg1: i32, %arg2: memref<2x320000xi32, #tpu.memory_space<hbm>>, %arg3: memref<10240x128xf32, #tpu.memory_space<hbm>>, %arg4: memref<2x10240x128xf32, #tpu.memory_space<hbm>>, %arg5: memref<2x1024xi32, #tpu.memory_space<vmem>>, %arg6: memref<8x128xi32, #tpu.memory_space<vmem>>, %arg7: memref<128x128xf32, #tpu.memory_space<vmem>>, %arg8: memref<128x128xf32, #tpu.memory_space<vmem>>, %arg9: memref<64x128xf32, #tpu.memory_space<vmem>>, %arg10: memref<10240x128xf32, #tpu.memory_space<vmem_shared>>, %arg11: memref<!tpu.dma_semaphore, #tpu.memory_space<semaphore_mem>>, %arg12: memref<!tpu.dma_semaphore, #tpu.memory_space<semaphore_mem>>) attributes {dimension_semantics = [#tpu.dimension_semantics<core_parallel>, #tpu.dimension_semantics<subcore_parallel>], iteration_bounds = array<i64: 2, 16>, scalar_prefetch = 0 : i64, scratch_operands = 8 : i64, tpu.core_type = #tpu.core_type<sc_vector_subcore>, window_params = [{transform_indices = #map}, {transform_indices = #map}, {transform_indices = #map1}]} {
    %mul3A = arith.constant 16 : i32
    %mul3A_0 = arith.muli %arg0, %mul3A : i32
    %add3A = arith.addi %mul3A_0, %arg1 : i32
    %scan3A = arith.constant 0 : i32
    %scan3A_1 = arith.constant 0 : i32
    %scan3A_2 = arith.constant 64 : i32
    %scan3A_3 = arith.addi %scan3A_1, %scan3A_2 : i32
    %scan3A_4 = arith.constant 1 : i32
    %scan3A_5 = scf.for %scan3A_75 = %scan3A_1 to %scan3A_3 step %scan3A_4 iter_args(%scan3A_76 = %scan3A) -> (i32)  : i32 {
      %broadcast_in_dim3A = arith.constant 0.000000e+00 : f32
      %broadcast_in_dim3A_77 = vector.broadcast %broadcast_in_dim3A : f32 to vector<16xf32>
      %swap3A = arith.index_cast %scan3A_75 : i32 to index
      %swap3A_78 = arith.constant 0 : index
      %swap3A_79 = tpu.vector_load %arg9[%swap3A, %swap3A_78] {strides = array<i32>} : memref<64x128xf32, #tpu.memory_space<vmem>>, vector<1x16xf32>,
      %swap3A_80 = vector.shape_cast %swap3A_79 : vector<1x16xf32> to vector<16xf32>
      %swap3A_81 = vector.shape_cast %broadcast_in_dim3A_77 : vector<16xf32> to vector<1x16xf32>
      tpu.vector_store %arg9[%swap3A, %swap3A_78], %swap3A_81 {strides = array<i32>} : memref<64x128xf32, #tpu.memory_space<vmem>>, vector<1x16xf32>,
      %broadcast_in_dim3A_82 = arith.constant 0.000000e+00 : f32
      %broadcast_in_dim3A_83 = vector.broadcast %broadcast_in_dim3A_82 : f32 to vector<16xf32>
      %swap3A_84 = arith.index_cast %scan3A_75 : i32 to index
      %swap3A_85 = arith.constant 16 : index
      %swap3A_86 = tpu.vector_load %arg9[%swap3A_84, %swap3A_85] {strides = array<i32>} : memref<64x128xf32, #tpu.memory_space<vmem>>, vector<1x16xf32>,
      %swap3A_87 = vector.shape_cast %swap3A_86 : vector<1x16xf32> to vector<16xf32>
      %swap3A_88 = vector.shape_cast %broadcast_in_dim3A_83 : vector<16xf32> to vector<1x16xf32>
      tpu.vector_store %arg9[%swap3A_84, %swap3A_85], %swap3A_88 {strides = array<i32>} : memref<64x128xf32, #tpu.memory_space<vmem>>, vector<1x16xf32>,
      %broadcast_in_dim3A_89 = arith.constant 0.000000e+00 : f32
      %broadcast_in_dim3A_90 = vector.broadcast %broadcast_in_dim3A_89 : f32 to vector<16xf32>
      %swap3A_91 = arith.index_cast %scan3A_75 : i32 to index
      %swap3A_92 = arith.constant 32 : index
      %swap3A_93 = tpu.vector_load %arg9[%swap3A_91, %swap3A_92] {strides = array<i32>} : memref<64x128xf32, #tpu.memory_space<vmem>>, vector<1x16xf32>,
      %swap3A_94 = vector.shape_cast %swap3A_93 : vector<1x16xf32> to vector<16xf32>
      %swap3A_95 = vector.shape_cast %broadcast_in_dim3A_90 : vector<16xf32> to vector<1x16xf32>
      tpu.vector_store %arg9[%swap3A_91, %swap3A_92], %swap3A_95 {strides = array<i32>} : memref<64x128xf32, #tpu.memory_space<vmem>>, vector<1x16xf32>,
      %broadcast_in_dim3A_96 = arith.constant 0.000000e+00 : f32
      %broadcast_in_dim3A_97 = vector.broadcast %broadcast_in_dim3A_96 : f32 to vector<16xf32>
      %swap3A_98 = arith.index_cast %scan3A_75 : i32 to index
      %swap3A_99 = arith.constant 48 : index
      %swap3A_100 = tpu.vector_load %arg9[%swap3A_98, %swap3A_99] {strides = array<i32>} : memref<64x128xf32, #tpu.memory_space<vmem>>, vector<1x16xf32>,
      %swap3A_101 = vector.shape_cast %swap3A_100 : vector<1x16xf32> to vector<16xf32>
      %swap3A_102 = vector.shape_cast %broadcast_in_dim3A_97 : vector<16xf32> to vector<1x16xf32>
      tpu.vector_store %arg9[%swap3A_98, %swap3A_99], %swap3A_102 {strides = array<i32>} : memref<64x128xf32, #tpu.memory_space<vmem>>, vector<1x16xf32>,
      %broadcast_in_dim3A_103 = arith.constant 0.000000e+00 : f32
      %broadcast_in_dim3A_104 = vector.broadcast %broadcast_in_dim3A_103 : f32 to vector<16xf32>
      %swap3A_105 = arith.index_cast %scan3A_75 : i32 to index
      %swap3A_106 = arith.constant 64 : index
      %swap3A_107 = tpu.vector_load %arg9[%swap3A_105, %swap3A_106] {strides = array<i32>} : memref<64x128xf32, #tpu.memory_space<vmem>>, vector<1x16xf32>,
      %swap3A_108 = vector.shape_cast %swap3A_107 : vector<1x16xf32> to vector<16xf32>
      %swap3A_109 = vector.shape_cast %broadcast_in_dim3A_104 : vector<16xf32> to vector<1x16xf32>
      tpu.vector_store %arg9[%swap3A_105, %swap3A_106], %swap3A_109 {strides = array<i32>} : memref<64x128xf32, #tpu.memory_space<vmem>>, vector<1x16xf32>,
      %broadcast_in_dim3A_110 = arith.constant 0.000000e+00 : f32
      %broadcast_in_dim3A_111 = vector.broadcast %broadcast_in_dim3A_110 : f32 to vector<16xf32>
      %swap3A_112 = arith.index_cast %scan3A_75 : i32 to index
      %swap3A_113 = arith.constant 80 : index
      %swap3A_114 = tpu.vector_load %arg9[%swap3A_112, %swap3A_113] {strides = array<i32>} : memref<64x128xf32, #tpu.memory_space<vmem>>, vector<1x16xf32>,
      %swap3A_115 = vector.shape_cast %swap3A_114 : vector<1x16xf32> to vector<16xf32>
      %swap3A_116 = vector.shape_cast %broadcast_in_dim3A_111 : vector<16xf32> to vector<1x16xf32>
      tpu.vector_store %arg9[%swap3A_112, %swap3A_113], %swap3A_116 {strides = array<i32>} : memref<64x128xf32, #tpu.memory_space<vmem>>, vector<1x16xf32>,
      %broadcast_in_dim3A_117 = arith.constant 0.000000e+00 : f32
      %broadcast_in_dim3A_118 = vector.broadcast %broadcast_in_dim3A_117 : f32 to vector<16xf32>
      %swap3A_119 = arith.index_cast %scan3A_75 : i32 to index
      %swap3A_120 = arith.constant 96 : index
      %swap3A_121 = tpu.vector_load %arg9[%swap3A_119, %swap3A_120] {strides = array<i32>} : memref<64x128xf32, #tpu.memory_space<vmem>>, vector<1x16xf32>,
      %swap3A_122 = vector.shape_cast %swap3A_121 : vector<1x16xf32> to vector<16xf32>
      %swap3A_123 = vector.shape_cast %broadcast_in_dim3A_118 : vector<16xf32> to vector<1x16xf32>
      tpu.vector_store %arg9[%swap3A_119, %swap3A_120], %swap3A_123 {strides = array<i32>} : memref<64x128xf32, #tpu.memory_space<vmem>>, vector<1x16xf32>,
      %broadcast_in_dim3A_124 = arith.constant 0.000000e+00 : f32
      %broadcast_in_dim3A_125 = vector.broadcast %broadcast_in_dim3A_124 : f32 to vector<16xf32>
      %swap3A_126 = arith.index_cast %scan3A_75 : i32 to index
      %swap3A_127 = arith.constant 112 : index
      %swap3A_128 = tpu.vector_load %arg9[%swap3A_126, %swap3A_127] {strides = array<i32>} : memref<64x128xf32, #tpu.memory_space<vmem>>, vector<1x16xf32>,
      %swap3A_129 = vector.shape_cast %swap3A_128 : vector<1x16xf32> to vector<16xf32>
      %swap3A_130 = vector.shape_cast %broadcast_in_dim3A_125 : vector<16xf32> to vector<1x16xf32>
      tpu.vector_store %arg9[%swap3A_126, %swap3A_127], %swap3A_130 {strides = array<i32>} : memref<64x128xf32, #tpu.memory_space<vmem>>, vector<1x16xf32>,
      %scan3A_131 = arith.constant 0 : i32
      scf.yield %scan3A_131 : i32
    }
    %scan3A_6 = arith.constant 64 : i32
    %mul3A_7 = arith.constant 640 : i32
    %mul3A_8 = arith.muli %arg1, %mul3A_7 : i32
    %add3A_9 = arith.constant 0 : i32
    %add3A_10 = arith.addi %mul3A_8, %add3A_9 : i32
    "tpu.region"() ({
      %run_scoped3A = tpu.sem_alloc : memref<!tpu.dma_semaphore, #tpu.memory_space<semaphore_mem>>
      %dma_start3A = arith.constant 0 : i32
      %dma_start3A_75 = tpu.memref_slice %arg10[%add3A_10, %dma_start3A] : memref<10240x128xf32, #tpu.memory_space<vmem_shared>> -> memref<64x128xf32, #tpu.memory_space<vmem_shared>>
      %dma_start3A_76 = arith.constant 0 : i32
      %dma_start3A_77 = tpu.memref_slice %arg10[%add3A_10, %dma_start3A_76] : memref<10240x128xf32, #tpu.memory_space<vmem_shared>> -> memref<64x128xf32, #tpu.memory_space<vmem_shared>>
      tpu.enqueue_dma source(%arg9 : memref<64x128xf32, #tpu.memory_space<vmem>>) target(%dma_start3A_77 : memref<64x128xf32, #tpu.memory_space<vmem_shared>>) target_semaphore(%run_scoped3A : memref<!tpu.dma_semaphore, #tpu.memory_space<semaphore_mem>>)
      %dma_wait3A = arith.constant 0 : i32
      %dma_wait3A_78 = tpu.memref_slice %arg10[%add3A_10, %dma_wait3A] : memref<10240x128xf32, #tpu.memory_space<vmem_shared>> -> memref<64x128xf32, #tpu.memory_space<vmem_shared>>
      %dma_wait3A_79 = arith.constant 0 : i32
      %dma_wait3A_80 = tpu.memref_slice %arg10[%add3A_10, %dma_wait3A_79] : memref<10240x128xf32, #tpu.memory_space<vmem_shared>> -> memref<64x128xf32, #tpu.memory_space<vmem_shared>>
      tpu.wait_dma2 semaphore(%run_scoped3A : memref<!tpu.dma_semaphore, #tpu.memory_space<semaphore_mem>>) src(%arg9 : memref<64x128xf32, #tpu.memory_space<vmem>>) dst(%dma_wait3A_80 : memref<64x128xf32, #tpu.memory_space<vmem_shared>>)
      tpu.yield
    }) : () -> ()
    %mul3A_11 = arith.constant 640 : i32
    %mul3A_12 = arith.muli %arg1, %mul3A_11 : i32
    %add3A_13 = arith.constant 64 : i32
    %add3A_14 = arith.addi %mul3A_12, %add3A_13 : i32
    "tpu.region"() ({
      %run_scoped3A = tpu.sem_alloc : memref<!tpu.dma_semaphore, #tpu.memory_space<semaphore_mem>>
      %dma_start3A = arith.constant 0 : i32
      %dma_start3A_75 = tpu.memref_slice %arg10[%add3A_14, %dma_start3A] : memref<10240x128xf32, #tpu.memory_space<vmem_shared>> -> memref<64x128xf32, #tpu.memory_space<vmem_shared>>
      %dma_start3A_76 = arith.constant 0 : i32
      %dma_start3A_77 = tpu.memref_slice %arg10[%add3A_14, %dma_start3A_76] : memref<10240x128xf32, #tpu.memory_space<vmem_shared>> -> memref<64x128xf32, #tpu.memory_space<vmem_shared>>
      tpu.enqueue_dma source(%arg9 : memref<64x128xf32, #tpu.memory_space<vmem>>) target(%dma_start3A_77 : memref<64x128xf32, #tpu.memory_space<vmem_shared>>) target_semaphore(%run_scoped3A : memref<!tpu.dma_semaphore, #tpu.memory_space<semaphore_mem>>)
      %dma_wait3A = arith.constant 0 : i32
      %dma_wait3A_78 = tpu.memref_slice %arg10[%add3A_14, %dma_wait3A] : memref<10240x128xf32, #tpu.memory_space<vmem_shared>> -> memref<64x128xf32, #tpu.memory_space<vmem_shared>>
      %dma_wait3A_79 = arith.constant 0 : i32
      %dma_wait3A_80 = tpu.memref_slice %arg10[%add3A_14, %dma_wait3A_79] : memref<10240x128xf32, #tpu.memory_space<vmem_shared>> -> memref<64x128xf32, #tpu.memory_space<vmem_shared>>
      tpu.wait_dma2 semaphore(%run_scoped3A : memref<!tpu.dma_semaphore, #tpu.memory_space<semaphore_mem>>) src(%arg9 : memref<64x128xf32, #tpu.memory_space<vmem>>) dst(%dma_wait3A_80 : memref<64x128xf32, #tpu.memory_space<vmem_shared>>)
      tpu.yield
    }) : () -> ()
    %mul3A_15 = arith.constant 640 : i32
    %mul3A_16 = arith.muli %arg1, %mul3A_15 : i32
    %add3A_17 = arith.constant 128 : i32
    %add3A_18 = arith.addi %mul3A_16, %add3A_17 : i32
    "tpu.region"() ({
      %run_scoped3A = tpu.sem_alloc : memref<!tpu.dma_semaphore, #tpu.memory_space<semaphore_mem>>
      %dma_start3A = arith.constant 0 : i32
      %dma_start3A_75 = tpu.memref_slice %arg10[%add3A_18, %dma_start3A] : memref<10240x128xf32, #tpu.memory_space<vmem_shared>> -> memref<64x128xf32, #tpu.memory_space<vmem_shared>>
      %dma_start3A_76 = arith.constant 0 : i32
      %dma_start3A_77 = tpu.memref_slice %arg10[%add3A_18, %dma_start3A_76] : memref<10240x128xf32, #tpu.memory_space<vmem_shared>> -> memref<64x128xf32, #tpu.memory_space<vmem_shared>>
      tpu.enqueue_dma source(%arg9 : memref<64x128xf32, #tpu.memory_space<vmem>>) target(%dma_start3A_77 : memref<64x128xf32, #tpu.memory_space<vmem_shared>>) target_semaphore(%run_scoped3A : memref<!tpu.dma_semaphore, #tpu.memory_space<semaphore_mem>>)
      %dma_wait3A = arith.constant 0 : i32
      %dma_wait3A_78 = tpu.memref_slice %arg10[%add3A_18, %dma_wait3A] : memref<10240x128xf32, #tpu.memory_space<vmem_shared>> -> memref<64x128xf32, #tpu.memory_space<vmem_shared>>
      %dma_wait3A_79 = arith.constant 0 : i32
      %dma_wait3A_80 = tpu.memref_slice %arg10[%add3A_18, %dma_wait3A_79] : memref<10240x128xf32, #tpu.memory_space<vmem_shared>> -> memref<64x128xf32, #tpu.memory_space<vmem_shared>>
      tpu.wait_dma2 semaphore(%run_scoped3A : memref<!tpu.dma_semaphore, #tpu.memory_space<semaphore_mem>>) src(%arg9 : memref<64x128xf32, #tpu.memory_space<vmem>>) dst(%dma_wait3A_80 : memref<64x128xf32, #tpu.memory_space<vmem_shared>>)
      tpu.yield
    }) : () -> ()
    %mul3A_19 = arith.constant 640 : i32
    %mul3A_20 = arith.muli %arg1, %mul3A_19 : i32
    %add3A_21 = arith.constant 192 : i32
    %add3A_22 = arith.addi %mul3A_20, %add3A_21 : i32
    "tpu.region"() ({
      %run_scoped3A = tpu.sem_alloc : memref<!tpu.dma_semaphore, #tpu.memory_space<semaphore_mem>>
      %dma_start3A = arith.constant 0 : i32
      %dma_start3A_75 = tpu.memref_slice %arg10[%add3A_22, %dma_start3A] : memref<10240x128xf32, #tpu.memory_space<vmem_shared>> -> memref<64x128xf32, #tpu.memory_space<vmem_shared>>
      %dma_start3A_76 = arith.constant 0 : i32
      %dma_start3A_77 = tpu.memref_slice %arg10[%add3A_22, %dma_start3A_76] : memref<10240x128xf32, #tpu.memory_space<vmem_shared>> -> memref<64x128xf32, #tpu.memory_space<vmem_shared>>
      tpu.enqueue_dma source(%arg9 : memref<64x128xf32, #tpu.memory_space<vmem>>) target(%dma_start3A_77 : memref<64x128xf32, #tpu.memory_space<vmem_shared>>) target_semaphore(%run_scoped3A : memref<!tpu.dma_semaphore, #tpu.memory_space<semaphore_mem>>)
      %dma_wait3A = arith.constant 0 : i32
      %dma_wait3A_78 = tpu.memref_slice %arg10[%add3A_22, %dma_wait3A] : memref<10240x128xf32, #tpu.memory_space<vmem_shared>> -> memref<64x128xf32, #tpu.memory_space<vmem_shared>>
      %dma_wait3A_79 = arith.constant 0 : i32
      %dma_wait3A_80 = tpu.memref_slice %arg10[%add3A_22, %dma_wait3A_79] : memref<10240x128xf32, #tpu.memory_space<vmem_shared>> -> memref<64x128xf32, #tpu.memory_space<vmem_shared>>
      tpu.wait_dma2 semaphore(%run_scoped3A : memref<!tpu.dma_semaphore, #tpu.memory_space<semaphore_mem>>) src(%arg9 : memref<64x128xf32, #tpu.memory_space<vmem>>) dst(%dma_wait3A_80 : memref<64x128xf32, #tpu.memory_space<vmem_shared>>)
      tpu.yield
    }) : () -> ()
    %mul3A_23 = arith.constant 640 : i32
    %mul3A_24 = arith.muli %arg1, %mul3A_23 : i32
    %add3A_25 = arith.constant 256 : i32
    %add3A_26 = arith.addi %mul3A_24, %add3A_25 : i32
    "tpu.region"() ({
      %run_scoped3A = tpu.sem_alloc : memref<!tpu.dma_semaphore, #tpu.memory_space<semaphore_mem>>
      %dma_start3A = arith.constant 0 : i32
      %dma_start3A_75 = tpu.memref_slice %arg10[%add3A_26, %dma_start3A] : memref<10240x128xf32, #tpu.memory_space<vmem_shared>> -> memref<64x128xf32, #tpu.memory_space<vmem_shared>>
      %dma_start3A_76 = arith.constant 0 : i32
      %dma_start3A_77 = tpu.memref_slice %arg10[%add3A_26, %dma_start3A_76] : memref<10240x128xf32, #tpu.memory_space<vmem_shared>> -> memref<64x128xf32, #tpu.memory_space<vmem_shared>>
      tpu.enqueue_dma source(%arg9 : memref<64x128xf32, #tpu.memory_space<vmem>>) target(%dma_start3A_77 : memref<64x128xf32, #tpu.memory_space<vmem_shared>>) target_semaphore(%run_scoped3A : memref<!tpu.dma_semaphore, #tpu.memory_space<semaphore_mem>>)
      %dma_wait3A = arith.constant 0 : i32
      %dma_wait3A_78 = tpu.memref_slice %arg10[%add3A_26, %dma_wait3A] : memref<10240x128xf32, #tpu.memory_space<vmem_shared>> -> memref<64x128xf32, #tpu.memory_space<vmem_shared>>
      %dma_wait3A_79 = arith.constant 0 : i32
      %dma_wait3A_80 = tpu.memref_slice %arg10[%add3A_26, %dma_wait3A_79] : memref<10240x128xf32, #tpu.memory_space<vmem_shared>> -> memref<64x128xf32, #tpu.memory_space<vmem_shared>>
      tpu.wait_dma2 semaphore(%run_scoped3A : memref<!tpu.dma_semaphore, #tpu.memory_space<semaphore_mem>>) src(%arg9 : memref<64x128xf32, #tpu.memory_space<vmem>>) dst(%dma_wait3A_80 : memref<64x128xf32, #tpu.memory_space<vmem_shared>>)
      tpu.yield
    }) : () -> ()
    %mul3A_27 = arith.constant 640 : i32
    %mul3A_28 = arith.muli %arg1, %mul3A_27 : i32
    %add3A_29 = arith.constant 320 : i32
    %add3A_30 = arith.addi %mul3A_28, %add3A_29 : i32
    "tpu.region"() ({
      %run_scoped3A = tpu.sem_alloc : memref<!tpu.dma_semaphore, #tpu.memory_space<semaphore_mem>>
      %dma_start3A = arith.constant 0 : i32
      %dma_start3A_75 = tpu.memref_slice %arg10[%add3A_30, %dma_start3A] : memref<10240x128xf32, #tpu.memory_space<vmem_shared>> -> memref<64x128xf32, #tpu.memory_space<vmem_shared>>
      %dma_start3A_76 = arith.constant 0 : i32
      %dma_start3A_77 = tpu.memref_slice %arg10[%add3A_30, %dma_start3A_76] : memref<10240x128xf32, #tpu.memory_space<vmem_shared>> -> memref<64x128xf32, #tpu.memory_space<vmem_shared>>
      tpu.enqueue_dma source(%arg9 : memref<64x128xf32, #tpu.memory_space<vmem>>) target(%dma_start3A_77 : memref<64x128xf32, #tpu.memory_space<vmem_shared>>) target_semaphore(%run_scoped3A : memref<!tpu.dma_semaphore, #tpu.memory_space<semaphore_mem>>)
      %dma_wait3A = arith.constant 0 : i32
      %dma_wait3A_78 = tpu.memref_slice %arg10[%add3A_30, %dma_wait3A] : memref<10240x128xf32, #tpu.memory_space<vmem_shared>> -> memref<64x128xf32, #tpu.memory_space<vmem_shared>>
      %dma_wait3A_79 = arith.constant 0 : i32
      %dma_wait3A_80 = tpu.memref_slice %arg10[%add3A_30, %dma_wait3A_79] : memref<10240x128xf32, #tpu.memory_space<vmem_shared>> -> memref<64x128xf32, #tpu.memory_space<vmem_shared>>
      tpu.wait_dma2 semaphore(%run_scoped3A : memref<!tpu.dma_semaphore, #tpu.memory_space<semaphore_mem>>) src(%arg9 : memref<64x128xf32, #tpu.memory_space<vmem>>) dst(%dma_wait3A_80 : memref<64x128xf32, #tpu.memory_space<vmem_shared>>)
      tpu.yield
    }) : () -> ()
    %mul3A_31 = arith.constant 640 : i32
    %mul3A_32 = arith.muli %arg1, %mul3A_31 : i32
    %add3A_33 = arith.constant 384 : i32
    %add3A_34 = arith.addi %mul3A_32, %add3A_33 : i32
    "tpu.region"() ({
      %run_scoped3A = tpu.sem_alloc : memref<!tpu.dma_semaphore, #tpu.memory_space<semaphore_mem>>
      %dma_start3A = arith.constant 0 : i32
      %dma_start3A_75 = tpu.memref_slice %arg10[%add3A_34, %dma_start3A] : memref<10240x128xf32, #tpu.memory_space<vmem_shared>> -> memref<64x128xf32, #tpu.memory_space<vmem_shared>>
      %dma_start3A_76 = arith.constant 0 : i32
      %dma_start3A_77 = tpu.memref_slice %arg10[%add3A_34, %dma_start3A_76] : memref<10240x128xf32, #tpu.memory_space<vmem_shared>> -> memref<64x128xf32, #tpu.memory_space<vmem_shared>>
      tpu.enqueue_dma source(%arg9 : memref<64x128xf32, #tpu.memory_space<vmem>>) target(%dma_start3A_77 : memref<64x128xf32, #tpu.memory_space<vmem_shared>>) target_semaphore(%run_scoped3A : memref<!tpu.dma_semaphore, #tpu.memory_space<semaphore_mem>>)
      %dma_wait3A = arith.constant 0 : i32
      %dma_wait3A_78 = tpu.memref_slice %arg10[%add3A_34, %dma_wait3A] : memref<10240x128xf32, #tpu.memory_space<vmem_shared>> -> memref<64x128xf32, #tpu.memory_space<vmem_shared>>
      %dma_wait3A_79 = arith.constant 0 : i32
      %dma_wait3A_80 = tpu.memref_slice %arg10[%add3A_34, %dma_wait3A_79] : memref<10240x128xf32, #tpu.memory_space<vmem_shared>> -> memref<64x128xf32, #tpu.memory_space<vmem_shared>>
      tpu.wait_dma2 semaphore(%run_scoped3A : memref<!tpu.dma_semaphore, #tpu.memory_space<semaphore_mem>>) src(%arg9 : memref<64x128xf32, #tpu.memory_space<vmem>>) dst(%dma_wait3A_80 : memref<64x128xf32, #tpu.memory_space<vmem_shared>>)
      tpu.yield
    }) : () -> ()
    %mul3A_35 = arith.constant 640 : i32
    %mul3A_36 = arith.muli %arg1, %mul3A_35 : i32
    %add3A_37 = arith.constant 448 : i32
    %add3A_38 = arith.addi %mul3A_36, %add3A_37 : i32
    "tpu.region"() ({
      %run_scoped3A = tpu.sem_alloc : memref<!tpu.dma_semaphore, #tpu.memory_space<semaphore_mem>>
      %dma_start3A = arith.constant 0 : i32
      %dma_start3A_75 = tpu.memref_slice %arg10[%add3A_38, %dma_start3A] : memref<10240x128xf32, #tpu.memory_space<vmem_shared>> -> memref<64x128xf32, #tpu.memory_space<vmem_shared>>
      %dma_start3A_76 = arith.constant 0 : i32
      %dma_start3A_77 = tpu.memref_slice %arg10[%add3A_38, %dma_start3A_76] : memref<10240x128xf32, #tpu.memory_space<vmem_shared>> -> memref<64x128xf32, #tpu.memory_space<vmem_shared>>
      tpu.enqueue_dma source(%arg9 : memref<64x128xf32, #tpu.memory_space<vmem>>) target(%dma_start3A_77 : memref<64x128xf32, #tpu.memory_space<vmem_shared>>) target_semaphore(%run_scoped3A : memref<!tpu.dma_semaphore, #tpu.memory_space<semaphore_mem>>)
      %dma_wait3A = arith.constant 0 : i32
      %dma_wait3A_78 = tpu.memref_slice %arg10[%add3A_38, %dma_wait3A] : memref<10240x128xf32, #tpu.memory_space<vmem_shared>> -> memref<64x128xf32, #tpu.memory_space<vmem_shared>>
      %dma_wait3A_79 = arith.constant 0 : i32
      %dma_wait3A_80 = tpu.memref_slice %arg10[%add3A_38, %dma_wait3A_79] : memref<10240x128xf32, #tpu.memory_space<vmem_shared>> -> memref<64x128xf32, #tpu.memory_space<vmem_shared>>
      tpu.wait_dma2 semaphore(%run_scoped3A : memref<!tpu.dma_semaphore, #tpu.memory_space<semaphore_mem>>) src(%arg9 : memref<64x128xf32, #tpu.memory_space<vmem>>) dst(%dma_wait3A_80 : memref<64x128xf32, #tpu.memory_space<vmem_shared>>)
      tpu.yield
    }) : () -> ()
    %mul3A_39 = arith.constant 640 : i32
    %mul3A_40 = arith.muli %arg1, %mul3A_39 : i32
    %add3A_41 = arith.constant 512 : i32
    %add3A_42 = arith.addi %mul3A_40, %add3A_41 : i32
    "tpu.region"() ({
      %run_scoped3A = tpu.sem_alloc : memref<!tpu.dma_semaphore, #tpu.memory_space<semaphore_mem>>
      %dma_start3A = arith.constant 0 : i32
      %dma_start3A_75 = tpu.memref_slice %arg10[%add3A_42, %dma_start3A] : memref<10240x128xf32, #tpu.memory_space<vmem_shared>> -> memref<64x128xf32, #tpu.memory_space<vmem_shared>>
      %dma_start3A_76 = arith.constant 0 : i32
      %dma_start3A_77 = tpu.memref_slice %arg10[%add3A_42, %dma_start3A_76] : memref<10240x128xf32, #tpu.memory_space<vmem_shared>> -> memref<64x128xf32, #tpu.memory_space<vmem_shared>>
      tpu.enqueue_dma source(%arg9 : memref<64x128xf32, #tpu.memory_space<vmem>>) target(%dma_start3A_77 : memref<64x128xf32, #tpu.memory_space<vmem_shared>>) target_semaphore(%run_scoped3A : memref<!tpu.dma_semaphore, #tpu.memory_space<semaphore_mem>>)
      %dma_wait3A = arith.constant 0 : i32
      %dma_wait3A_78 = tpu.memref_slice %arg10[%add3A_42, %dma_wait3A] : memref<10240x128xf32, #tpu.memory_space<vmem_shared>> -> memref<64x128xf32, #tpu.memory_space<vmem_shared>>
      %dma_wait3A_79 = arith.constant 0 : i32
      %dma_wait3A_80 = tpu.memref_slice %arg10[%add3A_42, %dma_wait3A_79] : memref<10240x128xf32, #tpu.memory_space<vmem_shared>> -> memref<64x128xf32, #tpu.memory_space<vmem_shared>>
      tpu.wait_dma2 semaphore(%run_scoped3A : memref<!tpu.dma_semaphore, #tpu.memory_space<semaphore_mem>>) src(%arg9 : memref<64x128xf32, #tpu.memory_space<vmem>>) dst(%dma_wait3A_80 : memref<64x128xf32, #tpu.memory_space<vmem_shared>>)
      tpu.yield
    }) : () -> ()
    %mul3A_43 = arith.constant 640 : i32
    %mul3A_44 = arith.muli %arg1, %mul3A_43 : i32
    %add3A_45 = arith.constant 576 : i32
    %add3A_46 = arith.addi %mul3A_44, %add3A_45 : i32
    "tpu.region"() ({
      %run_scoped3A = tpu.sem_alloc : memref<!tpu.dma_semaphore, #tpu.memory_space<semaphore_mem>>
      %dma_start3A = arith.constant 0 : i32
      %dma_start3A_75 = tpu.memref_slice %arg10[%add3A_46, %dma_start3A] : memref<10240x128xf32, #tpu.memory_space<vmem_shared>> -> memref<64x128xf32, #tpu.memory_space<vmem_shared>>
      %dma_start3A_76 = arith.constant 0 : i32
      %dma_start3A_77 = tpu.memref_slice %arg10[%add3A_46, %dma_start3A_76] : memref<10240x128xf32, #tpu.memory_space<vmem_shared>> -> memref<64x128xf32, #tpu.memory_space<vmem_shared>>
      tpu.enqueue_dma source(%arg9 : memref<64x128xf32, #tpu.memory_space<vmem>>) target(%dma_start3A_77 : memref<64x128xf32, #tpu.memory_space<vmem_shared>>) target_semaphore(%run_scoped3A : memref<!tpu.dma_semaphore, #tpu.memory_space<semaphore_mem>>)
      %dma_wait3A = arith.constant 0 : i32
      %dma_wait3A_78 = tpu.memref_slice %arg10[%add3A_46, %dma_wait3A] : memref<10240x128xf32, #tpu.memory_space<vmem_shared>> -> memref<64x128xf32, #tpu.memory_space<vmem_shared>>
      %dma_wait3A_79 = arith.constant 0 : i32
      %dma_wait3A_80 = tpu.memref_slice %arg10[%add3A_46, %dma_wait3A_79] : memref<10240x128xf32, #tpu.memory_space<vmem_shared>> -> memref<64x128xf32, #tpu.memory_space<vmem_shared>>
      tpu.wait_dma2 semaphore(%run_scoped3A : memref<!tpu.dma_semaphore, #tpu.memory_space<semaphore_mem>>) src(%arg9 : memref<64x128xf32, #tpu.memory_space<vmem>>) dst(%dma_wait3A_80 : memref<64x128xf32, #tpu.memory_space<vmem_shared>>)
      tpu.yield
    }) : () -> ()
    %barrier3A = arith.constant 0 : index
    tpu.barrier barrier_id(%barrier3A)
    %min3A = arith.constant 24 : i32
    %min3A_47 = arith.minsi %add3A, %min3A : i32
    %mul3A_48 = arith.constant 10240 : i32
    %mul3A_49 = arith.muli %min3A_47, %mul3A_48 : i32
    %sub3A = arith.constant 24 : i32
    %sub3A_50 = arith.subi %add3A, %sub3A : i32
    %max3A = arith.constant 0 : i32
    %max3A_51 = arith.maxsi %sub3A_50, %max3A : i32
    %mul3A_52 = arith.constant 9216 : i32
    %mul3A_53 = arith.muli %max3A_51, %mul3A_52 : i32
    %add3A_54 = arith.addi %mul3A_49, %mul3A_53 : i32
    %iota3A = tpu.iota {dimensions = array<i32: 0>} : vector<16xi32>
    %lt3A = arith.constant 24 : i32
    %lt3A_55 = arith.cmpi slt, %add3A, %lt3A : i32
    %jit3A = arith.constant 10 : i32
    %jit3A_56 = arith.constant 9 : i32
    %select_n3A = arith.select %lt3A_55, %jit3A, %jit3A_56 : i32
    %while3A = arith.constant 0 : i32
    %while3A_57 = arith.constant 0 : i32
    %while3A_58 = arith.subi %select_n3A, %while3A : i32
    %while3A_59 = arith.addi %while3A, %while3A_58 : i32
    %while3A_60 = arith.constant 1 : i32
    %while3A_61 = arith.divsi %while3A_58, %while3A_60 : i32
    %while3A_62 = arith.muli %while3A_61, %while3A_60 : i32
    %while3A_63 = arith.addi %while3A, %while3A_62 : i32
    %while3A_64 = arith.constant 1 : i32
    %while3A_65 = scf.for %while3A_75 = %while3A to %while3A_63 step %while3A_64 iter_args(%while3A_76 = %while3A_57) -> (i32)  : i32 {
      %mul3A_77 = arith.constant 1024 : i32
      %mul3A_78 = arith.muli %while3A_75, %mul3A_77 : i32
      %add3A_79 = arith.addi %add3A_54, %mul3A_78 : i32
      "tpu.region"() ({
        %run_scoped3A_205 = tpu.sem_alloc : memref<!tpu.dma_semaphore, #tpu.memory_space<semaphore_mem>>
        %dma_start3A_206 = arith.constant 0 : i32
        %dma_start3A_207 = tpu.memref_slice %arg2[%dma_start3A_206, %add3A_79] : memref<2x320000xi32, #tpu.memory_space<hbm>> -> memref<2x1024xi32, #tpu.memory_space<hbm>>
        %dma_start3A_208 = arith.constant 0 : i32
        %dma_start3A_209 = tpu.memref_slice %arg2[%dma_start3A_208, %add3A_79] : memref<2x320000xi32, #tpu.memory_space<hbm>> -> memref<2x1024xi32, #tpu.memory_space<hbm>>
        tpu.enqueue_dma source(%dma_start3A_209 : memref<2x1024xi32, #tpu.memory_space<hbm>>) target(%arg5 : memref<2x1024xi32, #tpu.memory_space<vmem>>) target_semaphore(%run_scoped3A_205 : memref<!tpu.dma_semaphore, #tpu.memory_space<semaphore_mem>>)
        %dma_wait3A_210 = arith.constant 0 : i32
        %dma_wait3A_211 = tpu.memref_slice %arg2[%dma_wait3A_210, %add3A_79] : memref<2x320000xi32, #tpu.memory_space<hbm>> -> memref<2x1024xi32, #tpu.memory_space<hbm>>
        %dma_wait3A_212 = arith.constant 0 : i32
        %dma_wait3A_213 = tpu.memref_slice %arg2[%dma_wait3A_212, %add3A_79] : memref<2x320000xi32, #tpu.memory_space<hbm>> -> memref<2x1024xi32, #tpu.memory_space<hbm>>
        tpu.wait_dma2 semaphore(%run_scoped3A_205 : memref<!tpu.dma_semaphore, #tpu.memory_space<semaphore_mem>>) src(%dma_wait3A_213 : memref<2x1024xi32, #tpu.memory_space<hbm>>) dst(%arg5 : memref<2x1024xi32, #tpu.memory_space<vmem>>)
        tpu.yield
      }) : () -> ()
      %scan3A_80 = arith.constant 0 : i32
      %scan3A_81 = arith.constant 0 : i32
      %scan3A_82 = arith.constant 64 : i32
      %scan3A_83 = arith.addi %scan3A_81, %scan3A_82 : i32
      %scan3A_84 = arith.constant 1 : i32
      %scan3A_85 = scf.for %scan3A_205 = %scan3A_81 to %scan3A_83 step %scan3A_84 iter_args(%scan3A_206 = %scan3A_80) -> (i32)  : i32 {
        %jit3A_207 = arith.constant 8 : i32
        %div3A = arith.divsi %scan3A_205, %jit3A_207 : i32
        %sign3A = arith.constant 0 : i32
        %sign3A_208 = arith.cmpi sgt, %scan3A_205, %sign3A : i32
        %sign3A_209 = arith.extui %sign3A_208 : i1 to i32
        %sign3A_210 = arith.constant 0 : i32
        %sign3A_211 = arith.cmpi slt, %scan3A_205, %sign3A_210 : i32
        %sign3A_212 = arith.extui %sign3A_211 : i1 to i32
        %sign3A_213 = arith.subi %sign3A_209, %sign3A_212 : i32
        %sign3A_214 = arith.constant 0 : i32
        %sign3A_215 = arith.cmpi sgt, %jit3A_207, %sign3A_214 : i32
        %sign3A_216 = arith.extui %sign3A_215 : i1 to i32
        %sign3A_217 = arith.constant 0 : i32
        %sign3A_218 = arith.cmpi slt, %jit3A_207, %sign3A_217 : i32
        %sign3A_219 = arith.extui %sign3A_218 : i1 to i32
        %sign3A_220 = arith.subi %sign3A_216, %sign3A_219 : i32
        %ne3A = arith.cmpi ne, %sign3A_213, %sign3A_220 : i32
        %rem3A = arith.remsi %scan3A_205, %jit3A_207 : i32
        %ne3A_221 = arith.constant 0 : i32
        %ne3A_222 = arith.cmpi ne, %rem3A, %ne3A_221 : i32
        %and3A = arith.andi %ne3A, %ne3A_222 : i1
        %sub3A_223 = arith.constant 1 : i32
        %sub3A_224 = arith.subi %div3A, %sub3A_223 : i32
        %select_n3A_225 = arith.select %and3A, %sub3A_224, %div3A : i32
        %jit3A_226 = arith.constant 8 : i32
        %eq3A_227 = arith.constant 0 : i32
        %eq3A_228 = arith.cmpi eq, %jit3A_226, %eq3A_227 : i32
        %jit3A_229 = arith.constant 1 : i32
        %select_n3A_230 = arith.select %eq3A_228, %jit3A_229, %jit3A_226 : i32
        %rem3A_231 = arith.remsi %scan3A_205, %select_n3A_230 : i32
        %ne3A_232 = arith.constant 0 : i32
        %ne3A_233 = arith.cmpi ne, %rem3A_231, %ne3A_232 : i32
        %lt3A_234 = arith.constant 0 : i32
        %lt3A_235 = arith.cmpi slt, %rem3A_231, %lt3A_234 : i32
        %lt3A_236 = arith.constant 0 : i32
        %lt3A_237 = arith.cmpi slt, %select_n3A_230, %lt3A_236 : i32
        %ne3A_238 = arith.xori %lt3A_235, %lt3A_237 : i1
        %and3A_239 = arith.andi %ne3A_238, %ne3A_233 : i1
        %add3A_240 = arith.addi %rem3A_231, %select_n3A_230 : i32
        %select_n3A_241 = arith.select %and3A_239, %add3A_240, %rem3A_231 : i32
        %mul3A_242 = arith.constant 128 : i32
        %mul3A_243 = arith.muli %select_n3A_225, %mul3A_242 : i32
        %mul3A_244 = arith.constant 16 : i32
        %mul3A_245 = arith.muli %select_n3A_241, %mul3A_244 : i32
        %add3A_246 = arith.addi %mul3A_243, %mul3A_245 : i32
        %get3A = arith.constant 0 : i32
        %get3A_247 = arith.index_cast %get3A : i32 to index
        %get3A_248 = arith.index_cast %add3A_246 : i32 to index
        %get3A_249 = tpu.vector_load %arg5[%get3A_247, %get3A_248] {strides = array<i32>} : memref<2x1024xi32, #tpu.memory_space<vmem>>, vector<1x16xi32>,
        %get3A_250 = vector.shape_cast %get3A_249 : vector<1x16xi32> to vector<16xi32>
        %get3A_251 = arith.constant 1 : i32
        %get3A_252 = arith.index_cast %get3A_251 : i32 to index
        %get3A_253 = arith.index_cast %add3A_246 : i32 to index
        %get3A_254 = tpu.vector_load %arg5[%get3A_252, %get3A_253] {strides = array<i32>} : memref<2x1024xi32, #tpu.memory_space<vmem>>, vector<1x16xi32>,
        %get3A_255 = vector.shape_cast %get3A_254 : vector<1x16xi32> to vector<16xi32>
        %add3A_256 = arith.addi %scan3A_205, %while3A_75 : i32
        %jit3A_257 = arith.constant 15 : i32
        %eq3A_258 = arith.constant 0 : i32
        %eq3A_259 = arith.cmpi eq, %jit3A_257, %eq3A_258 : i32
        %jit3A_260 = arith.constant 1 : i32
        %select_n3A_261 = arith.select %eq3A_259, %jit3A_260, %jit3A_257 : i32
        %rem3A_262 = arith.remsi %add3A_256, %select_n3A_261 : i32
        %ne3A_263 = arith.constant 0 : i32
        %ne3A_264 = arith.cmpi ne, %rem3A_262, %ne3A_263 : i32
        %lt3A_265 = arith.constant 0 : i32
        %lt3A_266 = arith.cmpi slt, %rem3A_262, %lt3A_265 : i32
        %lt3A_267 = arith.constant 0 : i32
        %lt3A_268 = arith.cmpi slt, %select_n3A_261, %lt3A_267 : i32
        %ne3A_269 = arith.xori %lt3A_266, %lt3A_268 : i1
        %and3A_270 = arith.andi %ne3A_269, %ne3A_264 : i1
        %add3A_271 = arith.addi %rem3A_262, %select_n3A_261 : i32
        %select_n3A_272 = arith.select %and3A_270, %add3A_271, %rem3A_262 : i32
        %mul3A_273 = arith.constant 16 : i32
        %mul3A_274 = arith.muli %select_n3A_272, %mul3A_273 : i32
        %add3A_275 = arith.constant 10000 : i32
        %add3A_276 = arith.addi %add3A_275, %mul3A_274 : i32
        %add3A_277 = vector.broadcast %add3A_276 : i32 to vector<16xi32>
        %add3A_278 = arith.addi %add3A_277, %iota3A : vector<16xi32>
        %eq3A_279 = arith.cmpi eq, %get3A_250, %get3A_255 : vector<16xi32>
        %select_n3A_280 = arith.select %eq3A_279, %add3A_278, %get3A_255 : vector<16xi1>, vector<16xi32>
        %mul3A_281 = arith.constant 16 : i32
        %mul3A_282 = arith.muli %select_n3A_241, %mul3A_281 : i32
        %swap3A = arith.index_cast %select_n3A_225 : i32 to index
        %swap3A_283 = arith.index_cast %mul3A_282 : i32 to index
        %swap3A_284 = tpu.vector_load %arg6[%swap3A, %swap3A_283] {strides = array<i32>} : memref<8x128xi32, #tpu.memory_space<vmem>>, vector<1x16xi32>,
        %swap3A_285 = vector.shape_cast %swap3A_284 : vector<1x16xi32> to vector<16xi32>
        %swap3A_286 = vector.shape_cast %select_n3A_280 : vector<16xi32> to vector<1x16xi32>
        tpu.vector_store %arg6[%swap3A, %swap3A_283], %swap3A_286 {strides = array<i32>} : memref<8x128xi32, #tpu.memory_space<vmem>>, vector<1x16xi32>,
        %scan3A_287 = arith.constant 0 : i32
        scf.yield %scan3A_287 : i32
      }
      %scan3A_86 = arith.constant 64 : i32
      %dma_start3A = arith.constant 0 : i32
      %dma_start3A_87 = arith.constant 0 : i32
      %dma_start3A_88 = tpu.memref_slice %arg5[%dma_start3A, %dma_start3A_87] : memref<2x1024xi32, #tpu.memory_space<vmem>> -> memref<1x128xi32, #tpu.memory_space<vmem>>
      %dma_start3A_89 = tpu.memref_squeeze %dma_start3A_88 : memref<1x128xi32, #tpu.memory_space<vmem>> -> memref<128xi32, #tpu.memory_space<vmem>>
      %dma_start3A_90 = arith.constant 0 : i32
      %dma_start3A_91 = arith.constant 0 : i32
      %dma_start3A_92 = tpu.memref_slice %arg3[%dma_start3A_90, %dma_start3A_91] : memref<10240x128xf32, #tpu.memory_space<hbm>> -> memref<10240x128xf32, #tpu.memory_space<hbm>>
      tpu.enqueue_indirect_dma source(%dma_start3A_92 : memref<10240x128xf32, #tpu.memory_space<hbm>>) target(%arg7 : memref<128x128xf32, #tpu.memory_space<vmem>>) offsets(%dma_start3A_89 : memref<128xi32, #tpu.memory_space<vmem>>) semaphore(%arg11 : memref<!tpu.dma_semaphore, #tpu.memory_space<semaphore_mem>>)
      %dma_start3A_93 = arith.constant 0 : i32
      %dma_start3A_94 = arith.constant 128 : i32
      %dma_start3A_95 = tpu.memref_slice %arg5[%dma_start3A_93, %dma_start3A_94] : memref<2x1024xi32, #tpu.memory_space<vmem>> -> memref<1x128xi32, #tpu.memory_space<vmem>>
      %dma_start3A_96 = tpu.memref_squeeze %dma_start3A_95 : memref<1x128xi32, #tpu.memory_space<vmem>> -> memref<128xi32, #tpu.memory_space<vmem>>
      %dma_start3A_97 = arith.constant 0 : i32
      %dma_start3A_98 = arith.constant 0 : i32
      %dma_start3A_99 = tpu.memref_slice %arg3[%dma_start3A_97, %dma_start3A_98] : memref<10240x128xf32, #tpu.memory_space<hbm>> -> memref<10240x128xf32, #tpu.memory_space<hbm>>
      tpu.enqueue_indirect_dma source(%dma_start3A_99 : memref<10240x128xf32, #tpu.memory_space<hbm>>) target(%arg8 : memref<128x128xf32, #tpu.memory_space<vmem>>) offsets(%dma_start3A_96 : memref<128xi32, #tpu.memory_space<vmem>>) semaphore(%arg12 : memref<!tpu.dma_semaphore, #tpu.memory_space<semaphore_mem>>)
      %dma_wait3A = arith.constant 0 : i32
      %dma_wait3A_100 = arith.constant 0 : i32
      %dma_wait3A_101 = tpu.memref_slice %arg5[%dma_wait3A, %dma_wait3A_100] : memref<2x1024xi32, #tpu.memory_space<vmem>> -> memref<1x128xi32, #tpu.memory_space<vmem>>
      %dma_wait3A_102 = tpu.memref_squeeze %dma_wait3A_101 : memref<1x128xi32, #tpu.memory_space<vmem>> -> memref<128xi32, #tpu.memory_space<vmem>>
      %dma_wait3A_103 = arith.constant 0 : i32
      %dma_wait3A_104 = arith.constant 0 : i32
      %dma_wait3A_105 = tpu.memref_slice %arg3[%dma_wait3A_103, %dma_wait3A_104] : memref<10240x128xf32, #tpu.memory_space<hbm>> -> memref<10240x128xf32, #tpu.memory_space<hbm>>
      tpu.wait_indirect_dma semaphore(%arg11 : memref<!tpu.dma_semaphore, #tpu.memory_space<semaphore_mem>>) src(%dma_wait3A_105 : memref<10240x128xf32, #tpu.memory_space<hbm>>) dst(%arg7 : memref<128x128xf32, #tpu.memory_space<vmem>>)
      %run_scoped3A = arith.constant 0 : i32
      "tpu.region"() ({
        %run_scoped3A_205 = tpu.sem_alloc : memref<!tpu.dma_semaphore, #tpu.memory_space<semaphore_mem>>
        %dma_start3A_206 = arith.constant 0 : i32
        %dma_start3A_207 = tpu.memref_slice %arg6[%run_scoped3A, %dma_start3A_206] : memref<8x128xi32, #tpu.memory_space<vmem>> -> memref<1x128xi32, #tpu.memory_space<vmem>>
        %dma_start3A_208 = tpu.memref_squeeze %dma_start3A_207 : memref<1x128xi32, #tpu.memory_space<vmem>> -> memref<128xi32, #tpu.memory_space<vmem>>
        %dma_start3A_209 = arith.constant 0 : i32
        %dma_start3A_210 = arith.constant 0 : i32
        %dma_start3A_211 = tpu.memref_slice %arg10[%dma_start3A_209, %dma_start3A_210] : memref<10240x128xf32, #tpu.memory_space<vmem_shared>> -> memref<10240x128xf32, #tpu.memory_space<vmem_shared>>
        tpu.enqueue_indirect_dma source(%arg7 : memref<128x128xf32, #tpu.memory_space<vmem>>) target(%dma_start3A_211 : memref<10240x128xf32, #tpu.memory_space<vmem_shared>>) offsets(%dma_start3A_208 : memref<128xi32, #tpu.memory_space<vmem>>) semaphore(%run_scoped3A_205 : memref<!tpu.dma_semaphore, #tpu.memory_space<semaphore_mem>>) {add = true}
        %dma_wait3A_212 = arith.constant 0 : i32
        %dma_wait3A_213 = tpu.memref_slice %arg6[%run_scoped3A, %dma_wait3A_212] : memref<8x128xi32, #tpu.memory_space<vmem>> -> memref<1x128xi32, #tpu.memory_space<vmem>>
        %dma_wait3A_214 = tpu.memref_squeeze %dma_wait3A_213 : memref<1x128xi32, #tpu.memory_space<vmem>> -> memref<128xi32, #tpu.memory_space<vmem>>
        %dma_wait3A_215 = arith.constant 0 : i32
        %dma_wait3A_216 = arith.constant 0 : i32
        %dma_wait3A_217 = tpu.memref_slice %arg10[%dma_wait3A_215, %dma_wait3A_216] : memref<10240x128xf32, #tpu.memory_space<vmem_shared>> -> memref<10240x128xf32, #tpu.memory_space<vmem_shared>>
        tpu.wait_indirect_dma semaphore(%run_scoped3A_205 : memref<!tpu.dma_semaphore, #tpu.memory_space<semaphore_mem>>) src(%arg7 : memref<128x128xf32, #tpu.memory_space<vmem>>) dst(%dma_wait3A_217 : memref<10240x128xf32, #tpu.memory_space<vmem_shared>>)
        tpu.yield
      }) : () -> ()
      %dma_start3A_106 = arith.constant 0 : i32
      %dma_start3A_107 = arith.constant 256 : i32
      %dma_start3A_108 = tpu.memref_slice %arg5[%dma_start3A_106, %dma_start3A_107] : memref<2x1024xi32, #tpu.memory_space<vmem>> -> memref<1x128xi32, #tpu.memory_space<vmem>>
      %dma_start3A_109 = tpu.memref_squeeze %dma_start3A_108 : memref<1x128xi32, #tpu.memory_space<vmem>> -> memref<128xi32, #tpu.memory_space<vmem>>
      %dma_start3A_110 = arith.constant 0 : i32
      %dma_start3A_111 = arith.constant 0 : i32
      %dma_start3A_112 = tpu.memref_slice %arg3[%dma_start3A_110, %dma_start3A_111] : memref<10240x128xf32, #tpu.memory_space<hbm>> -> memref<10240x128xf32, #tpu.memory_space<hbm>>
      tpu.enqueue_indirect_dma source(%dma_start3A_112 : memref<10240x128xf32, #tpu.memory_space<hbm>>) target(%arg7 : memref<128x128xf32, #tpu.memory_space<vmem>>) offsets(%dma_start3A_109 : memref<128xi32, #tpu.memory_space<vmem>>) semaphore(%arg11 : memref<!tpu.dma_semaphore, #tpu.memory_space<semaphore_mem>>)
      %dma_wait3A_113 = arith.constant 0 : i32
      %dma_wait3A_114 = arith.constant 128 : i32
      %dma_wait3A_115 = tpu.memref_slice %arg5[%dma_wait3A_113, %dma_wait3A_114] : memref<2x1024xi32, #tpu.memory_space<vmem>> -> memref<1x128xi32, #tpu.memory_space<vmem>>
      %dma_wait3A_116 = tpu.memref_squeeze %dma_wait3A_115 : memref<1x128xi32, #tpu.memory_space<vmem>> -> memref<128xi32, #tpu.memory_space<vmem>>
      %dma_wait3A_117 = arith.constant 0 : i32
      %dma_wait3A_118 = arith.constant 0 : i32
      %dma_wait3A_119 = tpu.memref_slice %arg3[%dma_wait3A_117, %dma_wait3A_118] : memref<10240x128xf32, #tpu.memory_space<hbm>> -> memref<10240x128xf32, #tpu.memory_space<hbm>>
      tpu.wait_indirect_dma semaphore(%arg12 : memref<!tpu.dma_semaphore, #tpu.memory_space<semaphore_mem>>) src(%dma_wait3A_119 : memref<10240x128xf32, #tpu.memory_space<hbm>>) dst(%arg8 : memref<128x128xf32, #tpu.memory_space<vmem>>)
      %run_scoped3A_120 = arith.constant 1 : i32
      "tpu.region"() ({
        %run_scoped3A_205 = tpu.sem_alloc : memref<!tpu.dma_semaphore, #tpu.memory_space<semaphore_mem>>
        %dma_start3A_206 = arith.constant 0 : i32
        %dma_start3A_207 = tpu.memref_slice %arg6[%run_scoped3A_120, %dma_start3A_206] : memref<8x128xi32, #tpu.memory_space<vmem>> -> memref<1x128xi32, #tpu.memory_space<vmem>>
        %dma_start3A_208 = tpu.memref_squeeze %dma_start3A_207 : memref<1x128xi32, #tpu.memory_space<vmem>> -> memref<128xi32, #tpu.memory_space<vmem>>
        %dma_start3A_209 = arith.constant 0 : i32
        %dma_start3A_210 = arith.constant 0 : i32
        %dma_start3A_211 = tpu.memref_slice %arg10[%dma_start3A_209, %dma_start3A_210] : memref<10240x128xf32, #tpu.memory_space<vmem_shared>> -> memref<10240x128xf32, #tpu.memory_space<vmem_shared>>
        tpu.enqueue_indirect_dma source(%arg8 : memref<128x128xf32, #tpu.memory_space<vmem>>) target(%dma_start3A_211 : memref<10240x128xf32, #tpu.memory_space<vmem_shared>>) offsets(%dma_start3A_208 : memref<128xi32, #tpu.memory_space<vmem>>) semaphore(%run_scoped3A_205 : memref<!tpu.dma_semaphore, #tpu.memory_space<semaphore_mem>>) {add = true}
        %dma_wait3A_212 = arith.constant 0 : i32
        %dma_wait3A_213 = tpu.memref_slice %arg6[%run_scoped3A_120, %dma_wait3A_212] : memref<8x128xi32, #tpu.memory_space<vmem>> -> memref<1x128xi32, #tpu.memory_space<vmem>>
        %dma_wait3A_214 = tpu.memref_squeeze %dma_wait3A_213 : memref<1x128xi32, #tpu.memory_space<vmem>> -> memref<128xi32, #tpu.memory_space<vmem>>
        %dma_wait3A_215 = arith.constant 0 : i32
        %dma_wait3A_216 = arith.constant 0 : i32
        %dma_wait3A_217 = tpu.memref_slice %arg10[%dma_wait3A_215, %dma_wait3A_216] : memref<10240x128xf32, #tpu.memory_space<vmem_shared>> -> memref<10240x128xf32, #tpu.memory_space<vmem_shared>>
        tpu.wait_indirect_dma semaphore(%run_scoped3A_205 : memref<!tpu.dma_semaphore, #tpu.memory_space<semaphore_mem>>) src(%arg8 : memref<128x128xf32, #tpu.memory_space<vmem>>) dst(%dma_wait3A_217 : memref<10240x128xf32, #tpu.memory_space<vmem_shared>>)
        tpu.yield
      }) : () -> ()
      %dma_start3A_121 = arith.constant 0 : i32
      %dma_start3A_122 = arith.constant 384 : i32
      %dma_start3A_123 = tpu.memref_slice %arg5[%dma_start3A_121, %dma_start3A_122] : memref<2x1024xi32, #tpu.memory_space<vmem>> -> memref<1x128xi32, #tpu.memory_space<vmem>>
      %dma_start3A_124 = tpu.memref_squeeze %dma_start3A_123 : memref<1x128xi32, #tpu.memory_space<vmem>> -> memref<128xi32, #tpu.memory_space<vmem>>
      %dma_start3A_125 = arith.constant 0 : i32
      %dma_start3A_126 = arith.constant 0 : i32
      %dma_start3A_127 = tpu.memref_slice %arg3[%dma_start3A_125, %dma_start3A_126] : memref<10240x128xf32, #tpu.memory_space<hbm>> -> memref<10240x128xf32, #tpu.memory_space<hbm>>
      tpu.enqueue_indirect_dma source(%dma_start3A_127 : memref<10240x128xf32, #tpu.memory_space<hbm>>) target(%arg8 : memref<128x128xf32, #tpu.memory_space<vmem>>) offsets(%dma_start3A_124 : memref<128xi32, #tpu.memory_space<vmem>>) semaphore(%arg12 : memref<!tpu.dma_semaphore, #tpu.memory_space<semaphore_mem>>)
      %dma_wait3A_128 = arith.constant 0 : i32
      %dma_wait3A_129 = arith.constant 256 : i32
      %dma_wait3A_130 = tpu.memref_slice %arg5[%dma_wait3A_128, %dma_wait3A_129] : memref<2x1024xi32, #tpu.memory_space<vmem>> -> memref<1x128xi32, #tpu.memory_space<vmem>>
      %dma_wait3A_131 = tpu.memref_squeeze %dma_wait3A_130 : memref<1x128xi32, #tpu.memory_space<vmem>> -> memref<128xi32, #tpu.memory_space<vmem>>
      %dma_wait3A_132 = arith.constant 0 : i32
      %dma_wait3A_133 = arith.constant 0 : i32
      %dma_wait3A_134 = tpu.memref_slice %arg3[%dma_wait3A_132, %dma_wait3A_133] : memref<10240x128xf32, #tpu.memory_space<hbm>> -> memref<10240x128xf32, #tpu.memory_space<hbm>>
      tpu.wait_indirect_dma semaphore(%arg11 : memref<!tpu.dma_semaphore, #tpu.memory_space<semaphore_mem>>) src(%dma_wait3A_134 : memref<10240x128xf32, #tpu.memory_space<hbm>>) dst(%arg7 : memref<128x128xf32, #tpu.memory_space<vmem>>)
      %run_scoped3A_135 = arith.constant 2 : i32
      "tpu.region"() ({
        %run_scoped3A_205 = tpu.sem_alloc : memref<!tpu.dma_semaphore, #tpu.memory_space<semaphore_mem>>
        %dma_start3A_206 = arith.constant 0 : i32
        %dma_start3A_207 = tpu.memref_slice %arg6[%run_scoped3A_135, %dma_start3A_206] : memref<8x128xi32, #tpu.memory_space<vmem>> -> memref<1x128xi32, #tpu.memory_space<vmem>>
        %dma_start3A_208 = tpu.memref_squeeze %dma_start3A_207 : memref<1x128xi32, #tpu.memory_space<vmem>> -> memref<128xi32, #tpu.memory_space<vmem>>
        %dma_start3A_209 = arith.constant 0 : i32
        %dma_start3A_210 = arith.constant 0 : i32
        %dma_start3A_211 = tpu.memref_slice %arg10[%dma_start3A_209, %dma_start3A_210] : memref<10240x128xf32, #tpu.memory_space<vmem_shared>> -> memref<10240x128xf32, #tpu.memory_space<vmem_shared>>
        tpu.enqueue_indirect_dma source(%arg7 : memref<128x128xf32, #tpu.memory_space<vmem>>) target(%dma_start3A_211 : memref<10240x128xf32, #tpu.memory_space<vmem_shared>>) offsets(%dma_start3A_208 : memref<128xi32, #tpu.memory_space<vmem>>) semaphore(%run_scoped3A_205 : memref<!tpu.dma_semaphore, #tpu.memory_space<semaphore_mem>>) {add = true}
        %dma_wait3A_212 = arith.constant 0 : i32
        %dma_wait3A_213 = tpu.memref_slice %arg6[%run_scoped3A_135, %dma_wait3A_212] : memref<8x128xi32, #tpu.memory_space<vmem>> -> memref<1x128xi32, #tpu.memory_space<vmem>>
        %dma_wait3A_214 = tpu.memref_squeeze %dma_wait3A_213 : memref<1x128xi32, #tpu.memory_space<vmem>> -> memref<128xi32, #tpu.memory_space<vmem>>
        %dma_wait3A_215 = arith.constant 0 : i32
        %dma_wait3A_216 = arith.constant 0 : i32
        %dma_wait3A_217 = tpu.memref_slice %arg10[%dma_wait3A_215, %dma_wait3A_216] : memref<10240x128xf32, #tpu.memory_space<vmem_shared>> -> memref<10240x128xf32, #tpu.memory_space<vmem_shared>>
        tpu.wait_indirect_dma semaphore(%run_scoped3A_205 : memref<!tpu.dma_semaphore, #tpu.memory_space<semaphore_mem>>) src(%arg7 : memref<128x128xf32, #tpu.memory_space<vmem>>) dst(%dma_wait3A_217 : memref<10240x128xf32, #tpu.memory_space<vmem_shared>>)
        tpu.yield
      }) : () -> ()
      %dma_start3A_136 = arith.constant 0 : i32
      %dma_start3A_137 = arith.constant 512 : i32
      %dma_start3A_138 = tpu.memref_slice %arg5[%dma_start3A_136, %dma_start3A_137] : memref<2x1024xi32, #tpu.memory_space<vmem>> -> memref<1x128xi32, #tpu.memory_space<vmem>>
      %dma_start3A_139 = tpu.memref_squeeze %dma_start3A_138 : memref<1x128xi32, #tpu.memory_space<vmem>> -> memref<128xi32, #tpu.memory_space<vmem>>
      %dma_start3A_140 = arith.constant 0 : i32
      %dma_start3A_141 = arith.constant 0 : i32
      %dma_start3A_142 = tpu.memref_slice %arg3[%dma_start3A_140, %dma_start3A_141] : memref<10240x128xf32, #tpu.memory_space<hbm>> -> memref<10240x128xf32, #tpu.memory_space<hbm>>
      tpu.enqueue_indirect_dma source(%dma_start3A_142 : memref<10240x128xf32, #tpu.memory_space<hbm>>) target(%arg7 : memref<128x128xf32, #tpu.memory_space<vmem>>) offsets(%dma_start3A_139 : memref<128xi32, #tpu.memory_space<vmem>>) semaphore(%arg11 : memref<!tpu.dma_semaphore, #tpu.memory_space<semaphore_mem>>)
      %dma_wait3A_143 = arith.constant 0 : i32
      %dma_wait3A_144 = arith.constant 384 : i32
      %dma_wait3A_145 = tpu.memref_slice %arg5[%dma_wait3A_143, %dma_wait3A_144] : memref<2x1024xi32, #tpu.memory_space<vmem>> -> memref<1x128xi32, #tpu.memory_space<vmem>>
      %dma_wait3A_146 = tpu.memref_squeeze %dma_wait3A_145 : memref<1x128xi32, #tpu.memory_space<vmem>> -> memref<128xi32, #tpu.memory_space<vmem>>
      %dma_wait3A_147 = arith.constant 0 : i32
      %dma_wait3A_148 = arith.constant 0 : i32
      %dma_wait3A_149 = tpu.memref_slice %arg3[%dma_wait3A_147, %dma_wait3A_148] : memref<10240x128xf32, #tpu.memory_space<hbm>> -> memref<10240x128xf32, #tpu.memory_space<hbm>>
      tpu.wait_indirect_dma semaphore(%arg12 : memref<!tpu.dma_semaphore, #tpu.memory_space<semaphore_mem>>) src(%dma_wait3A_149 : memref<10240x128xf32, #tpu.memory_space<hbm>>) dst(%arg8 : memref<128x128xf32, #tpu.memory_space<vmem>>)
      %run_scoped3A_150 = arith.constant 3 : i32
      "tpu.region"() ({
        %run_scoped3A_205 = tpu.sem_alloc : memref<!tpu.dma_semaphore, #tpu.memory_space<semaphore_mem>>
        %dma_start3A_206 = arith.constant 0 : i32
        %dma_start3A_207 = tpu.memref_slice %arg6[%run_scoped3A_150, %dma_start3A_206] : memref<8x128xi32, #tpu.memory_space<vmem>> -> memref<1x128xi32, #tpu.memory_space<vmem>>
        %dma_start3A_208 = tpu.memref_squeeze %dma_start3A_207 : memref<1x128xi32, #tpu.memory_space<vmem>> -> memref<128xi32, #tpu.memory_space<vmem>>
        %dma_start3A_209 = arith.constant 0 : i32
        %dma_start3A_210 = arith.constant 0 : i32
        %dma_start3A_211 = tpu.memref_slice %arg10[%dma_start3A_209, %dma_start3A_210] : memref<10240x128xf32, #tpu.memory_space<vmem_shared>> -> memref<10240x128xf32, #tpu.memory_space<vmem_shared>>
        tpu.enqueue_indirect_dma source(%arg8 : memref<128x128xf32, #tpu.memory_space<vmem>>) target(%dma_start3A_211 : memref<10240x128xf32, #tpu.memory_space<vmem_shared>>) offsets(%dma_start3A_208 : memref<128xi32, #tpu.memory_space<vmem>>) semaphore(%run_scoped3A_205 : memref<!tpu.dma_semaphore, #tpu.memory_space<semaphore_mem>>) {add = true}
        %dma_wait3A_212 = arith.constant 0 : i32
        %dma_wait3A_213 = tpu.memref_slice %arg6[%run_scoped3A_150, %dma_wait3A_212] : memref<8x128xi32, #tpu.memory_space<vmem>> -> memref<1x128xi32, #tpu.memory_space<vmem>>
        %dma_wait3A_214 = tpu.memref_squeeze %dma_wait3A_213 : memref<1x128xi32, #tpu.memory_space<vmem>> -> memref<128xi32, #tpu.memory_space<vmem>>
        %dma_wait3A_215 = arith.constant 0 : i32
        %dma_wait3A_216 = arith.constant 0 : i32
        %dma_wait3A_217 = tpu.memref_slice %arg10[%dma_wait3A_215, %dma_wait3A_216] : memref<10240x128xf32, #tpu.memory_space<vmem_shared>> -> memref<10240x128xf32, #tpu.memory_space<vmem_shared>>
        tpu.wait_indirect_dma semaphore(%run_scoped3A_205 : memref<!tpu.dma_semaphore, #tpu.memory_space<semaphore_mem>>) src(%arg8 : memref<128x128xf32, #tpu.memory_space<vmem>>) dst(%dma_wait3A_217 : memref<10240x128xf32, #tpu.memory_space<vmem_shared>>)
        tpu.yield
      }) : () -> ()
      %dma_start3A_151 = arith.constant 0 : i32
      %dma_start3A_152 = arith.constant 640 : i32
      %dma_start3A_153 = tpu.memref_slice %arg5[%dma_start3A_151, %dma_start3A_152] : memref<2x1024xi32, #tpu.memory_space<vmem>> -> memref<1x128xi32, #tpu.memory_space<vmem>>
      %dma_start3A_154 = tpu.memref_squeeze %dma_start3A_153 : memref<1x128xi32, #tpu.memory_space<vmem>> -> memref<128xi32, #tpu.memory_space<vmem>>
      %dma_start3A_155 = arith.constant 0 : i32
      %dma_start3A_156 = arith.constant 0 : i32
      %dma_start3A_157 = tpu.memref_slice %arg3[%dma_start3A_155, %dma_start3A_156] : memref<10240x128xf32, #tpu.memory_space<hbm>> -> memref<10240x128xf32, #tpu.memory_space<hbm>>
      tpu.enqueue_indirect_dma source(%dma_start3A_157 : memref<10240x128xf32, #tpu.memory_space<hbm>>) target(%arg8 : memref<128x128xf32, #tpu.memory_space<vmem>>) offsets(%dma_start3A_154 : memref<128xi32, #tpu.memory_space<vmem>>) semaphore(%arg12 : memref<!tpu.dma_semaphore, #tpu.memory_space<semaphore_mem>>)
      %dma_wait3A_158 = arith.constant 0 : i32
      %dma_wait3A_159 = arith.constant 512 : i32
      %dma_wait3A_160 = tpu.memref_slice %arg5[%dma_wait3A_158, %dma_wait3A_159] : memref<2x1024xi32, #tpu.memory_space<vmem>> -> memref<1x128xi32, #tpu.memory_space<vmem>>
      %dma_wait3A_161 = tpu.memref_squeeze %dma_wait3A_160 : memref<1x128xi32, #tpu.memory_space<vmem>> -> memref<128xi32, #tpu.memory_space<vmem>>
      %dma_wait3A_162 = arith.constant 0 : i32
      %dma_wait3A_163 = arith.constant 0 : i32
      %dma_wait3A_164 = tpu.memref_slice %arg3[%dma_wait3A_162, %dma_wait3A_163] : memref<10240x128xf32, #tpu.memory_space<hbm>> -> memref<10240x128xf32, #tpu.memory_space<hbm>>
      tpu.wait_indirect_dma semaphore(%arg11 : memref<!tpu.dma_semaphore, #tpu.memory_space<semaphore_mem>>) src(%dma_wait3A_164 : memref<10240x128xf32, #tpu.memory_space<hbm>>) dst(%arg7 : memref<128x128xf32, #tpu.memory_space<vmem>>)
      %run_scoped3A_165 = arith.constant 4 : i32
      "tpu.region"() ({
        %run_scoped3A_205 = tpu.sem_alloc : memref<!tpu.dma_semaphore, #tpu.memory_space<semaphore_mem>>
        %dma_start3A_206 = arith.constant 0 : i32
        %dma_start3A_207 = tpu.memref_slice %arg6[%run_scoped3A_165, %dma_start3A_206] : memref<8x128xi32, #tpu.memory_space<vmem>> -> memref<1x128xi32, #tpu.memory_space<vmem>>
        %dma_start3A_208 = tpu.memref_squeeze %dma_start3A_207 : memref<1x128xi32, #tpu.memory_space<vmem>> -> memref<128xi32, #tpu.memory_space<vmem>>
        %dma_start3A_209 = arith.constant 0 : i32
        %dma_start3A_210 = arith.constant 0 : i32
        %dma_start3A_211 = tpu.memref_slice %arg10[%dma_start3A_209, %dma_start3A_210] : memref<10240x128xf32, #tpu.memory_space<vmem_shared>> -> memref<10240x128xf32, #tpu.memory_space<vmem_shared>>
        tpu.enqueue_indirect_dma source(%arg7 : memref<128x128xf32, #tpu.memory_space<vmem>>) target(%dma_start3A_211 : memref<10240x128xf32, #tpu.memory_space<vmem_shared>>) offsets(%dma_start3A_208 : memref<128xi32, #tpu.memory_space<vmem>>) semaphore(%run_scoped3A_205 : memref<!tpu.dma_semaphore, #tpu.memory_space<semaphore_mem>>) {add = true}
        %dma_wait3A_212 = arith.constant 0 : i32
        %dma_wait3A_213 = tpu.memref_slice %arg6[%run_scoped3A_165, %dma_wait3A_212] : memref<8x128xi32, #tpu.memory_space<vmem>> -> memref<1x128xi32, #tpu.memory_space<vmem>>
        %dma_wait3A_214 = tpu.memref_squeeze %dma_wait3A_213 : memref<1x128xi32, #tpu.memory_space<vmem>> -> memref<128xi32, #tpu.memory_space<vmem>>
        %dma_wait3A_215 = arith.constant 0 : i32
        %dma_wait3A_216 = arith.constant 0 : i32
        %dma_wait3A_217 = tpu.memref_slice %arg10[%dma_wait3A_215, %dma_wait3A_216] : memref<10240x128xf32, #tpu.memory_space<vmem_shared>> -> memref<10240x128xf32, #tpu.memory_space<vmem_shared>>
        tpu.wait_indirect_dma semaphore(%run_scoped3A_205 : memref<!tpu.dma_semaphore, #tpu.memory_space<semaphore_mem>>) src(%arg7 : memref<128x128xf32, #tpu.memory_space<vmem>>) dst(%dma_wait3A_217 : memref<10240x128xf32, #tpu.memory_space<vmem_shared>>)
        tpu.yield
      }) : () -> ()
      %dma_start3A_166 = arith.constant 0 : i32
      %dma_start3A_167 = arith.constant 768 : i32
      %dma_start3A_168 = tpu.memref_slice %arg5[%dma_start3A_166, %dma_start3A_167] : memref<2x1024xi32, #tpu.memory_space<vmem>> -> memref<1x128xi32, #tpu.memory_space<vmem>>
      %dma_start3A_169 = tpu.memref_squeeze %dma_start3A_168 : memref<1x128xi32, #tpu.memory_space<vmem>> -> memref<128xi32, #tpu.memory_space<vmem>>
      %dma_start3A_170 = arith.constant 0 : i32
      %dma_start3A_171 = arith.constant 0 : i32
      %dma_start3A_172 = tpu.memref_slice %arg3[%dma_start3A_170, %dma_start3A_171] : memref<10240x128xf32, #tpu.memory_space<hbm>> -> memref<10240x128xf32, #tpu.memory_space<hbm>>
      tpu.enqueue_indirect_dma source(%dma_start3A_172 : memref<10240x128xf32, #tpu.memory_space<hbm>>) target(%arg7 : memref<128x128xf32, #tpu.memory_space<vmem>>) offsets(%dma_start3A_169 : memref<128xi32, #tpu.memory_space<vmem>>) semaphore(%arg11 : memref<!tpu.dma_semaphore, #tpu.memory_space<semaphore_mem>>)
      %dma_wait3A_173 = arith.constant 0 : i32
      %dma_wait3A_174 = arith.constant 640 : i32
      %dma_wait3A_175 = tpu.memref_slice %arg5[%dma_wait3A_173, %dma_wait3A_174] : memref<2x1024xi32, #tpu.memory_space<vmem>> -> memref<1x128xi32, #tpu.memory_space<vmem>>
      %dma_wait3A_176 = tpu.memref_squeeze %dma_wait3A_175 : memref<1x128xi32, #tpu.memory_space<vmem>> -> memref<128xi32, #tpu.memory_space<vmem>>
      %dma_wait3A_177 = arith.constant 0 : i32
      %dma_wait3A_178 = arith.constant 0 : i32
      %dma_wait3A_179 = tpu.memref_slice %arg3[%dma_wait3A_177, %dma_wait3A_178] : memref<10240x128xf32, #tpu.memory_space<hbm>> -> memref<10240x128xf32, #tpu.memory_space<hbm>>
      tpu.wait_indirect_dma semaphore(%arg12 : memref<!tpu.dma_semaphore, #tpu.memory_space<semaphore_mem>>) src(%dma_wait3A_179 : memref<10240x128xf32, #tpu.memory_space<hbm>>) dst(%arg8 : memref<128x128xf32, #tpu.memory_space<vmem>>)
      %run_scoped3A_180 = arith.constant 5 : i32
      "tpu.region"() ({
        %run_scoped3A_205 = tpu.sem_alloc : memref<!tpu.dma_semaphore, #tpu.memory_space<semaphore_mem>>
        %dma_start3A_206 = arith.constant 0 : i32
        %dma_start3A_207 = tpu.memref_slice %arg6[%run_scoped3A_180, %dma_start3A_206] : memref<8x128xi32, #tpu.memory_space<vmem>> -> memref<1x128xi32, #tpu.memory_space<vmem>>
        %dma_start3A_208 = tpu.memref_squeeze %dma_start3A_207 : memref<1x128xi32, #tpu.memory_space<vmem>> -> memref<128xi32, #tpu.memory_space<vmem>>
        %dma_start3A_209 = arith.constant 0 : i32
        %dma_start3A_210 = arith.constant 0 : i32
        %dma_start3A_211 = tpu.memref_slice %arg10[%dma_start3A_209, %dma_start3A_210] : memref<10240x128xf32, #tpu.memory_space<vmem_shared>> -> memref<10240x128xf32, #tpu.memory_space<vmem_shared>>
        tpu.enqueue_indirect_dma source(%arg8 : memref<128x128xf32, #tpu.memory_space<vmem>>) target(%dma_start3A_211 : memref<10240x128xf32, #tpu.memory_space<vmem_shared>>) offsets(%dma_start3A_208 : memref<128xi32, #tpu.memory_space<vmem>>) semaphore(%run_scoped3A_205 : memref<!tpu.dma_semaphore, #tpu.memory_space<semaphore_mem>>) {add = true}
        %dma_wait3A_212 = arith.constant 0 : i32
        %dma_wait3A_213 = tpu.memref_slice %arg6[%run_scoped3A_180, %dma_wait3A_212] : memref<8x128xi32, #tpu.memory_space<vmem>> -> memref<1x128xi32, #tpu.memory_space<vmem>>
        %dma_wait3A_214 = tpu.memref_squeeze %dma_wait3A_213 : memref<1x128xi32, #tpu.memory_space<vmem>> -> memref<128xi32, #tpu.memory_space<vmem>>
        %dma_wait3A_215 = arith.constant 0 : i32
        %dma_wait3A_216 = arith.constant 0 : i32
        %dma_wait3A_217 = tpu.memref_slice %arg10[%dma_wait3A_215, %dma_wait3A_216] : memref<10240x128xf32, #tpu.memory_space<vmem_shared>> -> memref<10240x128xf32, #tpu.memory_space<vmem_shared>>
        tpu.wait_indirect_dma semaphore(%run_scoped3A_205 : memref<!tpu.dma_semaphore, #tpu.memory_space<semaphore_mem>>) src(%arg8 : memref<128x128xf32, #tpu.memory_space<vmem>>) dst(%dma_wait3A_217 : memref<10240x128xf32, #tpu.memory_space<vmem_shared>>)
        tpu.yield
      }) : () -> ()
      %dma_start3A_181 = arith.constant 0 : i32
      %dma_start3A_182 = arith.constant 896 : i32
      %dma_start3A_183 = tpu.memref_slice %arg5[%dma_start3A_181, %dma_start3A_182] : memref<2x1024xi32, #tpu.memory_space<vmem>> -> memref<1x128xi32, #tpu.memory_space<vmem>>
      %dma_start3A_184 = tpu.memref_squeeze %dma_start3A_183 : memref<1x128xi32, #tpu.memory_space<vmem>> -> memref<128xi32, #tpu.memory_space<vmem>>
      %dma_start3A_185 = arith.constant 0 : i32
      %dma_start3A_186 = arith.constant 0 : i32
      %dma_start3A_187 = tpu.memref_slice %arg3[%dma_start3A_185, %dma_start3A_186] : memref<10240x128xf32, #tpu.memory_space<hbm>> -> memref<10240x128xf32, #tpu.memory_space<hbm>>
      tpu.enqueue_indirect_dma source(%dma_start3A_187 : memref<10240x128xf32, #tpu.memory_space<hbm>>) target(%arg8 : memref<128x128xf32, #tpu.memory_space<vmem>>) offsets(%dma_start3A_184 : memref<128xi32, #tpu.memory_space<vmem>>) semaphore(%arg12 : memref<!tpu.dma_semaphore, #tpu.memory_space<semaphore_mem>>)
      %dma_wait3A_188 = arith.constant 0 : i32
      %dma_wait3A_189 = arith.constant 768 : i32
      %dma_wait3A_190 = tpu.memref_slice %arg5[%dma_wait3A_188, %dma_wait3A_189] : memref<2x1024xi32, #tpu.memory_space<vmem>> -> memref<1x128xi32, #tpu.memory_space<vmem>>
      %dma_wait3A_191 = tpu.memref_squeeze %dma_wait3A_190 : memref<1x128xi32, #tpu.memory_space<vmem>> -> memref<128xi32, #tpu.memory_space<vmem>>
      %dma_wait3A_192 = arith.constant 0 : i32
      %dma_wait3A_193 = arith.constant 0 : i32
      %dma_wait3A_194 = tpu.memref_slice %arg3[%dma_wait3A_192, %dma_wait3A_193] : memref<10240x128xf32, #tpu.memory_space<hbm>> -> memref<10240x128xf32, #tpu.memory_space<hbm>>
      tpu.wait_indirect_dma semaphore(%arg11 : memref<!tpu.dma_semaphore, #tpu.memory_space<semaphore_mem>>) src(%dma_wait3A_194 : memref<10240x128xf32, #tpu.memory_space<hbm>>) dst(%arg7 : memref<128x128xf32, #tpu.memory_space<vmem>>)
      %run_scoped3A_195 = arith.constant 6 : i32
      "tpu.region"() ({
        %run_scoped3A_205 = tpu.sem_alloc : memref<!tpu.dma_semaphore, #tpu.memory_space<semaphore_mem>>
        %dma_start3A_206 = arith.constant 0 : i32
        %dma_start3A_207 = tpu.memref_slice %arg6[%run_scoped3A_195, %dma_start3A_206] : memref<8x128xi32, #tpu.memory_space<vmem>> -> memref<1x128xi32, #tpu.memory_space<vmem>>
        %dma_start3A_208 = tpu.memref_squeeze %dma_start3A_207 : memref<1x128xi32, #tpu.memory_space<vmem>> -> memref<128xi32, #tpu.memory_space<vmem>>
        %dma_start3A_209 = arith.constant 0 : i32
        %dma_start3A_210 = arith.constant 0 : i32
        %dma_start3A_211 = tpu.memref_slice %arg10[%dma_start3A_209, %dma_start3A_210] : memref<10240x128xf32, #tpu.memory_space<vmem_shared>> -> memref<10240x128xf32, #tpu.memory_space<vmem_shared>>
        tpu.enqueue_indirect_dma source(%arg7 : memref<128x128xf32, #tpu.memory_space<vmem>>) target(%dma_start3A_211 : memref<10240x128xf32, #tpu.memory_space<vmem_shared>>) offsets(%dma_start3A_208 : memref<128xi32, #tpu.memory_space<vmem>>) semaphore(%run_scoped3A_205 : memref<!tpu.dma_semaphore, #tpu.memory_space<semaphore_mem>>) {add = true}
        %dma_wait3A_212 = arith.constant 0 : i32
        %dma_wait3A_213 = tpu.memref_slice %arg6[%run_scoped3A_195, %dma_wait3A_212] : memref<8x128xi32, #tpu.memory_space<vmem>> -> memref<1x128xi32, #tpu.memory_space<vmem>>
        %dma_wait3A_214 = tpu.memref_squeeze %dma_wait3A_213 : memref<1x128xi32, #tpu.memory_space<vmem>> -> memref<128xi32, #tpu.memory_space<vmem>>
        %dma_wait3A_215 = arith.constant 0 : i32
        %dma_wait3A_216 = arith.constant 0 : i32
        %dma_wait3A_217 = tpu.memref_slice %arg10[%dma_wait3A_215, %dma_wait3A_216] : memref<10240x128xf32, #tpu.memory_space<vmem_shared>> -> memref<10240x128xf32, #tpu.memory_space<vmem_shared>>
        tpu.wait_indirect_dma semaphore(%run_scoped3A_205 : memref<!tpu.dma_semaphore, #tpu.memory_space<semaphore_mem>>) src(%arg7 : memref<128x128xf32, #tpu.memory_space<vmem>>) dst(%dma_wait3A_217 : memref<10240x128xf32, #tpu.memory_space<vmem_shared>>)
        tpu.yield
      }) : () -> ()
      %dma_wait3A_196 = arith.constant 0 : i32
      %dma_wait3A_197 = arith.constant 896 : i32
      %dma_wait3A_198 = tpu.memref_slice %arg5[%dma_wait3A_196, %dma_wait3A_197] : memref<2x1024xi32, #tpu.memory_space<vmem>> -> memref<1x128xi32, #tpu.memory_space<vmem>>
      %dma_wait3A_199 = tpu.memref_squeeze %dma_wait3A_198 : memref<1x128xi32, #tpu.memory_space<vmem>> -> memref<128xi32, #tpu.memory_space<vmem>>
      %dma_wait3A_200 = arith.constant 0 : i32
      %dma_wait3A_201 = arith.constant 0 : i32
      %dma_wait3A_202 = tpu.memref_slice %arg3[%dma_wait3A_200, %dma_wait3A_201] : memref<10240x128xf32, #tpu.memory_space<hbm>> -> memref<10240x128xf32, #tpu.memory_space<hbm>>
      tpu.wait_indirect_dma semaphore(%arg12 : memref<!tpu.dma_semaphore, #tpu.memory_space<semaphore_mem>>) src(%dma_wait3A_202 : memref<10240x128xf32, #tpu.memory_space<hbm>>) dst(%arg8 : memref<128x128xf32, #tpu.memory_space<vmem>>)
      %run_scoped3A_203 = arith.constant 7 : i32
      "tpu.region"() ({
        %run_scoped3A_205 = tpu.sem_alloc : memref<!tpu.dma_semaphore, #tpu.memory_space<semaphore_mem>>
        %dma_start3A_206 = arith.constant 0 : i32
        %dma_start3A_207 = tpu.memref_slice %arg6[%run_scoped3A_203, %dma_start3A_206] : memref<8x128xi32, #tpu.memory_space<vmem>> -> memref<1x128xi32, #tpu.memory_space<vmem>>
        %dma_start3A_208 = tpu.memref_squeeze %dma_start3A_207 : memref<1x128xi32, #tpu.memory_space<vmem>> -> memref<128xi32, #tpu.memory_space<vmem>>
        %dma_start3A_209 = arith.constant 0 : i32
        %dma_start3A_210 = arith.constant 0 : i32
        %dma_start3A_211 = tpu.memref_slice %arg10[%dma_start3A_209, %dma_start3A_210] : memref<10240x128xf32, #tpu.memory_space<vmem_shared>> -> memref<10240x128xf32, #tpu.memory_space<vmem_shared>>
        tpu.enqueue_indirect_dma source(%arg8 : memref<128x128xf32, #tpu.memory_space<vmem>>) target(%dma_start3A_211 : memref<10240x128xf32, #tpu.memory_space<vmem_shared>>) offsets(%dma_start3A_208 : memref<128xi32, #tpu.memory_space<vmem>>) semaphore(%run_scoped3A_205 : memref<!tpu.dma_semaphore, #tpu.memory_space<semaphore_mem>>) {add = true}
        %dma_wait3A_212 = arith.constant 0 : i32
        %dma_wait3A_213 = tpu.memref_slice %arg6[%run_scoped3A_203, %dma_wait3A_212] : memref<8x128xi32, #tpu.memory_space<vmem>> -> memref<1x128xi32, #tpu.memory_space<vmem>>
        %dma_wait3A_214 = tpu.memref_squeeze %dma_wait3A_213 : memref<1x128xi32, #tpu.memory_space<vmem>> -> memref<128xi32, #tpu.memory_space<vmem>>
        %dma_wait3A_215 = arith.constant 0 : i32
        %dma_wait3A_216 = arith.constant 0 : i32
        %dma_wait3A_217 = tpu.memref_slice %arg10[%dma_wait3A_215, %dma_wait3A_216] : memref<10240x128xf32, #tpu.memory_space<vmem_shared>> -> memref<10240x128xf32, #tpu.memory_space<vmem_shared>>
        tpu.wait_indirect_dma semaphore(%run_scoped3A_205 : memref<!tpu.dma_semaphore, #tpu.memory_space<semaphore_mem>>) src(%arg8 : memref<128x128xf32, #tpu.memory_space<vmem>>) dst(%dma_wait3A_217 : memref<10240x128xf32, #tpu.memory_space<vmem_shared>>)
        tpu.yield
      }) : () -> ()
      %while3A_204 = arith.constant 0 : i32
      scf.yield %while3A_204 : i32
    }
    %while3A_66 = arith.constant 1 : i32
    %while3A_67 = scf.for %while3A_75 = %while3A_63 to %while3A_59 step %while3A_66 iter_args(%while3A_76 = %while3A_65) -> (i32)  : i32 {
      %mul3A_77 = arith.constant 1024 : i32
      %mul3A_78 = arith.muli %while3A_75, %mul3A_77 : i32
      %add3A_79 = arith.addi %add3A_54, %mul3A_78 : i32
      "tpu.region"() ({
        %run_scoped3A_205 = tpu.sem_alloc : memref<!tpu.dma_semaphore, #tpu.memory_space<semaphore_mem>>
        %dma_start3A_206 = arith.constant 0 : i32
        %dma_start3A_207 = tpu.memref_slice %arg2[%dma_start3A_206, %add3A_79] : memref<2x320000xi32, #tpu.memory_space<hbm>> -> memref<2x1024xi32, #tpu.memory_space<hbm>>
        %dma_start3A_208 = arith.constant 0 : i32
        %dma_start3A_209 = tpu.memref_slice %arg2[%dma_start3A_208, %add3A_79] : memref<2x320000xi32, #tpu.memory_space<hbm>> -> memref<2x1024xi32, #tpu.memory_space<hbm>>
        tpu.enqueue_dma source(%dma_start3A_209 : memref<2x1024xi32, #tpu.memory_space<hbm>>) target(%arg5 : memref<2x1024xi32, #tpu.memory_space<vmem>>) target_semaphore(%run_scoped3A_205 : memref<!tpu.dma_semaphore, #tpu.memory_space<semaphore_mem>>)
        %dma_wait3A_210 = arith.constant 0 : i32
        %dma_wait3A_211 = tpu.memref_slice %arg2[%dma_wait3A_210, %add3A_79] : memref<2x320000xi32, #tpu.memory_space<hbm>> -> memref<2x1024xi32, #tpu.memory_space<hbm>>
        %dma_wait3A_212 = arith.constant 0 : i32
        %dma_wait3A_213 = tpu.memref_slice %arg2[%dma_wait3A_212, %add3A_79] : memref<2x320000xi32, #tpu.memory_space<hbm>> -> memref<2x1024xi32, #tpu.memory_space<hbm>>
        tpu.wait_dma2 semaphore(%run_scoped3A_205 : memref<!tpu.dma_semaphore, #tpu.memory_space<semaphore_mem>>) src(%dma_wait3A_213 : memref<2x1024xi32, #tpu.memory_space<hbm>>) dst(%arg5 : memref<2x1024xi32, #tpu.memory_space<vmem>>)
        tpu.yield
      }) : () -> ()
      %scan3A_80 = arith.constant 0 : i32
      %scan3A_81 = arith.constant 0 : i32
      %scan3A_82 = arith.constant 64 : i32
      %scan3A_83 = arith.addi %scan3A_81, %scan3A_82 : i32
      %scan3A_84 = arith.constant 1 : i32
      %scan3A_85 = scf.for %scan3A_205 = %scan3A_81 to %scan3A_83 step %scan3A_84 iter_args(%scan3A_206 = %scan3A_80) -> (i32)  : i32 {
        %jit3A_207 = arith.constant 8 : i32
        %div3A = arith.divsi %scan3A_205, %jit3A_207 : i32
        %sign3A = arith.constant 0 : i32
        %sign3A_208 = arith.cmpi sgt, %scan3A_205, %sign3A : i32
        %sign3A_209 = arith.extui %sign3A_208 : i1 to i32
        %sign3A_210 = arith.constant 0 : i32
        %sign3A_211 = arith.cmpi slt, %scan3A_205, %sign3A_210 : i32
        %sign3A_212 = arith.extui %sign3A_211 : i1 to i32
        %sign3A_213 = arith.subi %sign3A_209, %sign3A_212 : i32
        %sign3A_214 = arith.constant 0 : i32
        %sign3A_215 = arith.cmpi sgt, %jit3A_207, %sign3A_214 : i32
        %sign3A_216 = arith.extui %sign3A_215 : i1 to i32
        %sign3A_217 = arith.constant 0 : i32
        %sign3A_218 = arith.cmpi slt, %jit3A_207, %sign3A_217 : i32
        %sign3A_219 = arith.extui %sign3A_218 : i1 to i32
        %sign3A_220 = arith.subi %sign3A_216, %sign3A_219 : i32
        %ne3A = arith.cmpi ne, %sign3A_213, %sign3A_220 : i32
        %rem3A = arith.remsi %scan3A_205, %jit3A_207 : i32
        %ne3A_221 = arith.constant 0 : i32
        %ne3A_222 = arith.cmpi ne, %rem3A, %ne3A_221 : i32
        %and3A = arith.andi %ne3A, %ne3A_222 : i1
        %sub3A_223 = arith.constant 1 : i32
        %sub3A_224 = arith.subi %div3A, %sub3A_223 : i32
        %select_n3A_225 = arith.select %and3A, %sub3A_224, %div3A : i32
        %jit3A_226 = arith.constant 8 : i32
        %eq3A_227 = arith.constant 0 : i32
        %eq3A_228 = arith.cmpi eq, %jit3A_226, %eq3A_227 : i32
        %jit3A_229 = arith.constant 1 : i32
        %select_n3A_230 = arith.select %eq3A_228, %jit3A_229, %jit3A_226 : i32
        %rem3A_231 = arith.remsi %scan3A_205, %select_n3A_230 : i32
        %ne3A_232 = arith.constant 0 : i32
        %ne3A_233 = arith.cmpi ne, %rem3A_231, %ne3A_232 : i32
        %lt3A_234 = arith.constant 0 : i32
        %lt3A_235 = arith.cmpi slt, %rem3A_231, %lt3A_234 : i32
        %lt3A_236 = arith.constant 0 : i32
        %lt3A_237 = arith.cmpi slt, %select_n3A_230, %lt3A_236 : i32
        %ne3A_238 = arith.xori %lt3A_235, %lt3A_237 : i1
        %and3A_239 = arith.andi %ne3A_238, %ne3A_233 : i1
        %add3A_240 = arith.addi %rem3A_231, %select_n3A_230 : i32
        %select_n3A_241 = arith.select %and3A_239, %add3A_240, %rem3A_231 : i32
        %mul3A_242 = arith.constant 128 : i32
        %mul3A_243 = arith.muli %select_n3A_225, %mul3A_242 : i32
        %mul3A_244 = arith.constant 16 : i32
        %mul3A_245 = arith.muli %select_n3A_241, %mul3A_244 : i32
        %add3A_246 = arith.addi %mul3A_243, %mul3A_245 : i32
        %get3A = arith.constant 0 : i32
        %get3A_247 = arith.index_cast %get3A : i32 to index
        %get3A_248 = arith.index_cast %add3A_246 : i32 to index
        %get3A_249 = tpu.vector_load %arg5[%get3A_247, %get3A_248] {strides = array<i32>} : memref<2x1024xi32, #tpu.memory_space<vmem>>, vector<1x16xi32>,
        %get3A_250 = vector.shape_cast %get3A_249 : vector<1x16xi32> to vector<16xi32>
        %get3A_251 = arith.constant 1 : i32
        %get3A_252 = arith.index_cast %get3A_251 : i32 to index
        %get3A_253 = arith.index_cast %add3A_246 : i32 to index
        %get3A_254 = tpu.vector_load %arg5[%get3A_252, %get3A_253] {strides = array<i32>} : memref<2x1024xi32, #tpu.memory_space<vmem>>, vector<1x16xi32>,
        %get3A_255 = vector.shape_cast %get3A_254 : vector<1x16xi32> to vector<16xi32>
        %add3A_256 = arith.addi %scan3A_205, %while3A_75 : i32
        %jit3A_257 = arith.constant 15 : i32
        %eq3A_258 = arith.constant 0 : i32
        %eq3A_259 = arith.cmpi eq, %jit3A_257, %eq3A_258 : i32
        %jit3A_260 = arith.constant 1 : i32
        %select_n3A_261 = arith.select %eq3A_259, %jit3A_260, %jit3A_257 : i32
        %rem3A_262 = arith.remsi %add3A_256, %select_n3A_261 : i32
        %ne3A_263 = arith.constant 0 : i32
        %ne3A_264 = arith.cmpi ne, %rem3A_262, %ne3A_263 : i32
        %lt3A_265 = arith.constant 0 : i32
        %lt3A_266 = arith.cmpi slt, %rem3A_262, %lt3A_265 : i32
        %lt3A_267 = arith.constant 0 : i32
        %lt3A_268 = arith.cmpi slt, %select_n3A_261, %lt3A_267 : i32
        %ne3A_269 = arith.xori %lt3A_266, %lt3A_268 : i1
        %and3A_270 = arith.andi %ne3A_269, %ne3A_264 : i1
        %add3A_271 = arith.addi %rem3A_262, %select_n3A_261 : i32
        %select_n3A_272 = arith.select %and3A_270, %add3A_271, %rem3A_262 : i32
        %mul3A_273 = arith.constant 16 : i32
        %mul3A_274 = arith.muli %select_n3A_272, %mul3A_273 : i32
        %add3A_275 = arith.constant 10000 : i32
        %add3A_276 = arith.addi %add3A_275, %mul3A_274 : i32
        %add3A_277 = vector.broadcast %add3A_276 : i32 to vector<16xi32>
        %add3A_278 = arith.addi %add3A_277, %iota3A : vector<16xi32>
        %eq3A_279 = arith.cmpi eq, %get3A_250, %get3A_255 : vector<16xi32>
        %select_n3A_280 = arith.select %eq3A_279, %add3A_278, %get3A_255 : vector<16xi1>, vector<16xi32>
        %mul3A_281 = arith.constant 16 : i32
        %mul3A_282 = arith.muli %select_n3A_241, %mul3A_281 : i32
        %swap3A = arith.index_cast %select_n3A_225 : i32 to index
        %swap3A_283 = arith.index_cast %mul3A_282 : i32 to index
        %swap3A_284 = tpu.vector_load %arg6[%swap3A, %swap3A_283] {strides = array<i32>} : memref<8x128xi32, #tpu.memory_space<vmem>>, vector<1x16xi32>,
        %swap3A_285 = vector.shape_cast %swap3A_284 : vector<1x16xi32> to vector<16xi32>
        %swap3A_286 = vector.shape_cast %select_n3A_280 : vector<16xi32> to vector<1x16xi32>
        tpu.vector_store %arg6[%swap3A, %swap3A_283], %swap3A_286 {strides = array<i32>} : memref<8x128xi32, #tpu.memory_space<vmem>>, vector<1x16xi32>,
        %scan3A_287 = arith.constant 0 : i32
        scf.yield %scan3A_287 : i32
      }
      %scan3A_86 = arith.constant 64 : i32
      %dma_start3A = arith.constant 0 : i32
      %dma_start3A_87 = arith.constant 0 : i32
      %dma_start3A_88 = tpu.memref_slice %arg5[%dma_start3A, %dma_start3A_87] : memref<2x1024xi32, #tpu.memory_space<vmem>> -> memref<1x128xi32, #tpu.memory_space<vmem>>
      %dma_start3A_89 = tpu.memref_squeeze %dma_start3A_88 : memref<1x128xi32, #tpu.memory_space<vmem>> -> memref<128xi32, #tpu.memory_space<vmem>>
      %dma_start3A_90 = arith.constant 0 : i32
      %dma_start3A_91 = arith.constant 0 : i32
      %dma_start3A_92 = tpu.memref_slice %arg3[%dma_start3A_90, %dma_start3A_91] : memref<10240x128xf32, #tpu.memory_space<hbm>> -> memref<10240x128xf32, #tpu.memory_space<hbm>>
      tpu.enqueue_indirect_dma source(%dma_start3A_92 : memref<10240x128xf32, #tpu.memory_space<hbm>>) target(%arg7 : memref<128x128xf32, #tpu.memory_space<vmem>>) offsets(%dma_start3A_89 : memref<128xi32, #tpu.memory_space<vmem>>) semaphore(%arg11 : memref<!tpu.dma_semaphore, #tpu.memory_space<semaphore_mem>>)
      %dma_start3A_93 = arith.constant 0 : i32
      %dma_start3A_94 = arith.constant 128 : i32
      %dma_start3A_95 = tpu.memref_slice %arg5[%dma_start3A_93, %dma_start3A_94] : memref<2x1024xi32, #tpu.memory_space<vmem>> -> memref<1x128xi32, #tpu.memory_space<vmem>>
      %dma_start3A_96 = tpu.memref_squeeze %dma_start3A_95 : memref<1x128xi32, #tpu.memory_space<vmem>> -> memref<128xi32, #tpu.memory_space<vmem>>
      %dma_start3A_97 = arith.constant 0 : i32
      %dma_start3A_98 = arith.constant 0 : i32
      %dma_start3A_99 = tpu.memref_slice %arg3[%dma_start3A_97, %dma_start3A_98] : memref<10240x128xf32, #tpu.memory_space<hbm>> -> memref<10240x128xf32, #tpu.memory_space<hbm>>
      tpu.enqueue_indirect_dma source(%dma_start3A_99 : memref<10240x128xf32, #tpu.memory_space<hbm>>) target(%arg8 : memref<128x128xf32, #tpu.memory_space<vmem>>) offsets(%dma_start3A_96 : memref<128xi32, #tpu.memory_space<vmem>>) semaphore(%arg12 : memref<!tpu.dma_semaphore, #tpu.memory_space<semaphore_mem>>)
      %dma_wait3A = arith.constant 0 : i32
      %dma_wait3A_100 = arith.constant 0 : i32
      %dma_wait3A_101 = tpu.memref_slice %arg5[%dma_wait3A, %dma_wait3A_100] : memref<2x1024xi32, #tpu.memory_space<vmem>> -> memref<1x128xi32, #tpu.memory_space<vmem>>
      %dma_wait3A_102 = tpu.memref_squeeze %dma_wait3A_101 : memref<1x128xi32, #tpu.memory_space<vmem>> -> memref<128xi32, #tpu.memory_space<vmem>>
      %dma_wait3A_103 = arith.constant 0 : i32
      %dma_wait3A_104 = arith.constant 0 : i32
      %dma_wait3A_105 = tpu.memref_slice %arg3[%dma_wait3A_103, %dma_wait3A_104] : memref<10240x128xf32, #tpu.memory_space<hbm>> -> memref<10240x128xf32, #tpu.memory_space<hbm>>
      tpu.wait_indirect_dma semaphore(%arg11 : memref<!tpu.dma_semaphore, #tpu.memory_space<semaphore_mem>>) src(%dma_wait3A_105 : memref<10240x128xf32, #tpu.memory_space<hbm>>) dst(%arg7 : memref<128x128xf32, #tpu.memory_space<vmem>>)
      %run_scoped3A = arith.constant 0 : i32
      "tpu.region"() ({
        %run_scoped3A_205 = tpu.sem_alloc : memref<!tpu.dma_semaphore, #tpu.memory_space<semaphore_mem>>
        %dma_start3A_206 = arith.constant 0 : i32
        %dma_start3A_207 = tpu.memref_slice %arg6[%run_scoped3A, %dma_start3A_206] : memref<8x128xi32, #tpu.memory_space<vmem>> -> memref<1x128xi32, #tpu.memory_space<vmem>>
        %dma_start3A_208 = tpu.memref_squeeze %dma_start3A_207 : memref<1x128xi32, #tpu.memory_space<vmem>> -> memref<128xi32, #tpu.memory_space<vmem>>
        %dma_start3A_209 = arith.constant 0 : i32
        %dma_start3A_210 = arith.constant 0 : i32
        %dma_start3A_211 = tpu.memref_slice %arg10[%dma_start3A_209, %dma_start3A_210] : memref<10240x128xf32, #tpu.memory_space<vmem_shared>> -> memref<10240x128xf32, #tpu.memory_space<vmem_shared>>
        tpu.enqueue_indirect_dma source(%arg7 : memref<128x128xf32, #tpu.memory_space<vmem>>) target(%dma_start3A_211 : memref<10240x128xf32, #tpu.memory_space<vmem_shared>>) offsets(%dma_start3A_208 : memref<128xi32, #tpu.memory_space<vmem>>) semaphore(%run_scoped3A_205 : memref<!tpu.dma_semaphore, #tpu.memory_space<semaphore_mem>>) {add = true}
        %dma_wait3A_212 = arith.constant 0 : i32
        %dma_wait3A_213 = tpu.memref_slice %arg6[%run_scoped3A, %dma_wait3A_212] : memref<8x128xi32, #tpu.memory_space<vmem>> -> memref<1x128xi32, #tpu.memory_space<vmem>>
        %dma_wait3A_214 = tpu.memref_squeeze %dma_wait3A_213 : memref<1x128xi32, #tpu.memory_space<vmem>> -> memref<128xi32, #tpu.memory_space<vmem>>
        %dma_wait3A_215 = arith.constant 0 : i32
        %dma_wait3A_216 = arith.constant 0 : i32
        %dma_wait3A_217 = tpu.memref_slice %arg10[%dma_wait3A_215, %dma_wait3A_216] : memref<10240x128xf32, #tpu.memory_space<vmem_shared>> -> memref<10240x128xf32, #tpu.memory_space<vmem_shared>>
        tpu.wait_indirect_dma semaphore(%run_scoped3A_205 : memref<!tpu.dma_semaphore, #tpu.memory_space<semaphore_mem>>) src(%arg7 : memref<128x128xf32, #tpu.memory_space<vmem>>) dst(%dma_wait3A_217 : memref<10240x128xf32, #tpu.memory_space<vmem_shared>>)
        tpu.yield
      }) : () -> ()
      %dma_start3A_106 = arith.constant 0 : i32
      %dma_start3A_107 = arith.constant 256 : i32
      %dma_start3A_108 = tpu.memref_slice %arg5[%dma_start3A_106, %dma_start3A_107] : memref<2x1024xi32, #tpu.memory_space<vmem>> -> memref<1x128xi32, #tpu.memory_space<vmem>>
      %dma_start3A_109 = tpu.memref_squeeze %dma_start3A_108 : memref<1x128xi32, #tpu.memory_space<vmem>> -> memref<128xi32, #tpu.memory_space<vmem>>
      %dma_start3A_110 = arith.constant 0 : i32
      %dma_start3A_111 = arith.constant 0 : i32
      %dma_start3A_112 = tpu.memref_slice %arg3[%dma_start3A_110, %dma_start3A_111] : memref<10240x128xf32, #tpu.memory_space<hbm>> -> memref<10240x128xf32, #tpu.memory_space<hbm>>
      tpu.enqueue_indirect_dma source(%dma_start3A_112 : memref<10240x128xf32, #tpu.memory_space<hbm>>) target(%arg7 : memref<128x128xf32, #tpu.memory_space<vmem>>) offsets(%dma_start3A_109 : memref<128xi32, #tpu.memory_space<vmem>>) semaphore(%arg11 : memref<!tpu.dma_semaphore, #tpu.memory_space<semaphore_mem>>)
      %dma_wait3A_113 = arith.constant 0 : i32
      %dma_wait3A_114 = arith.constant 128 : i32
      %dma_wait3A_115 = tpu.memref_slice %arg5[%dma_wait3A_113, %dma_wait3A_114] : memref<2x1024xi32, #tpu.memory_space<vmem>> -> memref<1x128xi32, #tpu.memory_space<vmem>>
      %dma_wait3A_116 = tpu.memref_squeeze %dma_wait3A_115 : memref<1x128xi32, #tpu.memory_space<vmem>> -> memref<128xi32, #tpu.memory_space<vmem>>
      %dma_wait3A_117 = arith.constant 0 : i32
      %dma_wait3A_118 = arith.constant 0 : i32
      %dma_wait3A_119 = tpu.memref_slice %arg3[%dma_wait3A_117, %dma_wait3A_118] : memref<10240x128xf32, #tpu.memory_space<hbm>> -> memref<10240x128xf32, #tpu.memory_space<hbm>>
      tpu.wait_indirect_dma semaphore(%arg12 : memref<!tpu.dma_semaphore, #tpu.memory_space<semaphore_mem>>) src(%dma_wait3A_119 : memref<10240x128xf32, #tpu.memory_space<hbm>>) dst(%arg8 : memref<128x128xf32, #tpu.memory_space<vmem>>)
      %run_scoped3A_120 = arith.constant 1 : i32
      "tpu.region"() ({
        %run_scoped3A_205 = tpu.sem_alloc : memref<!tpu.dma_semaphore, #tpu.memory_space<semaphore_mem>>
        %dma_start3A_206 = arith.constant 0 : i32
        %dma_start3A_207 = tpu.memref_slice %arg6[%run_scoped3A_120, %dma_start3A_206] : memref<8x128xi32, #tpu.memory_space<vmem>> -> memref<1x128xi32, #tpu.memory_space<vmem>>
        %dma_start3A_208 = tpu.memref_squeeze %dma_start3A_207 : memref<1x128xi32, #tpu.memory_space<vmem>> -> memref<128xi32, #tpu.memory_space<vmem>>
        %dma_start3A_209 = arith.constant 0 : i32
        %dma_start3A_210 = arith.constant 0 : i32
        %dma_start3A_211 = tpu.memref_slice %arg10[%dma_start3A_209, %dma_start3A_210] : memref<10240x128xf32, #tpu.memory_space<vmem_shared>> -> memref<10240x128xf32, #tpu.memory_space<vmem_shared>>
        tpu.enqueue_indirect_dma source(%arg8 : memref<128x128xf32, #tpu.memory_space<vmem>>) target(%dma_start3A_211 : memref<10240x128xf32, #tpu.memory_space<vmem_shared>>) offsets(%dma_start3A_208 : memref<128xi32, #tpu.memory_space<vmem>>) semaphore(%run_scoped3A_205 : memref<!tpu.dma_semaphore, #tpu.memory_space<semaphore_mem>>) {add = true}
        %dma_wait3A_212 = arith.constant 0 : i32
        %dma_wait3A_213 = tpu.memref_slice %arg6[%run_scoped3A_120, %dma_wait3A_212] : memref<8x128xi32, #tpu.memory_space<vmem>> -> memref<1x128xi32, #tpu.memory_space<vmem>>
        %dma_wait3A_214 = tpu.memref_squeeze %dma_wait3A_213 : memref<1x128xi32, #tpu.memory_space<vmem>> -> memref<128xi32, #tpu.memory_space<vmem>>
        %dma_wait3A_215 = arith.constant 0 : i32
        %dma_wait3A_216 = arith.constant 0 : i32
        %dma_wait3A_217 = tpu.memref_slice %arg10[%dma_wait3A_215, %dma_wait3A_216] : memref<10240x128xf32, #tpu.memory_space<vmem_shared>> -> memref<10240x128xf32, #tpu.memory_space<vmem_shared>>
        tpu.wait_indirect_dma semaphore(%run_scoped3A_205 : memref<!tpu.dma_semaphore, #tpu.memory_space<semaphore_mem>>) src(%arg8 : memref<128x128xf32, #tpu.memory_space<vmem>>) dst(%dma_wait3A_217 : memref<10240x128xf32, #tpu.memory_space<vmem_shared>>)
        tpu.yield
      }) : () -> ()
      %dma_start3A_121 = arith.constant 0 : i32
      %dma_start3A_122 = arith.constant 384 : i32
      %dma_start3A_123 = tpu.memref_slice %arg5[%dma_start3A_121, %dma_start3A_122] : memref<2x1024xi32, #tpu.memory_space<vmem>> -> memref<1x128xi32, #tpu.memory_space<vmem>>
      %dma_start3A_124 = tpu.memref_squeeze %dma_start3A_123 : memref<1x128xi32, #tpu.memory_space<vmem>> -> memref<128xi32, #tpu.memory_space<vmem>>
      %dma_start3A_125 = arith.constant 0 : i32
      %dma_start3A_126 = arith.constant 0 : i32
      %dma_start3A_127 = tpu.memref_slice %arg3[%dma_start3A_125, %dma_start3A_126] : memref<10240x128xf32, #tpu.memory_space<hbm>> -> memref<10240x128xf32, #tpu.memory_space<hbm>>
      tpu.enqueue_indirect_dma source(%dma_start3A_127 : memref<10240x128xf32, #tpu.memory_space<hbm>>) target(%arg8 : memref<128x128xf32, #tpu.memory_space<vmem>>) offsets(%dma_start3A_124 : memref<128xi32, #tpu.memory_space<vmem>>) semaphore(%arg12 : memref<!tpu.dma_semaphore, #tpu.memory_space<semaphore_mem>>)
      %dma_wait3A_128 = arith.constant 0 : i32
      %dma_wait3A_129 = arith.constant 256 : i32
      %dma_wait3A_130 = tpu.memref_slice %arg5[%dma_wait3A_128, %dma_wait3A_129] : memref<2x1024xi32, #tpu.memory_space<vmem>> -> memref<1x128xi32, #tpu.memory_space<vmem>>
      %dma_wait3A_131 = tpu.memref_squeeze %dma_wait3A_130 : memref<1x128xi32, #tpu.memory_space<vmem>> -> memref<128xi32, #tpu.memory_space<vmem>>
      %dma_wait3A_132 = arith.constant 0 : i32
      %dma_wait3A_133 = arith.constant 0 : i32
      %dma_wait3A_134 = tpu.memref_slice %arg3[%dma_wait3A_132, %dma_wait3A_133] : memref<10240x128xf32, #tpu.memory_space<hbm>> -> memref<10240x128xf32, #tpu.memory_space<hbm>>
      tpu.wait_indirect_dma semaphore(%arg11 : memref<!tpu.dma_semaphore, #tpu.memory_space<semaphore_mem>>) src(%dma_wait3A_134 : memref<10240x128xf32, #tpu.memory_space<hbm>>) dst(%arg7 : memref<128x128xf32, #tpu.memory_space<vmem>>)
      %run_scoped3A_135 = arith.constant 2 : i32
      "tpu.region"() ({
        %run_scoped3A_205 = tpu.sem_alloc : memref<!tpu.dma_semaphore, #tpu.memory_space<semaphore_mem>>
        %dma_start3A_206 = arith.constant 0 : i32
        %dma_start3A_207 = tpu.memref_slice %arg6[%run_scoped3A_135, %dma_start3A_206] : memref<8x128xi32, #tpu.memory_space<vmem>> -> memref<1x128xi32, #tpu.memory_space<vmem>>
        %dma_start3A_208 = tpu.memref_squeeze %dma_start3A_207 : memref<1x128xi32, #tpu.memory_space<vmem>> -> memref<128xi32, #tpu.memory_space<vmem>>
        %dma_start3A_209 = arith.constant 0 : i32
        %dma_start3A_210 = arith.constant 0 : i32
        %dma_start3A_211 = tpu.memref_slice %arg10[%dma_start3A_209, %dma_start3A_210] : memref<10240x128xf32, #tpu.memory_space<vmem_shared>> -> memref<10240x128xf32, #tpu.memory_space<vmem_shared>>
        tpu.enqueue_indirect_dma source(%arg7 : memref<128x128xf32, #tpu.memory_space<vmem>>) target(%dma_start3A_211 : memref<10240x128xf32, #tpu.memory_space<vmem_shared>>) offsets(%dma_start3A_208 : memref<128xi32, #tpu.memory_space<vmem>>) semaphore(%run_scoped3A_205 : memref<!tpu.dma_semaphore, #tpu.memory_space<semaphore_mem>>) {add = true}
        %dma_wait3A_212 = arith.constant 0 : i32
        %dma_wait3A_213 = tpu.memref_slice %arg6[%run_scoped3A_135, %dma_wait3A_212] : memref<8x128xi32, #tpu.memory_space<vmem>> -> memref<1x128xi32, #tpu.memory_space<vmem>>
        %dma_wait3A_214 = tpu.memref_squeeze %dma_wait3A_213 : memref<1x128xi32, #tpu.memory_space<vmem>> -> memref<128xi32, #tpu.memory_space<vmem>>
        %dma_wait3A_215 = arith.constant 0 : i32
        %dma_wait3A_216 = arith.constant 0 : i32
        %dma_wait3A_217 = tpu.memref_slice %arg10[%dma_wait3A_215, %dma_wait3A_216] : memref<10240x128xf32, #tpu.memory_space<vmem_shared>> -> memref<10240x128xf32, #tpu.memory_space<vmem_shared>>
        tpu.wait_indirect_dma semaphore(%run_scoped3A_205 : memref<!tpu.dma_semaphore, #tpu.memory_space<semaphore_mem>>) src(%arg7 : memref<128x128xf32, #tpu.memory_space<vmem>>) dst(%dma_wait3A_217 : memref<10240x128xf32, #tpu.memory_space<vmem_shared>>)
        tpu.yield
      }) : () -> ()
      %dma_start3A_136 = arith.constant 0 : i32
      %dma_start3A_137 = arith.constant 512 : i32
      %dma_start3A_138 = tpu.memref_slice %arg5[%dma_start3A_136, %dma_start3A_137] : memref<2x1024xi32, #tpu.memory_space<vmem>> -> memref<1x128xi32, #tpu.memory_space<vmem>>
      %dma_start3A_139 = tpu.memref_squeeze %dma_start3A_138 : memref<1x128xi32, #tpu.memory_space<vmem>> -> memref<128xi32, #tpu.memory_space<vmem>>
      %dma_start3A_140 = arith.constant 0 : i32
      %dma_start3A_141 = arith.constant 0 : i32
      %dma_start3A_142 = tpu.memref_slice %arg3[%dma_start3A_140, %dma_start3A_141] : memref<10240x128xf32, #tpu.memory_space<hbm>> -> memref<10240x128xf32, #tpu.memory_space<hbm>>
      tpu.enqueue_indirect_dma source(%dma_start3A_142 : memref<10240x128xf32, #tpu.memory_space<hbm>>) target(%arg7 : memref<128x128xf32, #tpu.memory_space<vmem>>) offsets(%dma_start3A_139 : memref<128xi32, #tpu.memory_space<vmem>>) semaphore(%arg11 : memref<!tpu.dma_semaphore, #tpu.memory_space<semaphore_mem>>)
      %dma_wait3A_143 = arith.constant 0 : i32
      %dma_wait3A_144 = arith.constant 384 : i32
      %dma_wait3A_145 = tpu.memref_slice %arg5[%dma_wait3A_143, %dma_wait3A_144] : memref<2x1024xi32, #tpu.memory_space<vmem>> -> memref<1x128xi32, #tpu.memory_space<vmem>>
      %dma_wait3A_146 = tpu.memref_squeeze %dma_wait3A_145 : memref<1x128xi32, #tpu.memory_space<vmem>> -> memref<128xi32, #tpu.memory_space<vmem>>
      %dma_wait3A_147 = arith.constant 0 : i32
      %dma_wait3A_148 = arith.constant 0 : i32
      %dma_wait3A_149 = tpu.memref_slice %arg3[%dma_wait3A_147, %dma_wait3A_148] : memref<10240x128xf32, #tpu.memory_space<hbm>> -> memref<10240x128xf32, #tpu.memory_space<hbm>>
      tpu.wait_indirect_dma semaphore(%arg12 : memref<!tpu.dma_semaphore, #tpu.memory_space<semaphore_mem>>) src(%dma_wait3A_149 : memref<10240x128xf32, #tpu.memory_space<hbm>>) dst(%arg8 : memref<128x128xf32, #tpu.memory_space<vmem>>)
      %run_scoped3A_150 = arith.constant 3 : i32
      "tpu.region"() ({
        %run_scoped3A_205 = tpu.sem_alloc : memref<!tpu.dma_semaphore, #tpu.memory_space<semaphore_mem>>
        %dma_start3A_206 = arith.constant 0 : i32
        %dma_start3A_207 = tpu.memref_slice %arg6[%run_scoped3A_150, %dma_start3A_206] : memref<8x128xi32, #tpu.memory_space<vmem>> -> memref<1x128xi32, #tpu.memory_space<vmem>>
        %dma_start3A_208 = tpu.memref_squeeze %dma_start3A_207 : memref<1x128xi32, #tpu.memory_space<vmem>> -> memref<128xi32, #tpu.memory_space<vmem>>
        %dma_start3A_209 = arith.constant 0 : i32
        %dma_start3A_210 = arith.constant 0 : i32
        %dma_start3A_211 = tpu.memref_slice %arg10[%dma_start3A_209, %dma_start3A_210] : memref<10240x128xf32, #tpu.memory_space<vmem_shared>> -> memref<10240x128xf32, #tpu.memory_space<vmem_shared>>
        tpu.enqueue_indirect_dma source(%arg8 : memref<128x128xf32, #tpu.memory_space<vmem>>) target(%dma_start3A_211 : memref<10240x128xf32, #tpu.memory_space<vmem_shared>>) offsets(%dma_start3A_208 : memref<128xi32, #tpu.memory_space<vmem>>) semaphore(%run_scoped3A_205 : memref<!tpu.dma_semaphore, #tpu.memory_space<semaphore_mem>>) {add = true}
        %dma_wait3A_212 = arith.constant 0 : i32
        %dma_wait3A_213 = tpu.memref_slice %arg6[%run_scoped3A_150, %dma_wait3A_212] : memref<8x128xi32, #tpu.memory_space<vmem>> -> memref<1x128xi32, #tpu.memory_space<vmem>>
        %dma_wait3A_214 = tpu.memref_squeeze %dma_wait3A_213 : memref<1x128xi32, #tpu.memory_space<vmem>> -> memref<128xi32, #tpu.memory_space<vmem>>
        %dma_wait3A_215 = arith.constant 0 : i32
        %dma_wait3A_216 = arith.constant 0 : i32
        %dma_wait3A_217 = tpu.memref_slice %arg10[%dma_wait3A_215, %dma_wait3A_216] : memref<10240x128xf32, #tpu.memory_space<vmem_shared>> -> memref<10240x128xf32, #tpu.memory_space<vmem_shared>>
        tpu.wait_indirect_dma semaphore(%run_scoped3A_205 : memref<!tpu.dma_semaphore, #tpu.memory_space<semaphore_mem>>) src(%arg8 : memref<128x128xf32, #tpu.memory_space<vmem>>) dst(%dma_wait3A_217 : memref<10240x128xf32, #tpu.memory_space<vmem_shared>>)
        tpu.yield
      }) : () -> ()
      %dma_start3A_151 = arith.constant 0 : i32
      %dma_start3A_152 = arith.constant 640 : i32
      %dma_start3A_153 = tpu.memref_slice %arg5[%dma_start3A_151, %dma_start3A_152] : memref<2x1024xi32, #tpu.memory_space<vmem>> -> memref<1x128xi32, #tpu.memory_space<vmem>>
      %dma_start3A_154 = tpu.memref_squeeze %dma_start3A_153 : memref<1x128xi32, #tpu.memory_space<vmem>> -> memref<128xi32, #tpu.memory_space<vmem>>
      %dma_start3A_155 = arith.constant 0 : i32
      %dma_start3A_156 = arith.constant 0 : i32
      %dma_start3A_157 = tpu.memref_slice %arg3[%dma_start3A_155, %dma_start3A_156] : memref<10240x128xf32, #tpu.memory_space<hbm>> -> memref<10240x128xf32, #tpu.memory_space<hbm>>
      tpu.enqueue_indirect_dma source(%dma_start3A_157 : memref<10240x128xf32, #tpu.memory_space<hbm>>) target(%arg8 : memref<128x128xf32, #tpu.memory_space<vmem>>) offsets(%dma_start3A_154 : memref<128xi32, #tpu.memory_space<vmem>>) semaphore(%arg12 : memref<!tpu.dma_semaphore, #tpu.memory_space<semaphore_mem>>)
      %dma_wait3A_158 = arith.constant 0 : i32
      %dma_wait3A_159 = arith.constant 512 : i32
      %dma_wait3A_160 = tpu.memref_slice %arg5[%dma_wait3A_158, %dma_wait3A_159] : memref<2x1024xi32, #tpu.memory_space<vmem>> -> memref<1x128xi32, #tpu.memory_space<vmem>>
      %dma_wait3A_161 = tpu.memref_squeeze %dma_wait3A_160 : memref<1x128xi32, #tpu.memory_space<vmem>> -> memref<128xi32, #tpu.memory_space<vmem>>
      %dma_wait3A_162 = arith.constant 0 : i32
      %dma_wait3A_163 = arith.constant 0 : i32
      %dma_wait3A_164 = tpu.memref_slice %arg3[%dma_wait3A_162, %dma_wait3A_163] : memref<10240x128xf32, #tpu.memory_space<hbm>> -> memref<10240x128xf32, #tpu.memory_space<hbm>>
      tpu.wait_indirect_dma semaphore(%arg11 : memref<!tpu.dma_semaphore, #tpu.memory_space<semaphore_mem>>) src(%dma_wait3A_164 : memref<10240x128xf32, #tpu.memory_space<hbm>>) dst(%arg7 : memref<128x128xf32, #tpu.memory_space<vmem>>)
      %run_scoped3A_165 = arith.constant 4 : i32
      "tpu.region"() ({
        %run_scoped3A_205 = tpu.sem_alloc : memref<!tpu.dma_semaphore, #tpu.memory_space<semaphore_mem>>
        %dma_start3A_206 = arith.constant 0 : i32
        %dma_start3A_207 = tpu.memref_slice %arg6[%run_scoped3A_165, %dma_start3A_206] : memref<8x128xi32, #tpu.memory_space<vmem>> -> memref<1x128xi32, #tpu.memory_space<vmem>>
        %dma_start3A_208 = tpu.memref_squeeze %dma_start3A_207 : memref<1x128xi32, #tpu.memory_space<vmem>> -> memref<128xi32, #tpu.memory_space<vmem>>
        %dma_start3A_209 = arith.constant 0 : i32
        %dma_start3A_210 = arith.constant 0 : i32
        %dma_start3A_211 = tpu.memref_slice %arg10[%dma_start3A_209, %dma_start3A_210] : memref<10240x128xf32, #tpu.memory_space<vmem_shared>> -> memref<10240x128xf32, #tpu.memory_space<vmem_shared>>
        tpu.enqueue_indirect_dma source(%arg7 : memref<128x128xf32, #tpu.memory_space<vmem>>) target(%dma_start3A_211 : memref<10240x128xf32, #tpu.memory_space<vmem_shared>>) offsets(%dma_start3A_208 : memref<128xi32, #tpu.memory_space<vmem>>) semaphore(%run_scoped3A_205 : memref<!tpu.dma_semaphore, #tpu.memory_space<semaphore_mem>>) {add = true}
        %dma_wait3A_212 = arith.constant 0 : i32
        %dma_wait3A_213 = tpu.memref_slice %arg6[%run_scoped3A_165, %dma_wait3A_212] : memref<8x128xi32, #tpu.memory_space<vmem>> -> memref<1x128xi32, #tpu.memory_space<vmem>>
        %dma_wait3A_214 = tpu.memref_squeeze %dma_wait3A_213 : memref<1x128xi32, #tpu.memory_space<vmem>> -> memref<128xi32, #tpu.memory_space<vmem>>
        %dma_wait3A_215 = arith.constant 0 : i32
        %dma_wait3A_216 = arith.constant 0 : i32
        %dma_wait3A_217 = tpu.memref_slice %arg10[%dma_wait3A_215, %dma_wait3A_216] : memref<10240x128xf32, #tpu.memory_space<vmem_shared>> -> memref<10240x128xf32, #tpu.memory_space<vmem_shared>>
        tpu.wait_indirect_dma semaphore(%run_scoped3A_205 : memref<!tpu.dma_semaphore, #tpu.memory_space<semaphore_mem>>) src(%arg7 : memref<128x128xf32, #tpu.memory_space<vmem>>) dst(%dma_wait3A_217 : memref<10240x128xf32, #tpu.memory_space<vmem_shared>>)
        tpu.yield
      }) : () -> ()
      %dma_start3A_166 = arith.constant 0 : i32
      %dma_start3A_167 = arith.constant 768 : i32
      %dma_start3A_168 = tpu.memref_slice %arg5[%dma_start3A_166, %dma_start3A_167] : memref<2x1024xi32, #tpu.memory_space<vmem>> -> memref<1x128xi32, #tpu.memory_space<vmem>>
      %dma_start3A_169 = tpu.memref_squeeze %dma_start3A_168 : memref<1x128xi32, #tpu.memory_space<vmem>> -> memref<128xi32, #tpu.memory_space<vmem>>
      %dma_start3A_170 = arith.constant 0 : i32
      %dma_start3A_171 = arith.constant 0 : i32
      %dma_start3A_172 = tpu.memref_slice %arg3[%dma_start3A_170, %dma_start3A_171] : memref<10240x128xf32, #tpu.memory_space<hbm>> -> memref<10240x128xf32, #tpu.memory_space<hbm>>
      tpu.enqueue_indirect_dma source(%dma_start3A_172 : memref<10240x128xf32, #tpu.memory_space<hbm>>) target(%arg7 : memref<128x128xf32, #tpu.memory_space<vmem>>) offsets(%dma_start3A_169 : memref<128xi32, #tpu.memory_space<vmem>>) semaphore(%arg11 : memref<!tpu.dma_semaphore, #tpu.memory_space<semaphore_mem>>)
      %dma_wait3A_173 = arith.constant 0 : i32
      %dma_wait3A_174 = arith.constant 640 : i32
      %dma_wait3A_175 = tpu.memref_slice %arg5[%dma_wait3A_173, %dma_wait3A_174] : memref<2x1024xi32, #tpu.memory_space<vmem>> -> memref<1x128xi32, #tpu.memory_space<vmem>>
      %dma_wait3A_176 = tpu.memref_squeeze %dma_wait3A_175 : memref<1x128xi32, #tpu.memory_space<vmem>> -> memref<128xi32, #tpu.memory_space<vmem>>
      %dma_wait3A_177 = arith.constant 0 : i32
      %dma_wait3A_178 = arith.constant 0 : i32
      %dma_wait3A_179 = tpu.memref_slice %arg3[%dma_wait3A_177, %dma_wait3A_178] : memref<10240x128xf32, #tpu.memory_space<hbm>> -> memref<10240x128xf32, #tpu.memory_space<hbm>>
      tpu.wait_indirect_dma semaphore(%arg12 : memref<!tpu.dma_semaphore, #tpu.memory_space<semaphore_mem>>) src(%dma_wait3A_179 : memref<10240x128xf32, #tpu.memory_space<hbm>>) dst(%arg8 : memref<128x128xf32, #tpu.memory_space<vmem>>)
      %run_scoped3A_180 = arith.constant 5 : i32
      "tpu.region"() ({
        %run_scoped3A_205 = tpu.sem_alloc : memref<!tpu.dma_semaphore, #tpu.memory_space<semaphore_mem>>
        %dma_start3A_206 = arith.constant 0 : i32
        %dma_start3A_207 = tpu.memref_slice %arg6[%run_scoped3A_180, %dma_start3A_206] : memref<8x128xi32, #tpu.memory_space<vmem>> -> memref<1x128xi32, #tpu.memory_space<vmem>>
        %dma_start3A_208 = tpu.memref_squeeze %dma_start3A_207 : memref<1x128xi32, #tpu.memory_space<vmem>> -> memref<128xi32, #tpu.memory_space<vmem>>
        %dma_start3A_209 = arith.constant 0 : i32
        %dma_start3A_210 = arith.constant 0 : i32
        %dma_start3A_211 = tpu.memref_slice %arg10[%dma_start3A_209, %dma_start3A_210] : memref<10240x128xf32, #tpu.memory_space<vmem_shared>> -> memref<10240x128xf32, #tpu.memory_space<vmem_shared>>
        tpu.enqueue_indirect_dma source(%arg8 : memref<128x128xf32, #tpu.memory_space<vmem>>) target(%dma_start3A_211 : memref<10240x128xf32, #tpu.memory_space<vmem_shared>>) offsets(%dma_start3A_208 : memref<128xi32, #tpu.memory_space<vmem>>) semaphore(%run_scoped3A_205 : memref<!tpu.dma_semaphore, #tpu.memory_space<semaphore_mem>>) {add = true}
        %dma_wait3A_212 = arith.constant 0 : i32
        %dma_wait3A_213 = tpu.memref_slice %arg6[%run_scoped3A_180, %dma_wait3A_212] : memref<8x128xi32, #tpu.memory_space<vmem>> -> memref<1x128xi32, #tpu.memory_space<vmem>>
        %dma_wait3A_214 = tpu.memref_squeeze %dma_wait3A_213 : memref<1x128xi32, #tpu.memory_space<vmem>> -> memref<128xi32, #tpu.memory_space<vmem>>
        %dma_wait3A_215 = arith.constant 0 : i32
        %dma_wait3A_216 = arith.constant 0 : i32
        %dma_wait3A_217 = tpu.memref_slice %arg10[%dma_wait3A_215, %dma_wait3A_216] : memref<10240x128xf32, #tpu.memory_space<vmem_shared>> -> memref<10240x128xf32, #tpu.memory_space<vmem_shared>>
        tpu.wait_indirect_dma semaphore(%run_scoped3A_205 : memref<!tpu.dma_semaphore, #tpu.memory_space<semaphore_mem>>) src(%arg8 : memref<128x128xf32, #tpu.memory_space<vmem>>) dst(%dma_wait3A_217 : memref<10240x128xf32, #tpu.memory_space<vmem_shared>>)
        tpu.yield
      }) : () -> ()
      %dma_start3A_181 = arith.constant 0 : i32
      %dma_start3A_182 = arith.constant 896 : i32
      %dma_start3A_183 = tpu.memref_slice %arg5[%dma_start3A_181, %dma_start3A_182] : memref<2x1024xi32, #tpu.memory_space<vmem>> -> memref<1x128xi32, #tpu.memory_space<vmem>>
      %dma_start3A_184 = tpu.memref_squeeze %dma_start3A_183 : memref<1x128xi32, #tpu.memory_space<vmem>> -> memref<128xi32, #tpu.memory_space<vmem>>
      %dma_start3A_185 = arith.constant 0 : i32
      %dma_start3A_186 = arith.constant 0 : i32
      %dma_start3A_187 = tpu.memref_slice %arg3[%dma_start3A_185, %dma_start3A_186] : memref<10240x128xf32, #tpu.memory_space<hbm>> -> memref<10240x128xf32, #tpu.memory_space<hbm>>
      tpu.enqueue_indirect_dma source(%dma_start3A_187 : memref<10240x128xf32, #tpu.memory_space<hbm>>) target(%arg8 : memref<128x128xf32, #tpu.memory_space<vmem>>) offsets(%dma_start3A_184 : memref<128xi32, #tpu.memory_space<vmem>>) semaphore(%arg12 : memref<!tpu.dma_semaphore, #tpu.memory_space<semaphore_mem>>)
      %dma_wait3A_188 = arith.constant 0 : i32
      %dma_wait3A_189 = arith.constant 768 : i32
      %dma_wait3A_190 = tpu.memref_slice %arg5[%dma_wait3A_188, %dma_wait3A_189] : memref<2x1024xi32, #tpu.memory_space<vmem>> -> memref<1x128xi32, #tpu.memory_space<vmem>>
      %dma_wait3A_191 = tpu.memref_squeeze %dma_wait3A_190 : memref<1x128xi32, #tpu.memory_space<vmem>> -> memref<128xi32, #tpu.memory_space<vmem>>
      %dma_wait3A_192 = arith.constant 0 : i32
      %dma_wait3A_193 = arith.constant 0 : i32
      %dma_wait3A_194 = tpu.memref_slice %arg3[%dma_wait3A_192, %dma_wait3A_193] : memref<10240x128xf32, #tpu.memory_space<hbm>> -> memref<10240x128xf32, #tpu.memory_space<hbm>>
      tpu.wait_indirect_dma semaphore(%arg11 : memref<!tpu.dma_semaphore, #tpu.memory_space<semaphore_mem>>) src(%dma_wait3A_194 : memref<10240x128xf32, #tpu.memory_space<hbm>>) dst(%arg7 : memref<128x128xf32, #tpu.memory_space<vmem>>)
      %run_scoped3A_195 = arith.constant 6 : i32
      "tpu.region"() ({
        %run_scoped3A_205 = tpu.sem_alloc : memref<!tpu.dma_semaphore, #tpu.memory_space<semaphore_mem>>
        %dma_start3A_206 = arith.constant 0 : i32
        %dma_start3A_207 = tpu.memref_slice %arg6[%run_scoped3A_195, %dma_start3A_206] : memref<8x128xi32, #tpu.memory_space<vmem>> -> memref<1x128xi32, #tpu.memory_space<vmem>>
        %dma_start3A_208 = tpu.memref_squeeze %dma_start3A_207 : memref<1x128xi32, #tpu.memory_space<vmem>> -> memref<128xi32, #tpu.memory_space<vmem>>
        %dma_start3A_209 = arith.constant 0 : i32
        %dma_start3A_210 = arith.constant 0 : i32
        %dma_start3A_211 = tpu.memref_slice %arg10[%dma_start3A_209, %dma_start3A_210] : memref<10240x128xf32, #tpu.memory_space<vmem_shared>> -> memref<10240x128xf32, #tpu.memory_space<vmem_shared>>
        tpu.enqueue_indirect_dma source(%arg7 : memref<128x128xf32, #tpu.memory_space<vmem>>) target(%dma_start3A_211 : memref<10240x128xf32, #tpu.memory_space<vmem_shared>>) offsets(%dma_start3A_208 : memref<128xi32, #tpu.memory_space<vmem>>) semaphore(%run_scoped3A_205 : memref<!tpu.dma_semaphore, #tpu.memory_space<semaphore_mem>>) {add = true}
        %dma_wait3A_212 = arith.constant 0 : i32
        %dma_wait3A_213 = tpu.memref_slice %arg6[%run_scoped3A_195, %dma_wait3A_212] : memref<8x128xi32, #tpu.memory_space<vmem>> -> memref<1x128xi32, #tpu.memory_space<vmem>>
        %dma_wait3A_214 = tpu.memref_squeeze %dma_wait3A_213 : memref<1x128xi32, #tpu.memory_space<vmem>> -> memref<128xi32, #tpu.memory_space<vmem>>
        %dma_wait3A_215 = arith.constant 0 : i32
        %dma_wait3A_216 = arith.constant 0 : i32
        %dma_wait3A_217 = tpu.memref_slice %arg10[%dma_wait3A_215, %dma_wait3A_216] : memref<10240x128xf32, #tpu.memory_space<vmem_shared>> -> memref<10240x128xf32, #tpu.memory_space<vmem_shared>>
        tpu.wait_indirect_dma semaphore(%run_scoped3A_205 : memref<!tpu.dma_semaphore, #tpu.memory_space<semaphore_mem>>) src(%arg7 : memref<128x128xf32, #tpu.memory_space<vmem>>) dst(%dma_wait3A_217 : memref<10240x128xf32, #tpu.memory_space<vmem_shared>>)
        tpu.yield
      }) : () -> ()
      %dma_wait3A_196 = arith.constant 0 : i32
      %dma_wait3A_197 = arith.constant 896 : i32
      %dma_wait3A_198 = tpu.memref_slice %arg5[%dma_wait3A_196, %dma_wait3A_197] : memref<2x1024xi32, #tpu.memory_space<vmem>> -> memref<1x128xi32, #tpu.memory_space<vmem>>
      %dma_wait3A_199 = tpu.memref_squeeze %dma_wait3A_198 : memref<1x128xi32, #tpu.memory_space<vmem>> -> memref<128xi32, #tpu.memory_space<vmem>>
      %dma_wait3A_200 = arith.constant 0 : i32
      %dma_wait3A_201 = arith.constant 0 : i32
      %dma_wait3A_202 = tpu.memref_slice %arg3[%dma_wait3A_200, %dma_wait3A_201] : memref<10240x128xf32, #tpu.memory_space<hbm>> -> memref<10240x128xf32, #tpu.memory_space<hbm>>
      tpu.wait_indirect_dma semaphore(%arg12 : memref<!tpu.dma_semaphore, #tpu.memory_space<semaphore_mem>>) src(%dma_wait3A_202 : memref<10240x128xf32, #tpu.memory_space<hbm>>) dst(%arg8 : memref<128x128xf32, #tpu.memory_space<vmem>>)
      %run_scoped3A_203 = arith.constant 7 : i32
      "tpu.region"() ({
        %run_scoped3A_205 = tpu.sem_alloc : memref<!tpu.dma_semaphore, #tpu.memory_space<semaphore_mem>>
        %dma_start3A_206 = arith.constant 0 : i32
        %dma_start3A_207 = tpu.memref_slice %arg6[%run_scoped3A_203, %dma_start3A_206] : memref<8x128xi32, #tpu.memory_space<vmem>> -> memref<1x128xi32, #tpu.memory_space<vmem>>
        %dma_start3A_208 = tpu.memref_squeeze %dma_start3A_207 : memref<1x128xi32, #tpu.memory_space<vmem>> -> memref<128xi32, #tpu.memory_space<vmem>>
        %dma_start3A_209 = arith.constant 0 : i32
        %dma_start3A_210 = arith.constant 0 : i32
        %dma_start3A_211 = tpu.memref_slice %arg10[%dma_start3A_209, %dma_start3A_210] : memref<10240x128xf32, #tpu.memory_space<vmem_shared>> -> memref<10240x128xf32, #tpu.memory_space<vmem_shared>>
        tpu.enqueue_indirect_dma source(%arg8 : memref<128x128xf32, #tpu.memory_space<vmem>>) target(%dma_start3A_211 : memref<10240x128xf32, #tpu.memory_space<vmem_shared>>) offsets(%dma_start3A_208 : memref<128xi32, #tpu.memory_space<vmem>>) semaphore(%run_scoped3A_205 : memref<!tpu.dma_semaphore, #tpu.memory_space<semaphore_mem>>) {add = true}
        %dma_wait3A_212 = arith.constant 0 : i32
        %dma_wait3A_213 = tpu.memref_slice %arg6[%run_scoped3A_203, %dma_wait3A_212] : memref<8x128xi32, #tpu.memory_space<vmem>> -> memref<1x128xi32, #tpu.memory_space<vmem>>
        %dma_wait3A_214 = tpu.memref_squeeze %dma_wait3A_213 : memref<1x128xi32, #tpu.memory_space<vmem>> -> memref<128xi32, #tpu.memory_space<vmem>>
        %dma_wait3A_215 = arith.constant 0 : i32
        %dma_wait3A_216 = arith.constant 0 : i32
        %dma_wait3A_217 = tpu.memref_slice %arg10[%dma_wait3A_215, %dma_wait3A_216] : memref<10240x128xf32, #tpu.memory_space<vmem_shared>> -> memref<10240x128xf32, #tpu.memory_space<vmem_shared>>
        tpu.wait_indirect_dma semaphore(%run_scoped3A_205 : memref<!tpu.dma_semaphore, #tpu.memory_space<semaphore_mem>>) src(%arg8 : memref<128x128xf32, #tpu.memory_space<vmem>>) dst(%dma_wait3A_217 : memref<10240x128xf32, #tpu.memory_space<vmem_shared>>)
        tpu.yield
      }) : () -> ()
      %while3A_204 = arith.constant 0 : i32
      scf.yield %while3A_204 : i32
    }
    %eq3A = arith.constant 31 : i32
    %eq3A_68 = arith.cmpi eq, %add3A, %eq3A : i32
    %convert_element_type3A = arith.extui %eq3A_68 : i1 to i32
    %cond3A = arith.constant 0 : i32
    %cond3A_69 = arith.cmpi ne, %convert_element_type3A, %cond3A : i32
    scf.if %cond3A_69 {
      "tpu.region"() ({
        %run_scoped3A_139 = tpu.sem_alloc : memref<!tpu.dma_semaphore, #tpu.memory_space<semaphore_mem>>
        %dma_start3A_140 = arith.constant 0 : i32
        %dma_start3A_141 = arith.constant 0 : i32
        %dma_start3A_142 = tpu.memref_slice %arg5[%dma_start3A_140, %dma_start3A_141] : memref<2x1024xi32, #tpu.memory_space<vmem>> -> memref<2x512xi32, #tpu.memory_space<vmem>>
        %dma_start3A_143 = arith.constant 0 : i32
        %dma_start3A_144 = arith.constant 319488 : i32
        %dma_start3A_145 = tpu.memref_slice %arg2[%dma_start3A_143, %dma_start3A_144] : memref<2x320000xi32, #tpu.memory_space<hbm>> -> memref<2x512xi32, #tpu.memory_space<hbm>>
        %dma_start3A_146 = arith.constant 0 : i32
        %dma_start3A_147 = arith.constant 0 : i32
        %dma_start3A_148 = tpu.memref_slice %arg5[%dma_start3A_146, %dma_start3A_147] : memref<2x1024xi32, #tpu.memory_space<vmem>> -> memref<2x512xi32, #tpu.memory_space<vmem>>
        %dma_start3A_149 = arith.constant 0 : i32
        %dma_start3A_150 = arith.constant 319488 : i32
        %dma_start3A_151 = tpu.memref_slice %arg2[%dma_start3A_149, %dma_start3A_150] : memref<2x320000xi32, #tpu.memory_space<hbm>> -> memref<2x512xi32, #tpu.memory_space<hbm>>
        tpu.enqueue_dma source(%dma_start3A_151 : memref<2x512xi32, #tpu.memory_space<hbm>>) target(%dma_start3A_148 : memref<2x512xi32, #tpu.memory_space<vmem>>) target_semaphore(%run_scoped3A_139 : memref<!tpu.dma_semaphore, #tpu.memory_space<semaphore_mem>>)
        %dma_wait3A_152 = arith.constant 0 : i32
        %dma_wait3A_153 = arith.constant 0 : i32
        %dma_wait3A_154 = tpu.memref_slice %arg5[%dma_wait3A_152, %dma_wait3A_153] : memref<2x1024xi32, #tpu.memory_space<vmem>> -> memref<2x512xi32, #tpu.memory_space<vmem>>
        %dma_wait3A_155 = arith.constant 0 : i32
        %dma_wait3A_156 = arith.constant 319488 : i32
        %dma_wait3A_157 = tpu.memref_slice %arg2[%dma_wait3A_155, %dma_wait3A_156] : memref<2x320000xi32, #tpu.memory_space<hbm>> -> memref<2x512xi32, #tpu.memory_space<hbm>>
        %dma_wait3A_158 = arith.constant 0 : i32
        %dma_wait3A_159 = arith.constant 0 : i32
        %dma_wait3A_160 = tpu.memref_slice %arg5[%dma_wait3A_158, %dma_wait3A_159] : memref<2x1024xi32, #tpu.memory_space<vmem>> -> memref<2x512xi32, #tpu.memory_space<vmem>>
        %dma_wait3A_161 = arith.constant 0 : i32
        %dma_wait3A_162 = arith.constant 319488 : i32
        %dma_wait3A_163 = tpu.memref_slice %arg2[%dma_wait3A_161, %dma_wait3A_162] : memref<2x320000xi32, #tpu.memory_space<hbm>> -> memref<2x512xi32, #tpu.memory_space<hbm>>
        tpu.wait_dma2 semaphore(%run_scoped3A_139 : memref<!tpu.dma_semaphore, #tpu.memory_space<semaphore_mem>>) src(%dma_wait3A_163 : memref<2x512xi32, #tpu.memory_space<hbm>>) dst(%dma_wait3A_160 : memref<2x512xi32, #tpu.memory_space<vmem>>)
        tpu.yield
      }) : () -> ()
      %scan3A_75 = arith.constant 0 : i32
      %scan3A_76 = arith.constant 0 : i32
      %scan3A_77 = arith.constant 32 : i32
      %scan3A_78 = arith.addi %scan3A_76, %scan3A_77 : i32
      %scan3A_79 = arith.constant 1 : i32
      %scan3A_80 = scf.for %scan3A_139 = %scan3A_76 to %scan3A_78 step %scan3A_79 iter_args(%scan3A_140 = %scan3A_75) -> (i32)  : i32 {
        %jit3A_141 = arith.constant 8 : i32
        %div3A = arith.divsi %scan3A_139, %jit3A_141 : i32
        %sign3A = arith.constant 0 : i32
        %sign3A_142 = arith.cmpi sgt, %scan3A_139, %sign3A : i32
        %sign3A_143 = arith.extui %sign3A_142 : i1 to i32
        %sign3A_144 = arith.constant 0 : i32
        %sign3A_145 = arith.cmpi slt, %scan3A_139, %sign3A_144 : i32
        %sign3A_146 = arith.extui %sign3A_145 : i1 to i32
        %sign3A_147 = arith.subi %sign3A_143, %sign3A_146 : i32
        %sign3A_148 = arith.constant 0 : i32
        %sign3A_149 = arith.cmpi sgt, %jit3A_141, %sign3A_148 : i32
        %sign3A_150 = arith.extui %sign3A_149 : i1 to i32
        %sign3A_151 = arith.constant 0 : i32
        %sign3A_152 = arith.cmpi slt, %jit3A_141, %sign3A_151 : i32
        %sign3A_153 = arith.extui %sign3A_152 : i1 to i32
        %sign3A_154 = arith.subi %sign3A_150, %sign3A_153 : i32
        %ne3A = arith.cmpi ne, %sign3A_147, %sign3A_154 : i32
        %rem3A = arith.remsi %scan3A_139, %jit3A_141 : i32
        %ne3A_155 = arith.constant 0 : i32
        %ne3A_156 = arith.cmpi ne, %rem3A, %ne3A_155 : i32
        %and3A = arith.andi %ne3A, %ne3A_156 : i1
        %sub3A_157 = arith.constant 1 : i32
        %sub3A_158 = arith.subi %div3A, %sub3A_157 : i32
        %select_n3A_159 = arith.select %and3A, %sub3A_158, %div3A : i32
        %jit3A_160 = arith.constant 8 : i32
        %eq3A_161 = arith.constant 0 : i32
        %eq3A_162 = arith.cmpi eq, %jit3A_160, %eq3A_161 : i32
        %jit3A_163 = arith.constant 1 : i32
        %select_n3A_164 = arith.select %eq3A_162, %jit3A_163, %jit3A_160 : i32
        %rem3A_165 = arith.remsi %scan3A_139, %select_n3A_164 : i32
        %ne3A_166 = arith.constant 0 : i32
        %ne3A_167 = arith.cmpi ne, %rem3A_165, %ne3A_166 : i32
        %lt3A_168 = arith.constant 0 : i32
        %lt3A_169 = arith.cmpi slt, %rem3A_165, %lt3A_168 : i32
        %lt3A_170 = arith.constant 0 : i32
        %lt3A_171 = arith.cmpi slt, %select_n3A_164, %lt3A_170 : i32
        %ne3A_172 = arith.xori %lt3A_169, %lt3A_171 : i1
        %and3A_173 = arith.andi %ne3A_172, %ne3A_167 : i1
        %add3A_174 = arith.addi %rem3A_165, %select_n3A_164 : i32
        %select_n3A_175 = arith.select %and3A_173, %add3A_174, %rem3A_165 : i32
        %mul3A_176 = arith.constant 128 : i32
        %mul3A_177 = arith.muli %select_n3A_159, %mul3A_176 : i32
        %mul3A_178 = arith.constant 16 : i32
        %mul3A_179 = arith.muli %select_n3A_175, %mul3A_178 : i32
        %add3A_180 = arith.addi %mul3A_177, %mul3A_179 : i32
        %get3A = arith.constant 0 : i32
        %get3A_181 = arith.index_cast %get3A : i32 to index
        %get3A_182 = arith.index_cast %add3A_180 : i32 to index
        %get3A_183 = tpu.vector_load %arg5[%get3A_181, %get3A_182] {strides = array<i32>} : memref<2x1024xi32, #tpu.memory_space<vmem>>, vector<1x16xi32>,
        %get3A_184 = vector.shape_cast %get3A_183 : vector<1x16xi32> to vector<16xi32>
        %get3A_185 = arith.constant 1 : i32
        %get3A_186 = arith.index_cast %get3A_185 : i32 to index
        %get3A_187 = arith.index_cast %add3A_180 : i32 to index
        %get3A_188 = tpu.vector_load %arg5[%get3A_186, %get3A_187] {strides = array<i32>} : memref<2x1024xi32, #tpu.memory_space<vmem>>, vector<1x16xi32>,
        %get3A_189 = vector.shape_cast %get3A_188 : vector<1x16xi32> to vector<16xi32>
        %add3A_190 = arith.constant 0 : i32
        %add3A_191 = arith.addi %scan3A_139, %add3A_190 : i32
        %jit3A_192 = arith.constant 15 : i32
        %eq3A_193 = arith.constant 0 : i32
        %eq3A_194 = arith.cmpi eq, %jit3A_192, %eq3A_193 : i32
        %jit3A_195 = arith.constant 1 : i32
        %select_n3A_196 = arith.select %eq3A_194, %jit3A_195, %jit3A_192 : i32
        %rem3A_197 = arith.remsi %add3A_191, %select_n3A_196 : i32
        %ne3A_198 = arith.constant 0 : i32
        %ne3A_199 = arith.cmpi ne, %rem3A_197, %ne3A_198 : i32
        %lt3A_200 = arith.constant 0 : i32
        %lt3A_201 = arith.cmpi slt, %rem3A_197, %lt3A_200 : i32
        %lt3A_202 = arith.constant 0 : i32
        %lt3A_203 = arith.cmpi slt, %select_n3A_196, %lt3A_202 : i32
        %ne3A_204 = arith.xori %lt3A_201, %lt3A_203 : i1
        %and3A_205 = arith.andi %ne3A_204, %ne3A_199 : i1
        %add3A_206 = arith.addi %rem3A_197, %select_n3A_196 : i32
        %select_n3A_207 = arith.select %and3A_205, %add3A_206, %rem3A_197 : i32
        %mul3A_208 = arith.constant 16 : i32
        %mul3A_209 = arith.muli %select_n3A_207, %mul3A_208 : i32
        %add3A_210 = arith.constant 10000 : i32
        %add3A_211 = arith.addi %add3A_210, %mul3A_209 : i32
        %add3A_212 = vector.broadcast %add3A_211 : i32 to vector<16xi32>
        %add3A_213 = arith.addi %add3A_212, %iota3A : vector<16xi32>
        %eq3A_214 = arith.cmpi eq, %get3A_184, %get3A_189 : vector<16xi32>
        %select_n3A_215 = arith.select %eq3A_214, %add3A_213, %get3A_189 : vector<16xi1>, vector<16xi32>
        %mul3A_216 = arith.constant 16 : i32
        %mul3A_217 = arith.muli %select_n3A_175, %mul3A_216 : i32
        %swap3A = arith.index_cast %select_n3A_159 : i32 to index
        %swap3A_218 = arith.index_cast %mul3A_217 : i32 to index
        %swap3A_219 = tpu.vector_load %arg6[%swap3A, %swap3A_218] {strides = array<i32>} : memref<8x128xi32, #tpu.memory_space<vmem>>, vector<1x16xi32>,
        %swap3A_220 = vector.shape_cast %swap3A_219 : vector<1x16xi32> to vector<16xi32>
        %swap3A_221 = vector.shape_cast %select_n3A_215 : vector<16xi32> to vector<1x16xi32>
        tpu.vector_store %arg6[%swap3A, %swap3A_218], %swap3A_221 {strides = array<i32>} : memref<8x128xi32, #tpu.memory_space<vmem>>, vector<1x16xi32>,
        %scan3A_222 = arith.constant 0 : i32
        scf.yield %scan3A_222 : i32
      }
      %scan3A_81 = arith.constant 32 : i32
      %dma_start3A = arith.constant 0 : i32
      %dma_start3A_82 = arith.constant 0 : i32
      %dma_start3A_83 = tpu.memref_slice %arg5[%dma_start3A, %dma_start3A_82] : memref<2x1024xi32, #tpu.memory_space<vmem>> -> memref<1x128xi32, #tpu.memory_space<vmem>>
      %dma_start3A_84 = tpu.memref_squeeze %dma_start3A_83 : memref<1x128xi32, #tpu.memory_space<vmem>> -> memref<128xi32, #tpu.memory_space<vmem>>
      %dma_start3A_85 = arith.constant 0 : i32
      %dma_start3A_86 = arith.constant 0 : i32
      %dma_start3A_87 = tpu.memref_slice %arg3[%dma_start3A_85, %dma_start3A_86] : memref<10240x128xf32, #tpu.memory_space<hbm>> -> memref<10240x128xf32, #tpu.memory_space<hbm>>
      tpu.enqueue_indirect_dma source(%dma_start3A_87 : memref<10240x128xf32, #tpu.memory_space<hbm>>) target(%arg7 : memref<128x128xf32, #tpu.memory_space<vmem>>) offsets(%dma_start3A_84 : memref<128xi32, #tpu.memory_space<vmem>>) semaphore(%arg11 : memref<!tpu.dma_semaphore, #tpu.memory_space<semaphore_mem>>)
      %dma_start3A_88 = arith.constant 0 : i32
      %dma_start3A_89 = arith.constant 128 : i32
      %dma_start3A_90 = tpu.memref_slice %arg5[%dma_start3A_88, %dma_start3A_89] : memref<2x1024xi32, #tpu.memory_space<vmem>> -> memref<1x128xi32, #tpu.memory_space<vmem>>
      %dma_start3A_91 = tpu.memref_squeeze %dma_start3A_90 : memref<1x128xi32, #tpu.memory_space<vmem>> -> memref<128xi32, #tpu.memory_space<vmem>>
      %dma_start3A_92 = arith.constant 0 : i32
      %dma_start3A_93 = arith.constant 0 : i32
      %dma_start3A_94 = tpu.memref_slice %arg3[%dma_start3A_92, %dma_start3A_93] : memref<10240x128xf32, #tpu.memory_space<hbm>> -> memref<10240x128xf32, #tpu.memory_space<hbm>>
      tpu.enqueue_indirect_dma source(%dma_start3A_94 : memref<10240x128xf32, #tpu.memory_space<hbm>>) target(%arg8 : memref<128x128xf32, #tpu.memory_space<vmem>>) offsets(%dma_start3A_91 : memref<128xi32, #tpu.memory_space<vmem>>) semaphore(%arg12 : memref<!tpu.dma_semaphore, #tpu.memory_space<semaphore_mem>>)
      %dma_wait3A = arith.constant 0 : i32
      %dma_wait3A_95 = arith.constant 0 : i32
      %dma_wait3A_96 = tpu.memref_slice %arg5[%dma_wait3A, %dma_wait3A_95] : memref<2x1024xi32, #tpu.memory_space<vmem>> -> memref<1x128xi32, #tpu.memory_space<vmem>>
      %dma_wait3A_97 = tpu.memref_squeeze %dma_wait3A_96 : memref<1x128xi32, #tpu.memory_space<vmem>> -> memref<128xi32, #tpu.memory_space<vmem>>
      %dma_wait3A_98 = arith.constant 0 : i32
      %dma_wait3A_99 = arith.constant 0 : i32
      %dma_wait3A_100 = tpu.memref_slice %arg3[%dma_wait3A_98, %dma_wait3A_99] : memref<10240x128xf32, #tpu.memory_space<hbm>> -> memref<10240x128xf32, #tpu.memory_space<hbm>>
      tpu.wait_indirect_dma semaphore(%arg11 : memref<!tpu.dma_semaphore, #tpu.memory_space<semaphore_mem>>) src(%dma_wait3A_100 : memref<10240x128xf32, #tpu.memory_space<hbm>>) dst(%arg7 : memref<128x128xf32, #tpu.memory_space<vmem>>)
      %run_scoped3A = arith.constant 0 : i32
      "tpu.region"() ({
        %run_scoped3A_139 = tpu.sem_alloc : memref<!tpu.dma_semaphore, #tpu.memory_space<semaphore_mem>>
        %dma_start3A_140 = arith.constant 0 : i32
        %dma_start3A_141 = tpu.memref_slice %arg6[%run_scoped3A, %dma_start3A_140] : memref<8x128xi32, #tpu.memory_space<vmem>> -> memref<1x128xi32, #tpu.memory_space<vmem>>
        %dma_start3A_142 = tpu.memref_squeeze %dma_start3A_141 : memref<1x128xi32, #tpu.memory_space<vmem>> -> memref<128xi32, #tpu.memory_space<vmem>>
        %dma_start3A_143 = arith.constant 0 : i32
        %dma_start3A_144 = arith.constant 0 : i32
        %dma_start3A_145 = tpu.memref_slice %arg10[%dma_start3A_143, %dma_start3A_144] : memref<10240x128xf32, #tpu.memory_space<vmem_shared>> -> memref<10240x128xf32, #tpu.memory_space<vmem_shared>>
        tpu.enqueue_indirect_dma source(%arg7 : memref<128x128xf32, #tpu.memory_space<vmem>>) target(%dma_start3A_145 : memref<10240x128xf32, #tpu.memory_space<vmem_shared>>) offsets(%dma_start3A_142 : memref<128xi32, #tpu.memory_space<vmem>>) semaphore(%run_scoped3A_139 : memref<!tpu.dma_semaphore, #tpu.memory_space<semaphore_mem>>) {add = true}
        %dma_wait3A_146 = arith.constant 0 : i32
        %dma_wait3A_147 = tpu.memref_slice %arg6[%run_scoped3A, %dma_wait3A_146] : memref<8x128xi32, #tpu.memory_space<vmem>> -> memref<1x128xi32, #tpu.memory_space<vmem>>
        %dma_wait3A_148 = tpu.memref_squeeze %dma_wait3A_147 : memref<1x128xi32, #tpu.memory_space<vmem>> -> memref<128xi32, #tpu.memory_space<vmem>>
        %dma_wait3A_149 = arith.constant 0 : i32
        %dma_wait3A_150 = arith.constant 0 : i32
        %dma_wait3A_151 = tpu.memref_slice %arg10[%dma_wait3A_149, %dma_wait3A_150] : memref<10240x128xf32, #tpu.memory_space<vmem_shared>> -> memref<10240x128xf32, #tpu.memory_space<vmem_shared>>
        tpu.wait_indirect_dma semaphore(%run_scoped3A_139 : memref<!tpu.dma_semaphore, #tpu.memory_space<semaphore_mem>>) src(%arg7 : memref<128x128xf32, #tpu.memory_space<vmem>>) dst(%dma_wait3A_151 : memref<10240x128xf32, #tpu.memory_space<vmem_shared>>)
        tpu.yield
      }) : () -> ()
      %dma_start3A_101 = arith.constant 0 : i32
      %dma_start3A_102 = arith.constant 256 : i32
      %dma_start3A_103 = tpu.memref_slice %arg5[%dma_start3A_101, %dma_start3A_102] : memref<2x1024xi32, #tpu.memory_space<vmem>> -> memref<1x128xi32, #tpu.memory_space<vmem>>
      %dma_start3A_104 = tpu.memref_squeeze %dma_start3A_103 : memref<1x128xi32, #tpu.memory_space<vmem>> -> memref<128xi32, #tpu.memory_space<vmem>>
      %dma_start3A_105 = arith.constant 0 : i32
      %dma_start3A_106 = arith.constant 0 : i32
      %dma_start3A_107 = tpu.memref_slice %arg3[%dma_start3A_105, %dma_start3A_106] : memref<10240x128xf32, #tpu.memory_space<hbm>> -> memref<10240x128xf32, #tpu.memory_space<hbm>>
      tpu.enqueue_indirect_dma source(%dma_start3A_107 : memref<10240x128xf32, #tpu.memory_space<hbm>>) target(%arg7 : memref<128x128xf32, #tpu.memory_space<vmem>>) offsets(%dma_start3A_104 : memref<128xi32, #tpu.memory_space<vmem>>) semaphore(%arg11 : memref<!tpu.dma_semaphore, #tpu.memory_space<semaphore_mem>>)
      %dma_wait3A_108 = arith.constant 0 : i32
      %dma_wait3A_109 = arith.constant 128 : i32
      %dma_wait3A_110 = tpu.memref_slice %arg5[%dma_wait3A_108, %dma_wait3A_109] : memref<2x1024xi32, #tpu.memory_space<vmem>> -> memref<1x128xi32, #tpu.memory_space<vmem>>
      %dma_wait3A_111 = tpu.memref_squeeze %dma_wait3A_110 : memref<1x128xi32, #tpu.memory_space<vmem>> -> memref<128xi32, #tpu.memory_space<vmem>>
      %dma_wait3A_112 = arith.constant 0 : i32
      %dma_wait3A_113 = arith.constant 0 : i32
      %dma_wait3A_114 = tpu.memref_slice %arg3[%dma_wait3A_112, %dma_wait3A_113] : memref<10240x128xf32, #tpu.memory_space<hbm>> -> memref<10240x128xf32, #tpu.memory_space<hbm>>
      tpu.wait_indirect_dma semaphore(%arg12 : memref<!tpu.dma_semaphore, #tpu.memory_space<semaphore_mem>>) src(%dma_wait3A_114 : memref<10240x128xf32, #tpu.memory_space<hbm>>) dst(%arg8 : memref<128x128xf32, #tpu.memory_space<vmem>>)
      %run_scoped3A_115 = arith.constant 1 : i32
      "tpu.region"() ({
        %run_scoped3A_139 = tpu.sem_alloc : memref<!tpu.dma_semaphore, #tpu.memory_space<semaphore_mem>>
        %dma_start3A_140 = arith.constant 0 : i32
        %dma_start3A_141 = tpu.memref_slice %arg6[%run_scoped3A_115, %dma_start3A_140] : memref<8x128xi32, #tpu.memory_space<vmem>> -> memref<1x128xi32, #tpu.memory_space<vmem>>
        %dma_start3A_142 = tpu.memref_squeeze %dma_start3A_141 : memref<1x128xi32, #tpu.memory_space<vmem>> -> memref<128xi32, #tpu.memory_space<vmem>>
        %dma_start3A_143 = arith.constant 0 : i32
        %dma_start3A_144 = arith.constant 0 : i32
        %dma_start3A_145 = tpu.memref_slice %arg10[%dma_start3A_143, %dma_start3A_144] : memref<10240x128xf32, #tpu.memory_space<vmem_shared>> -> memref<10240x128xf32, #tpu.memory_space<vmem_shared>>
        tpu.enqueue_indirect_dma source(%arg8 : memref<128x128xf32, #tpu.memory_space<vmem>>) target(%dma_start3A_145 : memref<10240x128xf32, #tpu.memory_space<vmem_shared>>) offsets(%dma_start3A_142 : memref<128xi32, #tpu.memory_space<vmem>>) semaphore(%run_scoped3A_139 : memref<!tpu.dma_semaphore, #tpu.memory_space<semaphore_mem>>) {add = true}
        %dma_wait3A_146 = arith.constant 0 : i32
        %dma_wait3A_147 = tpu.memref_slice %arg6[%run_scoped3A_115, %dma_wait3A_146] : memref<8x128xi32, #tpu.memory_space<vmem>> -> memref<1x128xi32, #tpu.memory_space<vmem>>
        %dma_wait3A_148 = tpu.memref_squeeze %dma_wait3A_147 : memref<1x128xi32, #tpu.memory_space<vmem>> -> memref<128xi32, #tpu.memory_space<vmem>>
        %dma_wait3A_149 = arith.constant 0 : i32
        %dma_wait3A_150 = arith.constant 0 : i32
        %dma_wait3A_151 = tpu.memref_slice %arg10[%dma_wait3A_149, %dma_wait3A_150] : memref<10240x128xf32, #tpu.memory_space<vmem_shared>> -> memref<10240x128xf32, #tpu.memory_space<vmem_shared>>
        tpu.wait_indirect_dma semaphore(%run_scoped3A_139 : memref<!tpu.dma_semaphore, #tpu.memory_space<semaphore_mem>>) src(%arg8 : memref<128x128xf32, #tpu.memory_space<vmem>>) dst(%dma_wait3A_151 : memref<10240x128xf32, #tpu.memory_space<vmem_shared>>)
        tpu.yield
      }) : () -> ()
      %dma_start3A_116 = arith.constant 0 : i32
      %dma_start3A_117 = arith.constant 384 : i32
      %dma_start3A_118 = tpu.memref_slice %arg5[%dma_start3A_116, %dma_start3A_117] : memref<2x1024xi32, #tpu.memory_space<vmem>> -> memref<1x128xi32, #tpu.memory_space<vmem>>
      %dma_start3A_119 = tpu.memref_squeeze %dma_start3A_118 : memref<1x128xi32, #tpu.memory_space<vmem>> -> memref<128xi32, #tpu.memory_space<vmem>>
      %dma_start3A_120 = arith.constant 0 : i32
      %dma_start3A_121 = arith.constant 0 : i32
      %dma_start3A_122 = tpu.memref_slice %arg3[%dma_start3A_120, %dma_start3A_121] : memref<10240x128xf32, #tpu.memory_space<hbm>> -> memref<10240x128xf32, #tpu.memory_space<hbm>>
      tpu.enqueue_indirect_dma source(%dma_start3A_122 : memref<10240x128xf32, #tpu.memory_space<hbm>>) target(%arg8 : memref<128x128xf32, #tpu.memory_space<vmem>>) offsets(%dma_start3A_119 : memref<128xi32, #tpu.memory_space<vmem>>) semaphore(%arg12 : memref<!tpu.dma_semaphore, #tpu.memory_space<semaphore_mem>>)
      %dma_wait3A_123 = arith.constant 0 : i32
      %dma_wait3A_124 = arith.constant 256 : i32
      %dma_wait3A_125 = tpu.memref_slice %arg5[%dma_wait3A_123, %dma_wait3A_124] : memref<2x1024xi32, #tpu.memory_space<vmem>> -> memref<1x128xi32, #tpu.memory_space<vmem>>
      %dma_wait3A_126 = tpu.memref_squeeze %dma_wait3A_125 : memref<1x128xi32, #tpu.memory_space<vmem>> -> memref<128xi32, #tpu.memory_space<vmem>>
      %dma_wait3A_127 = arith.constant 0 : i32
      %dma_wait3A_128 = arith.constant 0 : i32
      %dma_wait3A_129 = tpu.memref_slice %arg3[%dma_wait3A_127, %dma_wait3A_128] : memref<10240x128xf32, #tpu.memory_space<hbm>> -> memref<10240x128xf32, #tpu.memory_space<hbm>>
      tpu.wait_indirect_dma semaphore(%arg11 : memref<!tpu.dma_semaphore, #tpu.memory_space<semaphore_mem>>) src(%dma_wait3A_129 : memref<10240x128xf32, #tpu.memory_space<hbm>>) dst(%arg7 : memref<128x128xf32, #tpu.memory_space<vmem>>)
      %run_scoped3A_130 = arith.constant 2 : i32
      "tpu.region"() ({
        %run_scoped3A_139 = tpu.sem_alloc : memref<!tpu.dma_semaphore, #tpu.memory_space<semaphore_mem>>
        %dma_start3A_140 = arith.constant 0 : i32
        %dma_start3A_141 = tpu.memref_slice %arg6[%run_scoped3A_130, %dma_start3A_140] : memref<8x128xi32, #tpu.memory_space<vmem>> -> memref<1x128xi32, #tpu.memory_space<vmem>>
        %dma_start3A_142 = tpu.memref_squeeze %dma_start3A_141 : memref<1x128xi32, #tpu.memory_space<vmem>> -> memref<128xi32, #tpu.memory_space<vmem>>
        %dma_start3A_143 = arith.constant 0 : i32
        %dma_start3A_144 = arith.constant 0 : i32
        %dma_start3A_145 = tpu.memref_slice %arg10[%dma_start3A_143, %dma_start3A_144] : memref<10240x128xf32, #tpu.memory_space<vmem_shared>> -> memref<10240x128xf32, #tpu.memory_space<vmem_shared>>
        tpu.enqueue_indirect_dma source(%arg7 : memref<128x128xf32, #tpu.memory_space<vmem>>) target(%dma_start3A_145 : memref<10240x128xf32, #tpu.memory_space<vmem_shared>>) offsets(%dma_start3A_142 : memref<128xi32, #tpu.memory_space<vmem>>) semaphore(%run_scoped3A_139 : memref<!tpu.dma_semaphore, #tpu.memory_space<semaphore_mem>>) {add = true}
        %dma_wait3A_146 = arith.constant 0 : i32
        %dma_wait3A_147 = tpu.memref_slice %arg6[%run_scoped3A_130, %dma_wait3A_146] : memref<8x128xi32, #tpu.memory_space<vmem>> -> memref<1x128xi32, #tpu.memory_space<vmem>>
        %dma_wait3A_148 = tpu.memref_squeeze %dma_wait3A_147 : memref<1x128xi32, #tpu.memory_space<vmem>> -> memref<128xi32, #tpu.memory_space<vmem>>
        %dma_wait3A_149 = arith.constant 0 : i32
        %dma_wait3A_150 = arith.constant 0 : i32
        %dma_wait3A_151 = tpu.memref_slice %arg10[%dma_wait3A_149, %dma_wait3A_150] : memref<10240x128xf32, #tpu.memory_space<vmem_shared>> -> memref<10240x128xf32, #tpu.memory_space<vmem_shared>>
        tpu.wait_indirect_dma semaphore(%run_scoped3A_139 : memref<!tpu.dma_semaphore, #tpu.memory_space<semaphore_mem>>) src(%arg7 : memref<128x128xf32, #tpu.memory_space<vmem>>) dst(%dma_wait3A_151 : memref<10240x128xf32, #tpu.memory_space<vmem_shared>>)
        tpu.yield
      }) : () -> ()
      %dma_wait3A_131 = arith.constant 0 : i32
      %dma_wait3A_132 = arith.constant 384 : i32
      %dma_wait3A_133 = tpu.memref_slice %arg5[%dma_wait3A_131, %dma_wait3A_132] : memref<2x1024xi32, #tpu.memory_space<vmem>> -> memref<1x128xi32, #tpu.memory_space<vmem>>
      %dma_wait3A_134 = tpu.memref_squeeze %dma_wait3A_133 : memref<1x128xi32, #tpu.memory_space<vmem>> -> memref<128xi32, #tpu.memory_space<vmem>>
      %dma_wait3A_135 = arith.constant 0 : i32
      %dma_wait3A_136 = arith.constant 0 : i32
      %dma_wait3A_137 = tpu.memref_slice %arg3[%dma_wait3A_135, %dma_wait3A_136] : memref<10240x128xf32, #tpu.memory_space<hbm>> -> memref<10240x128xf32, #tpu.memory_space<hbm>>
      tpu.wait_indirect_dma semaphore(%arg12 : memref<!tpu.dma_semaphore, #tpu.memory_space<semaphore_mem>>) src(%dma_wait3A_137 : memref<10240x128xf32, #tpu.memory_space<hbm>>) dst(%arg8 : memref<128x128xf32, #tpu.memory_space<vmem>>)
      %run_scoped3A_138 = arith.constant 3 : i32
      "tpu.region"() ({
        %run_scoped3A_139 = tpu.sem_alloc : memref<!tpu.dma_semaphore, #tpu.memory_space<semaphore_mem>>
        %dma_start3A_140 = arith.constant 0 : i32
        %dma_start3A_141 = tpu.memref_slice %arg6[%run_scoped3A_138, %dma_start3A_140] : memref<8x128xi32, #tpu.memory_space<vmem>> -> memref<1x128xi32, #tpu.memory_space<vmem>>
        %dma_start3A_142 = tpu.memref_squeeze %dma_start3A_141 : memref<1x128xi32, #tpu.memory_space<vmem>> -> memref<128xi32, #tpu.memory_space<vmem>>
        %dma_start3A_143 = arith.constant 0 : i32
        %dma_start3A_144 = arith.constant 0 : i32
        %dma_start3A_145 = tpu.memref_slice %arg10[%dma_start3A_143, %dma_start3A_144] : memref<10240x128xf32, #tpu.memory_space<vmem_shared>> -> memref<10240x128xf32, #tpu.memory_space<vmem_shared>>
        tpu.enqueue_indirect_dma source(%arg8 : memref<128x128xf32, #tpu.memory_space<vmem>>) target(%dma_start3A_145 : memref<10240x128xf32, #tpu.memory_space<vmem_shared>>) offsets(%dma_start3A_142 : memref<128xi32, #tpu.memory_space<vmem>>) semaphore(%run_scoped3A_139 : memref<!tpu.dma_semaphore, #tpu.memory_space<semaphore_mem>>) {add = true}
        %dma_wait3A_146 = arith.constant 0 : i32
        %dma_wait3A_147 = tpu.memref_slice %arg6[%run_scoped3A_138, %dma_wait3A_146] : memref<8x128xi32, #tpu.memory_space<vmem>> -> memref<1x128xi32, #tpu.memory_space<vmem>>
        %dma_wait3A_148 = tpu.memref_squeeze %dma_wait3A_147 : memref<1x128xi32, #tpu.memory_space<vmem>> -> memref<128xi32, #tpu.memory_space<vmem>>
        %dma_wait3A_149 = arith.constant 0 : i32
        %dma_wait3A_150 = arith.constant 0 : i32
        %dma_wait3A_151 = tpu.memref_slice %arg10[%dma_wait3A_149, %dma_wait3A_150] : memref<10240x128xf32, #tpu.memory_space<vmem_shared>> -> memref<10240x128xf32, #tpu.memory_space<vmem_shared>>
        tpu.wait_indirect_dma semaphore(%run_scoped3A_139 : memref<!tpu.dma_semaphore, #tpu.memory_space<semaphore_mem>>) src(%arg8 : memref<128x128xf32, #tpu.memory_space<vmem>>) dst(%dma_wait3A_151 : memref<10240x128xf32, #tpu.memory_space<vmem_shared>>)
        tpu.yield
      }) : () -> ()
    } else {
    }
    %barrier3A_70 = arith.constant 0 : index
    tpu.barrier barrier_id(%barrier3A_70)
    %mul3A_71 = arith.constant 640 : i32
    %mul3A_72 = arith.muli %arg1, %mul3A_71 : i32
    %mul3A_73 = arith.constant 640 : i32
    %mul3A_74 = arith.muli %arg1, %mul3A_73 : i32
    "tpu.region"() ({
      %run_scoped3A = tpu.sem_alloc : memref<!tpu.dma_semaphore, #tpu.memory_space<semaphore_mem>>
      %dma_start3A = arith.constant 0 : i32
      %dma_start3A_75 = tpu.memref_slice %arg4[%arg0, %mul3A_74, %dma_start3A] : memref<2x10240x128xf32, #tpu.memory_space<hbm>> -> memref<1x640x128xf32, #tpu.memory_space<hbm>>
      %dma_start3A_76 = tpu.memref_squeeze %dma_start3A_75 : memref<1x640x128xf32, #tpu.memory_space<hbm>> -> memref<640x128xf32, #tpu.memory_space<hbm>>
      %dma_start3A_77 = arith.constant 0 : i32
      %dma_start3A_78 = tpu.memref_slice %arg10[%mul3A_72, %dma_start3A_77] : memref<10240x128xf32, #tpu.memory_space<vmem_shared>> -> memref<640x128xf32, #tpu.memory_space<vmem_shared>>
      tpu.enqueue_dma source(%dma_start3A_78 : memref<640x128xf32, #tpu.memory_space<vmem_shared>>) target(%dma_start3A_76 : memref<640x128xf32, #tpu.memory_space<hbm>>) target_semaphore(%run_scoped3A : memref<!tpu.dma_semaphore, #tpu.memory_space<semaphore_mem>>)
      %dma_wait3A = arith.constant 0 : i32
      %dma_wait3A_79 = tpu.memref_slice %arg4[%arg0, %mul3A_74, %dma_wait3A] : memref<2x10240x128xf32, #tpu.memory_space<hbm>> -> memref<1x640x128xf32, #tpu.memory_space<hbm>>
      %dma_wait3A_80 = tpu.memref_squeeze %dma_wait3A_79 : memref<1x640x128xf32, #tpu.memory_space<hbm>> -> memref<640x128xf32, #tpu.memory_space<hbm>>
      %dma_wait3A_81 = arith.constant 0 : i32
      %dma_wait3A_82 = tpu.memref_slice %arg10[%mul3A_72, %dma_wait3A_81] : memref<10240x128xf32, #tpu.memory_space<vmem_shared>> -> memref<640x128xf32, #tpu.memory_space<vmem_shared>>
      tpu.wait_dma2 semaphore(%run_scoped3A : memref<!tpu.dma_semaphore, #tpu.memory_space<semaphore_mem>>) src(%dma_wait3A_82 : memref<640x128xf32, #tpu.memory_space<vmem_shared>>) dst(%dma_wait3A_80 : memref<640x128xf32, #tpu.memory_space<hbm>>)
      tpu.yield
    }) : () -> ()
    return
  }
}

module attributes {stable_mosaic.version = 14 : i64} {
  func.func @_tc_mm_body(%arg0: i32, %arg1: memref<1024x128xf32, #tpu.memory_space<vmem>>, %arg2: memref<128x128xf32, #tpu.memory_space<vmem>>, %arg3: memref<128x128xf32, #tpu.memory_space<vmem>>, %arg4: memref<1x128xf32, #tpu.memory_space<vmem>>, %arg5: memref<1024x128xf32, #tpu.memory_space<vmem>>, %arg6: memref<1024x128xf32, #tpu.memory_space<vmem>>) attributes {dimension_semantics = [#tpu.dimension_semantics<arbitrary>], iteration_bounds = array<i64: 10>, scalar_prefetch = 0 : i64, scratch_operands = 0 : i64, tpu.core_type = #tpu.core_type<tc>, window_params = [{transform_indices = @transform_0, window_bounds = array<i64: 1024, 128>}, {pipeline_mode = #tpu.pipeline_mode<synchronous>, transform_indices = @transform_1, window_bounds = array<i64: 128, 128>}, {pipeline_mode = #tpu.pipeline_mode<synchronous>, transform_indices = @transform_2, window_bounds = array<i64: 128, 128>}, {pipeline_mode = #tpu.pipeline_mode<synchronous>, transform_indices = @transform_3, window_bounds = array<i64: 1, 128>}, {transform_indices = @transform_4, window_bounds = array<i64: 1024, 128>}, {transform_indices = @transform_5, window_bounds = array<i64: 1024, 128>}]} {
    %get3A = arith.constant 0 : index
    %get3A_0 = arith.constant 0 : index
    %get3A_1 = vector.load %arg1[%get3A, %get3A_0] : memref<1024x128xf32, #tpu.memory_space<vmem>>, vector<1024x128xf32>
    %get3A_2 = arith.constant 0 : index
    %get3A_3 = arith.constant 0 : index
    %get3A_4 = vector.load %arg2[%get3A_2, %get3A_3] : memref<128x128xf32, #tpu.memory_space<vmem>>, vector<128x128xf32>
    %dot_general3A = arith.constant dense<0.000000e+00> : vector<1024x128xf32>
    %dot_general3A_5 = tpu.matmul %get3A_1, %get3A_4, %dot_general3A {dimension_numbers = #tpu.dot_dimension_numbers<[1], [0], [0], [1], [0, 0, 1, 1], [], []>, transpose_lhs_hint = false} : vector<1024x128xf32>, vector<128x128xf32>, vector<1024x128xf32> -> vector<1024x128xf32>
    %get3A_6 = arith.constant 0 : index
    %get3A_7 = arith.constant 0 : index
    %get3A_8 = vector.load %arg4[%get3A_6, %get3A_7] : memref<1x128xf32, #tpu.memory_space<vmem>>, vector<1x128xf32>
    %add3A = vector.broadcast %get3A_8 : vector<1x128xf32> to vector<1024x128xf32>
    %add3A_9 = arith.addf %dot_general3A_5, %add3A : vector<1024x128xf32>
    %swap3A = arith.constant 0 : index
    %swap3A_10 = arith.constant 0 : index
    %swap3A_11 = vector.load %arg5[%swap3A, %swap3A_10] : memref<1024x128xf32, #tpu.memory_space<vmem>>, vector<1024x128xf32>
    tpu.vector_store %arg5[%swap3A, %swap3A_10], %add3A_9 {strides = array<i32>} : memref<1024x128xf32, #tpu.memory_space<vmem>>, vector<1024x128xf32>,
    %get3A_12 = arith.constant 0 : index
    %get3A_13 = arith.constant 0 : index
    %get3A_14 = vector.load %arg3[%get3A_12, %get3A_13] : memref<128x128xf32, #tpu.memory_space<vmem>>, vector<128x128xf32>
    %dot_general3A_15 = arith.constant dense<0.000000e+00> : vector<1024x128xf32>
    %dot_general3A_16 = tpu.matmul %get3A_1, %get3A_14, %dot_general3A_15 {dimension_numbers = #tpu.dot_dimension_numbers<[1], [0], [0], [1], [0, 0, 1, 1], [], []>, transpose_lhs_hint = false} : vector<1024x128xf32>, vector<128x128xf32>, vector<1024x128xf32> -> vector<1024x128xf32>
    %swap3A_17 = arith.constant 0 : index
    %swap3A_18 = arith.constant 0 : index
    %swap3A_19 = vector.load %arg6[%swap3A_17, %swap3A_18] : memref<1024x128xf32, #tpu.memory_space<vmem>>, vector<1024x128xf32>
    tpu.vector_store %arg6[%swap3A_17, %swap3A_18], %dot_general3A_16 {strides = array<i32>} : memref<1024x128xf32, #tpu.memory_space<vmem>>, vector<1024x128xf32>,
    return
  }
  func.func @transform_0(%arg0: i32) -> (i32, i32) {
    %c0_i32 = arith.constant 0 : i32
    %c0_i32_0 = arith.constant 0 : i32
    return %arg0, %c0_i32 : i32, i32
  }
  func.func @transform_1(%arg0: i32) -> (i32, i32) {
    %c0_i32 = arith.constant 0 : i32
    %c0_i32_0 = arith.constant 0 : i32
    %c0_i32_1 = arith.constant 0 : i32
    return %c0_i32, %c0_i32_0 : i32, i32
  }
  func.func @transform_2(%arg0: i32) -> (i32, i32) {
    %c0_i32 = arith.constant 0 : i32
    %c0_i32_0 = arith.constant 0 : i32
    %c0_i32_1 = arith.constant 0 : i32
    return %c0_i32, %c0_i32_0 : i32, i32
  }
  func.func @transform_3(%arg0: i32) -> (i32, i32) {
    %c0_i32 = arith.constant 0 : i32
    %c0_i32_0 = arith.constant 0 : i32
    %c0_i32_1 = arith.constant 0 : i32
    return %c0_i32, %c0_i32_0 : i32, i32
  }
  func.func @transform_4(%arg0: i32) -> (i32, i32) {
    %c0_i32 = arith.constant 0 : i32
    %c0_i32_0 = arith.constant 0 : i32
    return %arg0, %c0_i32 : i32, i32
  }
  func.func @transform_5(%arg0: i32) -> (i32, i32) {
    %c0_i32 = arith.constant 0 : i32
    %c0_i32_0 = arith.constant 0 : i32
    return %arg0, %c0_i32 : i32, i32
  }
}

module attributes {stable_mosaic.version = 14 : i64} {
  func.func @_tc_vscale_body(%arg0: i32, %arg1: memref<2x10240xf32, #tpu.memory_space<vmem>>, %arg2: memref<1024x128xf32, #tpu.memory_space<vmem>>, %arg3: memref<1024x128xf32, #tpu.memory_space<vmem>>) attributes {dimension_semantics = [#tpu.dimension_semantics<arbitrary>], iteration_bounds = array<i64: 10>, scalar_prefetch = 0 : i64, scratch_operands = 0 : i64, tpu.core_type = #tpu.core_type<tc>, window_params = [{pipeline_mode = #tpu.pipeline_mode<synchronous>, transform_indices = @transform_0, window_bounds = array<i64: 2, 10240>}, {transform_indices = @transform_1, window_bounds = array<i64: 1024, 128>}, {transform_indices = @transform_2, window_bounds = array<i64: 1024, 128>}]} {
    %iota3A = tpu.iota {dimensions = array<i32: 0>} : vector<128x128xi32>
    %iota3A_0 = tpu.iota {dimensions = array<i32: 1>} : vector<128x128xi32>
    %mul3A = arith.constant 1024 : i32
    %mul3A_1 = arith.muli %arg0, %mul3A : i32
    %add3A = arith.constant 0 : i32
    %add3A_2 = arith.addi %mul3A_1, %add3A : i32
    %get3A = arith.constant 0 : index
    %get3A_3 = arith.index_cast %add3A_2 : i32 to index
    %get3A_4 = vector.load %arg1[%get3A, %get3A_3] : memref<2x10240xf32, #tpu.memory_space<vmem>>, vector<1x128xf32>
    %get3A_5 = arith.constant 1 : index
    %get3A_6 = arith.index_cast %add3A_2 : i32 to index
    %get3A_7 = vector.load %arg1[%get3A_5, %get3A_6] : memref<2x10240xf32, #tpu.memory_space<vmem>>, vector<1x128xf32>
    %add3A_8 = arith.addf %get3A_4, %get3A_7 : vector<1x128xf32>
    %gt3A = arith.constant 0.000000e+00 : f32
    %gt3A_9 = vector.broadcast %gt3A : f32 to vector<1x128xf32>
    %gt3A_10 = arith.cmpf ogt, %add3A_8, %gt3A_9 : vector<1x128xf32>
    %rsqrt3A = math.rsqrt %add3A_8 : vector<1x128xf32>
    %jit3A = arith.constant 0.000000e+00 : f32
    %broadcast_in_dim3A = vector.broadcast %jit3A : f32 to vector<1x128xf32>
    %select_n3A = arith.select %gt3A_10, %rsqrt3A, %broadcast_in_dim3A : vector<1x128xi1>, vector<1x128xf32>
    %eq3A = arith.cmpi eq, %iota3A, %iota3A_0 : vector<128x128xi32>
    %jit3A_11 = arith.constant 0.000000e+00 : f32
    %broadcast_in_dim3A_12 = vector.shape_cast %select_n3A : vector<1x128xf32> to vector<1x128xf32>
    %broadcast_in_dim3A_13 = vector.broadcast %broadcast_in_dim3A_12 : vector<1x128xf32> to vector<128x128xf32>
    %broadcast_in_dim3A_14 = vector.broadcast %jit3A_11 : f32 to vector<128x128xf32>
    %select_n3A_15 = arith.select %eq3A, %broadcast_in_dim3A_13, %broadcast_in_dim3A_14 : vector<128x128xi1>, vector<128x128xf32>
    %reduce_sum3A = arith.constant dense<0.000000e+00> : vector<128xf32>
    %reduce_sum3A_16 = vector.multi_reduction <add>, %select_n3A_15, %reduce_sum3A [1] : vector<128x128xf32> to vector<128xf32>
    %broadcast_in_dim3A_17 = vector.shape_cast %reduce_sum3A_16 : vector<128xf32> to vector<128x1xf32>
    %mul3A_18 = arith.constant 1024 : i32
    %mul3A_19 = arith.muli %arg0, %mul3A_18 : i32
    %add3A_20 = arith.constant 128 : i32
    %add3A_21 = arith.addi %mul3A_19, %add3A_20 : i32
    %get3A_22 = arith.constant 0 : index
    %get3A_23 = arith.index_cast %add3A_21 : i32 to index
    %get3A_24 = vector.load %arg1[%get3A_22, %get3A_23] : memref<2x10240xf32, #tpu.memory_space<vmem>>, vector<1x128xf32>
    %get3A_25 = arith.constant 1 : index
    %get3A_26 = arith.index_cast %add3A_21 : i32 to index
    %get3A_27 = vector.load %arg1[%get3A_25, %get3A_26] : memref<2x10240xf32, #tpu.memory_space<vmem>>, vector<1x128xf32>
    %add3A_28 = arith.addf %get3A_24, %get3A_27 : vector<1x128xf32>
    %gt3A_29 = arith.constant 0.000000e+00 : f32
    %gt3A_30 = vector.broadcast %gt3A_29 : f32 to vector<1x128xf32>
    %gt3A_31 = arith.cmpf ogt, %add3A_28, %gt3A_30 : vector<1x128xf32>
    %rsqrt3A_32 = math.rsqrt %add3A_28 : vector<1x128xf32>
    %jit3A_33 = arith.constant 0.000000e+00 : f32
    %broadcast_in_dim3A_34 = vector.broadcast %jit3A_33 : f32 to vector<1x128xf32>
    %select_n3A_35 = arith.select %gt3A_31, %rsqrt3A_32, %broadcast_in_dim3A_34 : vector<1x128xi1>, vector<1x128xf32>
    %eq3A_36 = arith.cmpi eq, %iota3A, %iota3A_0 : vector<128x128xi32>
    %jit3A_37 = arith.constant 0.000000e+00 : f32
    %broadcast_in_dim3A_38 = vector.shape_cast %select_n3A_35 : vector<1x128xf32> to vector<1x128xf32>
    %broadcast_in_dim3A_39 = vector.broadcast %broadcast_in_dim3A_38 : vector<1x128xf32> to vector<128x128xf32>
    %broadcast_in_dim3A_40 = vector.broadcast %jit3A_37 : f32 to vector<128x128xf32>
    %select_n3A_41 = arith.select %eq3A_36, %broadcast_in_dim3A_39, %broadcast_in_dim3A_40 : vector<128x128xi1>, vector<128x128xf32>
    %reduce_sum3A_42 = arith.constant dense<0.000000e+00> : vector<128xf32>
    %reduce_sum3A_43 = vector.multi_reduction <add>, %select_n3A_41, %reduce_sum3A_42 [1] : vector<128x128xf32> to vector<128xf32>
    %broadcast_in_dim3A_44 = vector.shape_cast %reduce_sum3A_43 : vector<128xf32> to vector<128x1xf32>
    %mul3A_45 = arith.constant 1024 : i32
    %mul3A_46 = arith.muli %arg0, %mul3A_45 : i32
    %add3A_47 = arith.constant 256 : i32
    %add3A_48 = arith.addi %mul3A_46, %add3A_47 : i32
    %get3A_49 = arith.constant 0 : index
    %get3A_50 = arith.index_cast %add3A_48 : i32 to index
    %get3A_51 = vector.load %arg1[%get3A_49, %get3A_50] : memref<2x10240xf32, #tpu.memory_space<vmem>>, vector<1x128xf32>
    %get3A_52 = arith.constant 1 : index
    %get3A_53 = arith.index_cast %add3A_48 : i32 to index
    %get3A_54 = vector.load %arg1[%get3A_52, %get3A_53] : memref<2x10240xf32, #tpu.memory_space<vmem>>, vector<1x128xf32>
    %add3A_55 = arith.addf %get3A_51, %get3A_54 : vector<1x128xf32>
    %gt3A_56 = arith.constant 0.000000e+00 : f32
    %gt3A_57 = vector.broadcast %gt3A_56 : f32 to vector<1x128xf32>
    %gt3A_58 = arith.cmpf ogt, %add3A_55, %gt3A_57 : vector<1x128xf32>
    %rsqrt3A_59 = math.rsqrt %add3A_55 : vector<1x128xf32>
    %jit3A_60 = arith.constant 0.000000e+00 : f32
    %broadcast_in_dim3A_61 = vector.broadcast %jit3A_60 : f32 to vector<1x128xf32>
    %select_n3A_62 = arith.select %gt3A_58, %rsqrt3A_59, %broadcast_in_dim3A_61 : vector<1x128xi1>, vector<1x128xf32>
    %eq3A_63 = arith.cmpi eq, %iota3A, %iota3A_0 : vector<128x128xi32>
    %jit3A_64 = arith.constant 0.000000e+00 : f32
    %broadcast_in_dim3A_65 = vector.shape_cast %select_n3A_62 : vector<1x128xf32> to vector<1x128xf32>
    %broadcast_in_dim3A_66 = vector.broadcast %broadcast_in_dim3A_65 : vector<1x128xf32> to vector<128x128xf32>
    %broadcast_in_dim3A_67 = vector.broadcast %jit3A_64 : f32 to vector<128x128xf32>
    %select_n3A_68 = arith.select %eq3A_63, %broadcast_in_dim3A_66, %broadcast_in_dim3A_67 : vector<128x128xi1>, vector<128x128xf32>
    %reduce_sum3A_69 = arith.constant dense<0.000000e+00> : vector<128xf32>
    %reduce_sum3A_70 = vector.multi_reduction <add>, %select_n3A_68, %reduce_sum3A_69 [1] : vector<128x128xf32> to vector<128xf32>
    %broadcast_in_dim3A_71 = vector.shape_cast %reduce_sum3A_70 : vector<128xf32> to vector<128x1xf32>
    %mul3A_72 = arith.constant 1024 : i32
    %mul3A_73 = arith.muli %arg0, %mul3A_72 : i32
    %add3A_74 = arith.constant 384 : i32
    %add3A_75 = arith.addi %mul3A_73, %add3A_74 : i32
    %get3A_76 = arith.constant 0 : index
    %get3A_77 = arith.index_cast %add3A_75 : i32 to index
    %get3A_78 = vector.load %arg1[%get3A_76, %get3A_77] : memref<2x10240xf32, #tpu.memory_space<vmem>>, vector<1x128xf32>
    %get3A_79 = arith.constant 1 : index
    %get3A_80 = arith.index_cast %add3A_75 : i32 to index
    %get3A_81 = vector.load %arg1[%get3A_79, %get3A_80] : memref<2x10240xf32, #tpu.memory_space<vmem>>, vector<1x128xf32>
    %add3A_82 = arith.addf %get3A_78, %get3A_81 : vector<1x128xf32>
    %gt3A_83 = arith.constant 0.000000e+00 : f32
    %gt3A_84 = vector.broadcast %gt3A_83 : f32 to vector<1x128xf32>
    %gt3A_85 = arith.cmpf ogt, %add3A_82, %gt3A_84 : vector<1x128xf32>
    %rsqrt3A_86 = math.rsqrt %add3A_82 : vector<1x128xf32>
    %jit3A_87 = arith.constant 0.000000e+00 : f32
    %broadcast_in_dim3A_88 = vector.broadcast %jit3A_87 : f32 to vector<1x128xf32>
    %select_n3A_89 = arith.select %gt3A_85, %rsqrt3A_86, %broadcast_in_dim3A_88 : vector<1x128xi1>, vector<1x128xf32>
    %eq3A_90 = arith.cmpi eq, %iota3A, %iota3A_0 : vector<128x128xi32>
    %jit3A_91 = arith.constant 0.000000e+00 : f32
    %broadcast_in_dim3A_92 = vector.shape_cast %select_n3A_89 : vector<1x128xf32> to vector<1x128xf32>
    %broadcast_in_dim3A_93 = vector.broadcast %broadcast_in_dim3A_92 : vector<1x128xf32> to vector<128x128xf32>
    %broadcast_in_dim3A_94 = vector.broadcast %jit3A_91 : f32 to vector<128x128xf32>
    %select_n3A_95 = arith.select %eq3A_90, %broadcast_in_dim3A_93, %broadcast_in_dim3A_94 : vector<128x128xi1>, vector<128x128xf32>
    %reduce_sum3A_96 = arith.constant dense<0.000000e+00> : vector<128xf32>
    %reduce_sum3A_97 = vector.multi_reduction <add>, %select_n3A_95, %reduce_sum3A_96 [1] : vector<128x128xf32> to vector<128xf32>
    %broadcast_in_dim3A_98 = vector.shape_cast %reduce_sum3A_97 : vector<128xf32> to vector<128x1xf32>
    %mul3A_99 = arith.constant 1024 : i32
    %mul3A_100 = arith.muli %arg0, %mul3A_99 : i32
    %add3A_101 = arith.constant 512 : i32
    %add3A_102 = arith.addi %mul3A_100, %add3A_101 : i32
    %get3A_103 = arith.constant 0 : index
    %get3A_104 = arith.index_cast %add3A_102 : i32 to index
    %get3A_105 = vector.load %arg1[%get3A_103, %get3A_104] : memref<2x10240xf32, #tpu.memory_space<vmem>>, vector<1x128xf32>
    %get3A_106 = arith.constant 1 : index
    %get3A_107 = arith.index_cast %add3A_102 : i32 to index
    %get3A_108 = vector.load %arg1[%get3A_106, %get3A_107] : memref<2x10240xf32, #tpu.memory_space<vmem>>, vector<1x128xf32>
    %add3A_109 = arith.addf %get3A_105, %get3A_108 : vector<1x128xf32>
    %gt3A_110 = arith.constant 0.000000e+00 : f32
    %gt3A_111 = vector.broadcast %gt3A_110 : f32 to vector<1x128xf32>
    %gt3A_112 = arith.cmpf ogt, %add3A_109, %gt3A_111 : vector<1x128xf32>
    %rsqrt3A_113 = math.rsqrt %add3A_109 : vector<1x128xf32>
    %jit3A_114 = arith.constant 0.000000e+00 : f32
    %broadcast_in_dim3A_115 = vector.broadcast %jit3A_114 : f32 to vector<1x128xf32>
    %select_n3A_116 = arith.select %gt3A_112, %rsqrt3A_113, %broadcast_in_dim3A_115 : vector<1x128xi1>, vector<1x128xf32>
    %eq3A_117 = arith.cmpi eq, %iota3A, %iota3A_0 : vector<128x128xi32>
    %jit3A_118 = arith.constant 0.000000e+00 : f32
    %broadcast_in_dim3A_119 = vector.shape_cast %select_n3A_116 : vector<1x128xf32> to vector<1x128xf32>
    %broadcast_in_dim3A_120 = vector.broadcast %broadcast_in_dim3A_119 : vector<1x128xf32> to vector<128x128xf32>
    %broadcast_in_dim3A_121 = vector.broadcast %jit3A_118 : f32 to vector<128x128xf32>
    %select_n3A_122 = arith.select %eq3A_117, %broadcast_in_dim3A_120, %broadcast_in_dim3A_121 : vector<128x128xi1>, vector<128x128xf32>
    %reduce_sum3A_123 = arith.constant dense<0.000000e+00> : vector<128xf32>
    %reduce_sum3A_124 = vector.multi_reduction <add>, %select_n3A_122, %reduce_sum3A_123 [1] : vector<128x128xf32> to vector<128xf32>
    %broadcast_in_dim3A_125 = vector.shape_cast %reduce_sum3A_124 : vector<128xf32> to vector<128x1xf32>
    %mul3A_126 = arith.constant 1024 : i32
    %mul3A_127 = arith.muli %arg0, %mul3A_126 : i32
    %add3A_128 = arith.constant 640 : i32
    %add3A_129 = arith.addi %mul3A_127, %add3A_128 : i32
    %get3A_130 = arith.constant 0 : index
    %get3A_131 = arith.index_cast %add3A_129 : i32 to index
    %get3A_132 = vector.load %arg1[%get3A_130, %get3A_131] : memref<2x10240xf32, #tpu.memory_space<vmem>>, vector<1x128xf32>
    %get3A_133 = arith.constant 1 : index
    %get3A_134 = arith.index_cast %add3A_129 : i32 to index
    %get3A_135 = vector.load %arg1[%get3A_133, %get3A_134] : memref<2x10240xf32, #tpu.memory_space<vmem>>, vector<1x128xf32>
    %add3A_136 = arith.addf %get3A_132, %get3A_135 : vector<1x128xf32>
    %gt3A_137 = arith.constant 0.000000e+00 : f32
    %gt3A_138 = vector.broadcast %gt3A_137 : f32 to vector<1x128xf32>
    %gt3A_139 = arith.cmpf ogt, %add3A_136, %gt3A_138 : vector<1x128xf32>
    %rsqrt3A_140 = math.rsqrt %add3A_136 : vector<1x128xf32>
    %jit3A_141 = arith.constant 0.000000e+00 : f32
    %broadcast_in_dim3A_142 = vector.broadcast %jit3A_141 : f32 to vector<1x128xf32>
    %select_n3A_143 = arith.select %gt3A_139, %rsqrt3A_140, %broadcast_in_dim3A_142 : vector<1x128xi1>, vector<1x128xf32>
    %eq3A_144 = arith.cmpi eq, %iota3A, %iota3A_0 : vector<128x128xi32>
    %jit3A_145 = arith.constant 0.000000e+00 : f32
    %broadcast_in_dim3A_146 = vector.shape_cast %select_n3A_143 : vector<1x128xf32> to vector<1x128xf32>
    %broadcast_in_dim3A_147 = vector.broadcast %broadcast_in_dim3A_146 : vector<1x128xf32> to vector<128x128xf32>
    %broadcast_in_dim3A_148 = vector.broadcast %jit3A_145 : f32 to vector<128x128xf32>
    %select_n3A_149 = arith.select %eq3A_144, %broadcast_in_dim3A_147, %broadcast_in_dim3A_148 : vector<128x128xi1>, vector<128x128xf32>
    %reduce_sum3A_150 = arith.constant dense<0.000000e+00> : vector<128xf32>
    %reduce_sum3A_151 = vector.multi_reduction <add>, %select_n3A_149, %reduce_sum3A_150 [1] : vector<128x128xf32> to vector<128xf32>
    %broadcast_in_dim3A_152 = vector.shape_cast %reduce_sum3A_151 : vector<128xf32> to vector<128x1xf32>
    %mul3A_153 = arith.constant 1024 : i32
    %mul3A_154 = arith.muli %arg0, %mul3A_153 : i32
    %add3A_155 = arith.constant 768 : i32
    %add3A_156 = arith.addi %mul3A_154, %add3A_155 : i32
    %get3A_157 = arith.constant 0 : index
    %get3A_158 = arith.index_cast %add3A_156 : i32 to index
    %get3A_159 = vector.load %arg1[%get3A_157, %get3A_158] : memref<2x10240xf32, #tpu.memory_space<vmem>>, vector<1x128xf32>
    %get3A_160 = arith.constant 1 : index
    %get3A_161 = arith.index_cast %add3A_156 : i32 to index
    %get3A_162 = vector.load %arg1[%get3A_160, %get3A_161] : memref<2x10240xf32, #tpu.memory_space<vmem>>, vector<1x128xf32>
    %add3A_163 = arith.addf %get3A_159, %get3A_162 : vector<1x128xf32>
    %gt3A_164 = arith.constant 0.000000e+00 : f32
    %gt3A_165 = vector.broadcast %gt3A_164 : f32 to vector<1x128xf32>
    %gt3A_166 = arith.cmpf ogt, %add3A_163, %gt3A_165 : vector<1x128xf32>
    %rsqrt3A_167 = math.rsqrt %add3A_163 : vector<1x128xf32>
    %jit3A_168 = arith.constant 0.000000e+00 : f32
    %broadcast_in_dim3A_169 = vector.broadcast %jit3A_168 : f32 to vector<1x128xf32>
    %select_n3A_170 = arith.select %gt3A_166, %rsqrt3A_167, %broadcast_in_dim3A_169 : vector<1x128xi1>, vector<1x128xf32>
    %eq3A_171 = arith.cmpi eq, %iota3A, %iota3A_0 : vector<128x128xi32>
    %jit3A_172 = arith.constant 0.000000e+00 : f32
    %broadcast_in_dim3A_173 = vector.shape_cast %select_n3A_170 : vector<1x128xf32> to vector<1x128xf32>
    %broadcast_in_dim3A_174 = vector.broadcast %broadcast_in_dim3A_173 : vector<1x128xf32> to vector<128x128xf32>
    %broadcast_in_dim3A_175 = vector.broadcast %jit3A_172 : f32 to vector<128x128xf32>
    %select_n3A_176 = arith.select %eq3A_171, %broadcast_in_dim3A_174, %broadcast_in_dim3A_175 : vector<128x128xi1>, vector<128x128xf32>
    %reduce_sum3A_177 = arith.constant dense<0.000000e+00> : vector<128xf32>
    %reduce_sum3A_178 = vector.multi_reduction <add>, %select_n3A_176, %reduce_sum3A_177 [1] : vector<128x128xf32> to vector<128xf32>
    %broadcast_in_dim3A_179 = vector.shape_cast %reduce_sum3A_178 : vector<128xf32> to vector<128x1xf32>
    %mul3A_180 = arith.constant 1024 : i32
    %mul3A_181 = arith.muli %arg0, %mul3A_180 : i32
    %add3A_182 = arith.constant 896 : i32
    %add3A_183 = arith.addi %mul3A_181, %add3A_182 : i32
    %get3A_184 = arith.constant 0 : index
    %get3A_185 = arith.index_cast %add3A_183 : i32 to index
    %get3A_186 = vector.load %arg1[%get3A_184, %get3A_185] : memref<2x10240xf32, #tpu.memory_space<vmem>>, vector<1x128xf32>
    %get3A_187 = arith.constant 1 : index
    %get3A_188 = arith.index_cast %add3A_183 : i32 to index
    %get3A_189 = vector.load %arg1[%get3A_187, %get3A_188] : memref<2x10240xf32, #tpu.memory_space<vmem>>, vector<1x128xf32>
    %add3A_190 = arith.addf %get3A_186, %get3A_189 : vector<1x128xf32>
    %gt3A_191 = arith.constant 0.000000e+00 : f32
    %gt3A_192 = vector.broadcast %gt3A_191 : f32 to vector<1x128xf32>
    %gt3A_193 = arith.cmpf ogt, %add3A_190, %gt3A_192 : vector<1x128xf32>
    %rsqrt3A_194 = math.rsqrt %add3A_190 : vector<1x128xf32>
    %jit3A_195 = arith.constant 0.000000e+00 : f32
    %broadcast_in_dim3A_196 = vector.broadcast %jit3A_195 : f32 to vector<1x128xf32>
    %select_n3A_197 = arith.select %gt3A_193, %rsqrt3A_194, %broadcast_in_dim3A_196 : vector<1x128xi1>, vector<1x128xf32>
    %eq3A_198 = arith.cmpi eq, %iota3A, %iota3A_0 : vector<128x128xi32>
    %jit3A_199 = arith.constant 0.000000e+00 : f32
    %broadcast_in_dim3A_200 = vector.shape_cast %select_n3A_197 : vector<1x128xf32> to vector<1x128xf32>
    %broadcast_in_dim3A_201 = vector.broadcast %broadcast_in_dim3A_200 : vector<1x128xf32> to vector<128x128xf32>
    %broadcast_in_dim3A_202 = vector.broadcast %jit3A_199 : f32 to vector<128x128xf32>
    %select_n3A_203 = arith.select %eq3A_198, %broadcast_in_dim3A_201, %broadcast_in_dim3A_202 : vector<128x128xi1>, vector<128x128xf32>
    %reduce_sum3A_204 = arith.constant dense<0.000000e+00> : vector<128xf32>
    %reduce_sum3A_205 = vector.multi_reduction <add>, %select_n3A_203, %reduce_sum3A_204 [1] : vector<128x128xf32> to vector<128xf32>
    %broadcast_in_dim3A_206 = vector.shape_cast %reduce_sum3A_205 : vector<128xf32> to vector<128x1xf32>
    %concatenate3A = tpu.concatenate %broadcast_in_dim3A_17, %broadcast_in_dim3A_44, %broadcast_in_dim3A_71, %broadcast_in_dim3A_98, %broadcast_in_dim3A_125, %broadcast_in_dim3A_152, %broadcast_in_dim3A_179, %broadcast_in_dim3A_206 in 0 : vector<128x1xf32>, vector<128x1xf32>, vector<128x1xf32>, vector<128x1xf32>, vector<128x1xf32>, vector<128x1xf32>, vector<128x1xf32>, vector<128x1xf32> -> vector<1024x1xf32>
    %get3A_207 = arith.constant 0 : index
    %get3A_208 = arith.constant 0 : index
    %get3A_209 = vector.load %arg2[%get3A_207, %get3A_208] : memref<1024x128xf32, #tpu.memory_space<vmem>>, vector<1024x128xf32>
    %mul3A_210 = vector.broadcast %concatenate3A : vector<1024x1xf32> to vector<1024x128xf32>
    %mul3A_211 = arith.mulf %mul3A_210, %get3A_209 : vector<1024x128xf32>
    %swap3A = arith.constant 0 : index
    %swap3A_212 = arith.constant 0 : index
    %swap3A_213 = vector.load %arg3[%swap3A, %swap3A_212] : memref<1024x128xf32, #tpu.memory_space<vmem>>, vector<1024x128xf32>
    tpu.vector_store %arg3[%swap3A, %swap3A_212], %mul3A_211 {strides = array<i32>} : memref<1024x128xf32, #tpu.memory_space<vmem>>, vector<1024x128xf32>,
    return
  }
  func.func @transform_0(%arg0: i32) -> (i32, i32) {
    %c0_i32 = arith.constant 0 : i32
    %c0_i32_0 = arith.constant 0 : i32
    %c0_i32_1 = arith.constant 0 : i32
    return %c0_i32, %c0_i32_0 : i32, i32
  }
  func.func @transform_1(%arg0: i32) -> (i32, i32) {
    %c0_i32 = arith.constant 0 : i32
    %c0_i32_0 = arith.constant 0 : i32
    return %arg0, %c0_i32 : i32, i32
  }
  func.func @transform_2(%arg0: i32) -> (i32, i32) {
    %c0_i32 = arith.constant 0 : i32
    %c0_i32_0 = arith.constant 0 : i32
    return %arg0, %c0_i32 : i32, i32
  }
}

module attributes {stable_mosaic.version = 14 : i64} {
  func.func @_tc_final_body(%arg0: i32, %arg1: memref<2x10240xf32, #tpu.memory_space<vmem>>, %arg2: memref<1024x128xf32, #tpu.memory_space<vmem>>, %arg3: memref<2x1024x128xf32, #tpu.memory_space<vmem>>, %arg4: memref<1024x128xf32, #tpu.memory_space<vmem>>) attributes {dimension_semantics = [#tpu.dimension_semantics<arbitrary>], iteration_bounds = array<i64: 10>, scalar_prefetch = 0 : i64, scratch_operands = 0 : i64, tpu.core_type = #tpu.core_type<tc>, window_params = [{pipeline_mode = #tpu.pipeline_mode<synchronous>, transform_indices = @transform_0, window_bounds = array<i64: 2, 10240>}, {transform_indices = @transform_1, window_bounds = array<i64: 1024, 128>}, {transform_indices = @transform_2, window_bounds = array<i64: 2, 1024, 128>}, {transform_indices = @transform_3, window_bounds = array<i64: 1024, 128>}]} {
    %iota3A = tpu.iota {dimensions = array<i32: 0>} : vector<128x128xi32>
    %iota3A_0 = tpu.iota {dimensions = array<i32: 1>} : vector<128x128xi32>
    %mul3A = arith.constant 1024 : i32
    %mul3A_1 = arith.muli %arg0, %mul3A : i32
    %add3A = arith.constant 0 : i32
    %add3A_2 = arith.addi %mul3A_1, %add3A : i32
    %get3A = arith.constant 0 : index
    %get3A_3 = arith.index_cast %add3A_2 : i32 to index
    %get3A_4 = vector.load %arg1[%get3A, %get3A_3] : memref<2x10240xf32, #tpu.memory_space<vmem>>, vector<1x128xf32>
    %get3A_5 = arith.constant 1 : index
    %get3A_6 = arith.index_cast %add3A_2 : i32 to index
    %get3A_7 = vector.load %arg1[%get3A_5, %get3A_6] : memref<2x10240xf32, #tpu.memory_space<vmem>>, vector<1x128xf32>
    %add3A_8 = arith.addf %get3A_4, %get3A_7 : vector<1x128xf32>
    %gt3A = arith.constant 0.000000e+00 : f32
    %gt3A_9 = vector.broadcast %gt3A : f32 to vector<1x128xf32>
    %gt3A_10 = arith.cmpf ogt, %add3A_8, %gt3A_9 : vector<1x128xf32>
    %rsqrt3A = math.rsqrt %add3A_8 : vector<1x128xf32>
    %jit3A = arith.constant 0.000000e+00 : f32
    %broadcast_in_dim3A = vector.broadcast %jit3A : f32 to vector<1x128xf32>
    %select_n3A = arith.select %gt3A_10, %rsqrt3A, %broadcast_in_dim3A : vector<1x128xi1>, vector<1x128xf32>
    %eq3A = arith.cmpi eq, %iota3A, %iota3A_0 : vector<128x128xi32>
    %jit3A_11 = arith.constant 0.000000e+00 : f32
    %broadcast_in_dim3A_12 = vector.shape_cast %select_n3A : vector<1x128xf32> to vector<1x128xf32>
    %broadcast_in_dim3A_13 = vector.broadcast %broadcast_in_dim3A_12 : vector<1x128xf32> to vector<128x128xf32>
    %broadcast_in_dim3A_14 = vector.broadcast %jit3A_11 : f32 to vector<128x128xf32>
    %select_n3A_15 = arith.select %eq3A, %broadcast_in_dim3A_13, %broadcast_in_dim3A_14 : vector<128x128xi1>, vector<128x128xf32>
    %reduce_sum3A = arith.constant dense<0.000000e+00> : vector<128xf32>
    %reduce_sum3A_16 = vector.multi_reduction <add>, %select_n3A_15, %reduce_sum3A [1] : vector<128x128xf32> to vector<128xf32>
    %broadcast_in_dim3A_17 = vector.shape_cast %reduce_sum3A_16 : vector<128xf32> to vector<128x1xf32>
    %mul3A_18 = arith.constant 1024 : i32
    %mul3A_19 = arith.muli %arg0, %mul3A_18 : i32
    %add3A_20 = arith.constant 128 : i32
    %add3A_21 = arith.addi %mul3A_19, %add3A_20 : i32
    %get3A_22 = arith.constant 0 : index
    %get3A_23 = arith.index_cast %add3A_21 : i32 to index
    %get3A_24 = vector.load %arg1[%get3A_22, %get3A_23] : memref<2x10240xf32, #tpu.memory_space<vmem>>, vector<1x128xf32>
    %get3A_25 = arith.constant 1 : index
    %get3A_26 = arith.index_cast %add3A_21 : i32 to index
    %get3A_27 = vector.load %arg1[%get3A_25, %get3A_26] : memref<2x10240xf32, #tpu.memory_space<vmem>>, vector<1x128xf32>
    %add3A_28 = arith.addf %get3A_24, %get3A_27 : vector<1x128xf32>
    %gt3A_29 = arith.constant 0.000000e+00 : f32
    %gt3A_30 = vector.broadcast %gt3A_29 : f32 to vector<1x128xf32>
    %gt3A_31 = arith.cmpf ogt, %add3A_28, %gt3A_30 : vector<1x128xf32>
    %rsqrt3A_32 = math.rsqrt %add3A_28 : vector<1x128xf32>
    %jit3A_33 = arith.constant 0.000000e+00 : f32
    %broadcast_in_dim3A_34 = vector.broadcast %jit3A_33 : f32 to vector<1x128xf32>
    %select_n3A_35 = arith.select %gt3A_31, %rsqrt3A_32, %broadcast_in_dim3A_34 : vector<1x128xi1>, vector<1x128xf32>
    %eq3A_36 = arith.cmpi eq, %iota3A, %iota3A_0 : vector<128x128xi32>
    %jit3A_37 = arith.constant 0.000000e+00 : f32
    %broadcast_in_dim3A_38 = vector.shape_cast %select_n3A_35 : vector<1x128xf32> to vector<1x128xf32>
    %broadcast_in_dim3A_39 = vector.broadcast %broadcast_in_dim3A_38 : vector<1x128xf32> to vector<128x128xf32>
    %broadcast_in_dim3A_40 = vector.broadcast %jit3A_37 : f32 to vector<128x128xf32>
    %select_n3A_41 = arith.select %eq3A_36, %broadcast_in_dim3A_39, %broadcast_in_dim3A_40 : vector<128x128xi1>, vector<128x128xf32>
    %reduce_sum3A_42 = arith.constant dense<0.000000e+00> : vector<128xf32>
    %reduce_sum3A_43 = vector.multi_reduction <add>, %select_n3A_41, %reduce_sum3A_42 [1] : vector<128x128xf32> to vector<128xf32>
    %broadcast_in_dim3A_44 = vector.shape_cast %reduce_sum3A_43 : vector<128xf32> to vector<128x1xf32>
    %mul3A_45 = arith.constant 1024 : i32
    %mul3A_46 = arith.muli %arg0, %mul3A_45 : i32
    %add3A_47 = arith.constant 256 : i32
    %add3A_48 = arith.addi %mul3A_46, %add3A_47 : i32
    %get3A_49 = arith.constant 0 : index
    %get3A_50 = arith.index_cast %add3A_48 : i32 to index
    %get3A_51 = vector.load %arg1[%get3A_49, %get3A_50] : memref<2x10240xf32, #tpu.memory_space<vmem>>, vector<1x128xf32>
    %get3A_52 = arith.constant 1 : index
    %get3A_53 = arith.index_cast %add3A_48 : i32 to index
    %get3A_54 = vector.load %arg1[%get3A_52, %get3A_53] : memref<2x10240xf32, #tpu.memory_space<vmem>>, vector<1x128xf32>
    %add3A_55 = arith.addf %get3A_51, %get3A_54 : vector<1x128xf32>
    %gt3A_56 = arith.constant 0.000000e+00 : f32
    %gt3A_57 = vector.broadcast %gt3A_56 : f32 to vector<1x128xf32>
    %gt3A_58 = arith.cmpf ogt, %add3A_55, %gt3A_57 : vector<1x128xf32>
    %rsqrt3A_59 = math.rsqrt %add3A_55 : vector<1x128xf32>
    %jit3A_60 = arith.constant 0.000000e+00 : f32
    %broadcast_in_dim3A_61 = vector.broadcast %jit3A_60 : f32 to vector<1x128xf32>
    %select_n3A_62 = arith.select %gt3A_58, %rsqrt3A_59, %broadcast_in_dim3A_61 : vector<1x128xi1>, vector<1x128xf32>
    %eq3A_63 = arith.cmpi eq, %iota3A, %iota3A_0 : vector<128x128xi32>
    %jit3A_64 = arith.constant 0.000000e+00 : f32
    %broadcast_in_dim3A_65 = vector.shape_cast %select_n3A_62 : vector<1x128xf32> to vector<1x128xf32>
    %broadcast_in_dim3A_66 = vector.broadcast %broadcast_in_dim3A_65 : vector<1x128xf32> to vector<128x128xf32>
    %broadcast_in_dim3A_67 = vector.broadcast %jit3A_64 : f32 to vector<128x128xf32>
    %select_n3A_68 = arith.select %eq3A_63, %broadcast_in_dim3A_66, %broadcast_in_dim3A_67 : vector<128x128xi1>, vector<128x128xf32>
    %reduce_sum3A_69 = arith.constant dense<0.000000e+00> : vector<128xf32>
    %reduce_sum3A_70 = vector.multi_reduction <add>, %select_n3A_68, %reduce_sum3A_69 [1] : vector<128x128xf32> to vector<128xf32>
    %broadcast_in_dim3A_71 = vector.shape_cast %reduce_sum3A_70 : vector<128xf32> to vector<128x1xf32>
    %mul3A_72 = arith.constant 1024 : i32
    %mul3A_73 = arith.muli %arg0, %mul3A_72 : i32
    %add3A_74 = arith.constant 384 : i32
    %add3A_75 = arith.addi %mul3A_73, %add3A_74 : i32
    %get3A_76 = arith.constant 0 : index
    %get3A_77 = arith.index_cast %add3A_75 : i32 to index
    %get3A_78 = vector.load %arg1[%get3A_76, %get3A_77] : memref<2x10240xf32, #tpu.memory_space<vmem>>, vector<1x128xf32>
    %get3A_79 = arith.constant 1 : index
    %get3A_80 = arith.index_cast %add3A_75 : i32 to index
    %get3A_81 = vector.load %arg1[%get3A_79, %get3A_80] : memref<2x10240xf32, #tpu.memory_space<vmem>>, vector<1x128xf32>
    %add3A_82 = arith.addf %get3A_78, %get3A_81 : vector<1x128xf32>
    %gt3A_83 = arith.constant 0.000000e+00 : f32
    %gt3A_84 = vector.broadcast %gt3A_83 : f32 to vector<1x128xf32>
    %gt3A_85 = arith.cmpf ogt, %add3A_82, %gt3A_84 : vector<1x128xf32>
    %rsqrt3A_86 = math.rsqrt %add3A_82 : vector<1x128xf32>
    %jit3A_87 = arith.constant 0.000000e+00 : f32
    %broadcast_in_dim3A_88 = vector.broadcast %jit3A_87 : f32 to vector<1x128xf32>
    %select_n3A_89 = arith.select %gt3A_85, %rsqrt3A_86, %broadcast_in_dim3A_88 : vector<1x128xi1>, vector<1x128xf32>
    %eq3A_90 = arith.cmpi eq, %iota3A, %iota3A_0 : vector<128x128xi32>
    %jit3A_91 = arith.constant 0.000000e+00 : f32
    %broadcast_in_dim3A_92 = vector.shape_cast %select_n3A_89 : vector<1x128xf32> to vector<1x128xf32>
    %broadcast_in_dim3A_93 = vector.broadcast %broadcast_in_dim3A_92 : vector<1x128xf32> to vector<128x128xf32>
    %broadcast_in_dim3A_94 = vector.broadcast %jit3A_91 : f32 to vector<128x128xf32>
    %select_n3A_95 = arith.select %eq3A_90, %broadcast_in_dim3A_93, %broadcast_in_dim3A_94 : vector<128x128xi1>, vector<128x128xf32>
    %reduce_sum3A_96 = arith.constant dense<0.000000e+00> : vector<128xf32>
    %reduce_sum3A_97 = vector.multi_reduction <add>, %select_n3A_95, %reduce_sum3A_96 [1] : vector<128x128xf32> to vector<128xf32>
    %broadcast_in_dim3A_98 = vector.shape_cast %reduce_sum3A_97 : vector<128xf32> to vector<128x1xf32>
    %mul3A_99 = arith.constant 1024 : i32
    %mul3A_100 = arith.muli %arg0, %mul3A_99 : i32
    %add3A_101 = arith.constant 512 : i32
    %add3A_102 = arith.addi %mul3A_100, %add3A_101 : i32
    %get3A_103 = arith.constant 0 : index
    %get3A_104 = arith.index_cast %add3A_102 : i32 to index
    %get3A_105 = vector.load %arg1[%get3A_103, %get3A_104] : memref<2x10240xf32, #tpu.memory_space<vmem>>, vector<1x128xf32>
    %get3A_106 = arith.constant 1 : index
    %get3A_107 = arith.index_cast %add3A_102 : i32 to index
    %get3A_108 = vector.load %arg1[%get3A_106, %get3A_107] : memref<2x10240xf32, #tpu.memory_space<vmem>>, vector<1x128xf32>
    %add3A_109 = arith.addf %get3A_105, %get3A_108 : vector<1x128xf32>
    %gt3A_110 = arith.constant 0.000000e+00 : f32
    %gt3A_111 = vector.broadcast %gt3A_110 : f32 to vector<1x128xf32>
    %gt3A_112 = arith.cmpf ogt, %add3A_109, %gt3A_111 : vector<1x128xf32>
    %rsqrt3A_113 = math.rsqrt %add3A_109 : vector<1x128xf32>
    %jit3A_114 = arith.constant 0.000000e+00 : f32
    %broadcast_in_dim3A_115 = vector.broadcast %jit3A_114 : f32 to vector<1x128xf32>
    %select_n3A_116 = arith.select %gt3A_112, %rsqrt3A_113, %broadcast_in_dim3A_115 : vector<1x128xi1>, vector<1x128xf32>
    %eq3A_117 = arith.cmpi eq, %iota3A, %iota3A_0 : vector<128x128xi32>
    %jit3A_118 = arith.constant 0.000000e+00 : f32
    %broadcast_in_dim3A_119 = vector.shape_cast %select_n3A_116 : vector<1x128xf32> to vector<1x128xf32>
    %broadcast_in_dim3A_120 = vector.broadcast %broadcast_in_dim3A_119 : vector<1x128xf32> to vector<128x128xf32>
    %broadcast_in_dim3A_121 = vector.broadcast %jit3A_118 : f32 to vector<128x128xf32>
    %select_n3A_122 = arith.select %eq3A_117, %broadcast_in_dim3A_120, %broadcast_in_dim3A_121 : vector<128x128xi1>, vector<128x128xf32>
    %reduce_sum3A_123 = arith.constant dense<0.000000e+00> : vector<128xf32>
    %reduce_sum3A_124 = vector.multi_reduction <add>, %select_n3A_122, %reduce_sum3A_123 [1] : vector<128x128xf32> to vector<128xf32>
    %broadcast_in_dim3A_125 = vector.shape_cast %reduce_sum3A_124 : vector<128xf32> to vector<128x1xf32>
    %mul3A_126 = arith.constant 1024 : i32
    %mul3A_127 = arith.muli %arg0, %mul3A_126 : i32
    %add3A_128 = arith.constant 640 : i32
    %add3A_129 = arith.addi %mul3A_127, %add3A_128 : i32
    %get3A_130 = arith.constant 0 : index
    %get3A_131 = arith.index_cast %add3A_129 : i32 to index
    %get3A_132 = vector.load %arg1[%get3A_130, %get3A_131] : memref<2x10240xf32, #tpu.memory_space<vmem>>, vector<1x128xf32>
    %get3A_133 = arith.constant 1 : index
    %get3A_134 = arith.index_cast %add3A_129 : i32 to index
    %get3A_135 = vector.load %arg1[%get3A_133, %get3A_134] : memref<2x10240xf32, #tpu.memory_space<vmem>>, vector<1x128xf32>
    %add3A_136 = arith.addf %get3A_132, %get3A_135 : vector<1x128xf32>
    %gt3A_137 = arith.constant 0.000000e+00 : f32
    %gt3A_138 = vector.broadcast %gt3A_137 : f32 to vector<1x128xf32>
    %gt3A_139 = arith.cmpf ogt, %add3A_136, %gt3A_138 : vector<1x128xf32>
    %rsqrt3A_140 = math.rsqrt %add3A_136 : vector<1x128xf32>
    %jit3A_141 = arith.constant 0.000000e+00 : f32
    %broadcast_in_dim3A_142 = vector.broadcast %jit3A_141 : f32 to vector<1x128xf32>
    %select_n3A_143 = arith.select %gt3A_139, %rsqrt3A_140, %broadcast_in_dim3A_142 : vector<1x128xi1>, vector<1x128xf32>
    %eq3A_144 = arith.cmpi eq, %iota3A, %iota3A_0 : vector<128x128xi32>
    %jit3A_145 = arith.constant 0.000000e+00 : f32
    %broadcast_in_dim3A_146 = vector.shape_cast %select_n3A_143 : vector<1x128xf32> to vector<1x128xf32>
    %broadcast_in_dim3A_147 = vector.broadcast %broadcast_in_dim3A_146 : vector<1x128xf32> to vector<128x128xf32>
    %broadcast_in_dim3A_148 = vector.broadcast %jit3A_145 : f32 to vector<128x128xf32>
    %select_n3A_149 = arith.select %eq3A_144, %broadcast_in_dim3A_147, %broadcast_in_dim3A_148 : vector<128x128xi1>, vector<128x128xf32>
    %reduce_sum3A_150 = arith.constant dense<0.000000e+00> : vector<128xf32>
    %reduce_sum3A_151 = vector.multi_reduction <add>, %select_n3A_149, %reduce_sum3A_150 [1] : vector<128x128xf32> to vector<128xf32>
    %broadcast_in_dim3A_152 = vector.shape_cast %reduce_sum3A_151 : vector<128xf32> to vector<128x1xf32>
    %mul3A_153 = arith.constant 1024 : i32
    %mul3A_154 = arith.muli %arg0, %mul3A_153 : i32
    %add3A_155 = arith.constant 768 : i32
    %add3A_156 = arith.addi %mul3A_154, %add3A_155 : i32
    %get3A_157 = arith.constant 0 : index
    %get3A_158 = arith.index_cast %add3A_156 : i32 to index
    %get3A_159 = vector.load %arg1[%get3A_157, %get3A_158] : memref<2x10240xf32, #tpu.memory_space<vmem>>, vector<1x128xf32>
    %get3A_160 = arith.constant 1 : index
    %get3A_161 = arith.index_cast %add3A_156 : i32 to index
    %get3A_162 = vector.load %arg1[%get3A_160, %get3A_161] : memref<2x10240xf32, #tpu.memory_space<vmem>>, vector<1x128xf32>
    %add3A_163 = arith.addf %get3A_159, %get3A_162 : vector<1x128xf32>
    %gt3A_164 = arith.constant 0.000000e+00 : f32
    %gt3A_165 = vector.broadcast %gt3A_164 : f32 to vector<1x128xf32>
    %gt3A_166 = arith.cmpf ogt, %add3A_163, %gt3A_165 : vector<1x128xf32>
    %rsqrt3A_167 = math.rsqrt %add3A_163 : vector<1x128xf32>
    %jit3A_168 = arith.constant 0.000000e+00 : f32
    %broadcast_in_dim3A_169 = vector.broadcast %jit3A_168 : f32 to vector<1x128xf32>
    %select_n3A_170 = arith.select %gt3A_166, %rsqrt3A_167, %broadcast_in_dim3A_169 : vector<1x128xi1>, vector<1x128xf32>
    %eq3A_171 = arith.cmpi eq, %iota3A, %iota3A_0 : vector<128x128xi32>
    %jit3A_172 = arith.constant 0.000000e+00 : f32
    %broadcast_in_dim3A_173 = vector.shape_cast %select_n3A_170 : vector<1x128xf32> to vector<1x128xf32>
    %broadcast_in_dim3A_174 = vector.broadcast %broadcast_in_dim3A_173 : vector<1x128xf32> to vector<128x128xf32>
    %broadcast_in_dim3A_175 = vector.broadcast %jit3A_172 : f32 to vector<128x128xf32>
    %select_n3A_176 = arith.select %eq3A_171, %broadcast_in_dim3A_174, %broadcast_in_dim3A_175 : vector<128x128xi1>, vector<128x128xf32>
    %reduce_sum3A_177 = arith.constant dense<0.000000e+00> : vector<128xf32>
    %reduce_sum3A_178 = vector.multi_reduction <add>, %select_n3A_176, %reduce_sum3A_177 [1] : vector<128x128xf32> to vector<128xf32>
    %broadcast_in_dim3A_179 = vector.shape_cast %reduce_sum3A_178 : vector<128xf32> to vector<128x1xf32>
    %mul3A_180 = arith.constant 1024 : i32
    %mul3A_181 = arith.muli %arg0, %mul3A_180 : i32
    %add3A_182 = arith.constant 896 : i32
    %add3A_183 = arith.addi %mul3A_181, %add3A_182 : i32
    %get3A_184 = arith.constant 0 : index
    %get3A_185 = arith.index_cast %add3A_183 : i32 to index
    %get3A_186 = vector.load %arg1[%get3A_184, %get3A_185] : memref<2x10240xf32, #tpu.memory_space<vmem>>, vector<1x128xf32>
    %get3A_187 = arith.constant 1 : index
    %get3A_188 = arith.index_cast %add3A_183 : i32 to index
    %get3A_189 = vector.load %arg1[%get3A_187, %get3A_188] : memref<2x10240xf32, #tpu.memory_space<vmem>>, vector<1x128xf32>
    %add3A_190 = arith.addf %get3A_186, %get3A_189 : vector<1x128xf32>
    %gt3A_191 = arith.constant 0.000000e+00 : f32
    %gt3A_192 = vector.broadcast %gt3A_191 : f32 to vector<1x128xf32>
    %gt3A_193 = arith.cmpf ogt, %add3A_190, %gt3A_192 : vector<1x128xf32>
    %rsqrt3A_194 = math.rsqrt %add3A_190 : vector<1x128xf32>
    %jit3A_195 = arith.constant 0.000000e+00 : f32
    %broadcast_in_dim3A_196 = vector.broadcast %jit3A_195 : f32 to vector<1x128xf32>
    %select_n3A_197 = arith.select %gt3A_193, %rsqrt3A_194, %broadcast_in_dim3A_196 : vector<1x128xi1>, vector<1x128xf32>
    %eq3A_198 = arith.cmpi eq, %iota3A, %iota3A_0 : vector<128x128xi32>
    %jit3A_199 = arith.constant 0.000000e+00 : f32
    %broadcast_in_dim3A_200 = vector.shape_cast %select_n3A_197 : vector<1x128xf32> to vector<1x128xf32>
    %broadcast_in_dim3A_201 = vector.broadcast %broadcast_in_dim3A_200 : vector<1x128xf32> to vector<128x128xf32>
    %broadcast_in_dim3A_202 = vector.broadcast %jit3A_199 : f32 to vector<128x128xf32>
    %select_n3A_203 = arith.select %eq3A_198, %broadcast_in_dim3A_201, %broadcast_in_dim3A_202 : vector<128x128xi1>, vector<128x128xf32>
    %reduce_sum3A_204 = arith.constant dense<0.000000e+00> : vector<128xf32>
    %reduce_sum3A_205 = vector.multi_reduction <add>, %select_n3A_203, %reduce_sum3A_204 [1] : vector<128x128xf32> to vector<128xf32>
    %broadcast_in_dim3A_206 = vector.shape_cast %reduce_sum3A_205 : vector<128xf32> to vector<128x1xf32>
    %concatenate3A = tpu.concatenate %broadcast_in_dim3A_17, %broadcast_in_dim3A_44, %broadcast_in_dim3A_71, %broadcast_in_dim3A_98, %broadcast_in_dim3A_125, %broadcast_in_dim3A_152, %broadcast_in_dim3A_179, %broadcast_in_dim3A_206 in 0 : vector<128x1xf32>, vector<128x1xf32>, vector<128x1xf32>, vector<128x1xf32>, vector<128x1xf32>, vector<128x1xf32>, vector<128x1xf32>, vector<128x1xf32> -> vector<1024x1xf32>
    %get3A_207 = arith.constant 0 : index
    %get3A_208 = arith.constant 0 : index
    %get3A_209 = arith.constant 0 : index
    %get3A_210 = vector.load %arg3[%get3A_207, %get3A_208, %get3A_209] : memref<2x1024x128xf32, #tpu.memory_space<vmem>>, vector<1x1024x128xf32>
    %get3A_211 = vector.shape_cast %get3A_210 : vector<1x1024x128xf32> to vector<1024x128xf32>
    %get3A_212 = arith.constant 1 : index
    %get3A_213 = arith.constant 0 : index
    %get3A_214 = arith.constant 0 : index
    %get3A_215 = vector.load %arg3[%get3A_212, %get3A_213, %get3A_214] : memref<2x1024x128xf32, #tpu.memory_space<vmem>>, vector<1x1024x128xf32>
    %get3A_216 = vector.shape_cast %get3A_215 : vector<1x1024x128xf32> to vector<1024x128xf32>
    %add3A_217 = arith.addf %get3A_211, %get3A_216 : vector<1024x128xf32>
    %get3A_218 = arith.constant 0 : index
    %get3A_219 = arith.constant 0 : index
    %get3A_220 = vector.load %arg2[%get3A_218, %get3A_219] : memref<1024x128xf32, #tpu.memory_space<vmem>>, vector<1024x128xf32>
    %mul3A_221 = vector.broadcast %concatenate3A : vector<1024x1xf32> to vector<1024x128xf32>
    %mul3A_222 = arith.mulf %mul3A_221, %add3A_217 : vector<1024x128xf32>
    %sub3A = arith.subf %get3A_220, %mul3A_222 : vector<1024x128xf32>
    %max3A = arith.constant 0.000000e+00 : f32
    %max3A_223 = vector.broadcast %max3A : f32 to vector<1024x128xf32>
    %max3A_224 = arith.maximumf %sub3A, %max3A_223 : vector<1024x128xf32>
    %swap3A = arith.constant 0 : index
    %swap3A_225 = arith.constant 0 : index
    %swap3A_226 = vector.load %arg4[%swap3A, %swap3A_225] : memref<1024x128xf32, #tpu.memory_space<vmem>>, vector<1024x128xf32>
    tpu.vector_store %arg4[%swap3A, %swap3A_225], %max3A_224 {strides = array<i32>} : memref<1024x128xf32, #tpu.memory_space<vmem>>, vector<1024x128xf32>,
    return
  }
  func.func @transform_0(%arg0: i32) -> (i32, i32) {
    %c0_i32 = arith.constant 0 : i32
    %c0_i32_0 = arith.constant 0 : i32
    %c0_i32_1 = arith.constant 0 : i32
    return %c0_i32, %c0_i32_0 : i32, i32
  }
  func.func @transform_1(%arg0: i32) -> (i32, i32) {
    %c0_i32 = arith.constant 0 : i32
    %c0_i32_0 = arith.constant 0 : i32
    return %arg0, %c0_i32 : i32, i32
  }
  func.func @transform_2(%arg0: i32) -> (i32, i32, i32) {
    %c0_i32 = arith.constant 0 : i32
    %c0_i32_0 = arith.constant 0 : i32
    %c0_i32_1 = arith.constant 0 : i32
    return %c0_i32, %arg0, %c0_i32_0 : i32, i32, i32
  }
  func.func @transform_3(%arg0: i32) -> (i32, i32) {
    %c0_i32 = arith.constant 0 : i32
    %c0_i32_0 = arith.constant 0 : i32
    return %arg0, %c0_i32 : i32, i32
  }
}

</mosaic_0001>

<sc_bundles>
// kernel: kernel.10.cloned.1.call-start
scs
__scs_entry_jumppad:
0x0: {  	(pc) =	sbr.rel $0x88, $3  }
0x1: {  	(tag) =	ssettag $0x0;
	lr =	simm.s32 $0x1  }
0x2: {  	[smem:$0x3F9C] =	sst lr;
	_ =	strace $0xD0000000  }
0x3: {  	_ = 	snop  }
0x4: {  	_ = 	snop  }
0x5: {  	_ = 	snop  }
0x6: {  	_ = 	snop  }
0x7: {  	_ = 	snop  }
__scs_overlays_trampoline_lowered:
0x8: {  	[smem:$0x3FAB] =	sst s0  }
0x9: {  	[smem:$0x3FAC] =	sst s1  }
0xa: {  	[smem:$0x3FAD] =	sst s2  }
0xb: {  	[smem:$0x3FAE] =	sst s3  }
0xc: {  	[smem:$0x3FAF] =	sst s4  }
0xd: {  	[smem:$0x3FB0] =	sst s5  }
0xe: {  	[smem:$0x3FB1] =	sst s6  }
0xf: {  	[smem:$0x3FB2] =	sst s7  }
0x10: {  	[smem:$0x3FB3] =	sst s8  }
0x11: {  	[smem:$0x3FB4] =	sst s9;
	s0 =	simm.s32 @!p0 $0x0  }
0x12: {  	s1 =	sld [smem:$0x3F9A];
	s0 =	simm.s32 @p0 $0x1  }
0x13: {  	[smem:$0x3FB5] =	sst s0;
	s0 =	simm.s32 @!p1 $0x0  }
0x14: {  	s2 =	sld [smem:$0x3F99];
	s0 =	simm.s32 @p1 $0x1  }
0x15: {  	[smem:$0x3FB6] =	sst s0;
	s0 =	simm.s32 @!p2 $0x0  }
0x16: {  	s3 =	sld [smem:$0x3FDB];
	s0 =	simm.s32 @p2 $0x1  }
0x17: {  	s4 =	simm.s32 $0x1BF5;
	[smem:$0x3FB8] =	sst s0  }
0x18: {  	s0 =	sld [smem:$0x3F9B];
	_ =	swait.ge [sflag:s4], $0x0  }
0x19: {  	s7 =	sld [smem:$0x3F9C]  }
0x1a: {  	s8 =	sadd.s32 $0xFFFFE003, lr  }
0x1b: {  	s9 =	sadd.s32 $0xFFFFFEF7, lr;
	s5 =	simm.s32 $0xFFFFFFFF;
	p2 =	slt.u32 s8, $0xFFFFF086  }
0x1c: {  	p1 =	slt.u32 s9, $0xF7A;
	s5 =	simm.s32 @!p2 $0x0  }
0x1d: {  	s5 =	simm.s32 @p1 $0x1;
	p0 =	seq.s32 s7, s2  }
0x1e: {  	s7 =	smul.u32 @!p0 $0xF7A, s2;
	p2 =	seq.s32 @!p0 s5, $0x0  }
0x1f: {  	s9 =	smul.u32 $0xF7A, s1;
	s8 =	simm.s32 @!p0 $0x1BF5;
	p2 =	por !p2, p0  }
0x20: {  	[sflag:s8] =	ssyncset.s32 @!p0 $0xFFFFF086;
	s6 =	sadd.s32 @!p0 s3, s7;
	s7 =	simm.s32 @!p0 $0x108  }
0x21: {  	s3 =	sadd.s32 s3, s9;
	s6 =	sadd.s32 @!p0 $0x88, s6;
	s7 =	simm.s32 @p2 $0x1082  }
0x22: {  	[simem:s7], [sflag:s8] =	dma.local @!p0 [hbm:s6], $0xF7A  }
0x23: {  	s9 =	sor.u32 $0xD0000000, s2;
	s6 =	simm.s32 $0x108;
	_ =	swait.ge @!p0 [sflag:s8], $0x0  }
0x24: {  	s3 =	sadd.s32 $0x88, s3;
	s6 =	simm.s32 @!p1 $0x1082;
	[sflag:s4] =	ssyncset.s32 $0xFFFFF086  }
0x25: {  	[simem:s6], [sflag:s4] =	dma.local [hbm:s3], $0xF7A  }
0x26: {  	[smem:$0x3F9C] =	sst s1;
	(tag) =	ssettag s2;
	_ =	strace s9  }
0x27: {  	s1 =	sld [smem:$0x3FAC]  }
0x28: {  	s2 =	sld [smem:$0x3FAD]  }
0x29: {  	s4 =	sld [smem:$0x3FAF]  }
0x2a: {  	p0 =	seq.s32 s5, $0x0;
	s5 =	sld [smem:$0x3FB0]  }
0x2b: {  	s6 =	sld [smem:$0x3FB1]  }
0x2c: {  	s7 =	sld [smem:$0x3FB2]  }
0x2d: {  	s3 =	simm.s32 $0x108;
	s8 =	sld [smem:$0x3FB3]  }
0x2e: {  	s3 =	simm.s32 @!p0 $0x1082;
	s9 =	sld [smem:$0x3FB4]  }
0x2f: {  	lr =	sadd.s32 s0, s3;
	s0 =	sld [smem:$0x3FAB]  }
0x30: {  	s3 =	sld [smem:$0x3FAE]  }
0x31: {  	[smem:$0x3FB7] =	sst s10  }
0x32: {  	s10 =	sld [smem:$0x3FB5];
	_ =	sdelay $0x3  }
0x33: {  	p0 =	seq.s32 s10, $0x1;
	s10 =	sld [smem:$0x3FB7];
	_ =	sdelay $0x3  }
0x34: {  	[smem:$0x3FB7] =	sst s10  }
0x35: {  	s10 =	sld [smem:$0x3FB6];
	_ =	sdelay $0x3  }
0x36: {  	p1 =	seq.s32 s10, $0x1;
	s10 =	sld [smem:$0x3FB7];
	_ =	sdelay $0x3  }
0x37: {  	[smem:$0x3FB7] =	sst s10  }
0x38: {  	s10 =	sld [smem:$0x3FB8]  }
0x39: {  	_ = 	snop;
	(pc) =	sbr.ind lr, $3  }
0x3a: {  	_ = 	snop  }
0x3b: {  	_ = 	snop  }
0x3c: {  	p2 =	seq.s32 s10, $0x1;
	s10 =	sld [smem:$0x3FB7]  }
0x3d: {  	_ =	shalt  }
0x3e: {  	_ =	shalt  }
0x3f: {  	_ =	shalt  }
0x40: {  	_ =	shalt  }
0x41: {  	_ =	shalt  }
0x42: {  	_ =	shalt  }
0x43: {  	_ =	shalt  }
0x44: {  	_ =	shalt  }
0x45: {  	_ =	shalt  }
0x46: {  	_ =	shalt  }
0x47: {  	_ =	shalt  }
0x48: {  	_ =	shalt  }
0x49: {  	_ =	shalt  }
0x4a: {  	_ =	shalt  }
0x4b: {  	_ =	shalt  }
0x4c: {  	_ =	shalt  }
0x4d: {  	_ =	shalt  }
0x4e: {  	_ =	shalt  }
0x4f: {  	_ =	shalt  }
0x50: {  	_ =	shalt  }
0x51: {  	_ =	shalt  }
0x52: {  	_ =	shalt  }
0x53: {  	_ =	shalt  }
0x54: {  	_ =	shalt  }
0x55: {  	_ =	shalt  }
0x56: {  	_ =	shalt  }
0x57: {  	_ =	shalt  }
0x58: {  	_ =	shalt  }
0x59: {  	_ =	shalt  }
0x5a: {  	_ =	shalt  }
0x5b: {  	_ =	shalt  }
0x5c: {  	_ =	shalt  }
0x5d: {  	_ =	shalt  }
0x5e: {  	_ =	shalt  }
0x5f: {  	_ =	shalt  }
0x60: {  	_ =	shalt  }
0x61: {  	_ =	shalt  }
0x62: {  	_ =	shalt  }
0x63: {  	_ =	shalt  }
0x64: {  	_ =	shalt  }
0x65: {  	_ =	shalt  }
0x66: {  	_ =	shalt  }
0x67: {  	_ =	shalt  }
0x68: {  	_ =	shalt  }
0x69: {  	_ =	shalt  }
0x6a: {  	_ =	shalt  }
0x6b: {  	_ =	shalt  }
0x6c: {  	_ =	shalt  }
0x6d: {  	_ =	shalt  }
0x6e: {  	_ =	shalt  }
0x6f: {  	_ =	shalt  }
0x70: {  	_ =	shalt  }
0x71: {  	_ =	shalt  }
0x72: {  	_ =	shalt  }
0x73: {  	_ =	shalt  }
0x74: {  	_ =	shalt  }
0x75: {  	_ =	shalt  }
0x76: {  	_ =	shalt  }
0x77: {  	_ =	shalt  }
0x78: {  	_ =	shalt  }
0x79: {  	_ =	shalt  }
0x7a: {  	_ =	shalt  }
0x7b: {  	_ =	shalt  }
0x7c: {  	_ =	shalt  }
0x7d: {  	_ =	shalt  }
0x7e: {  	_ =	shalt  }
0x7f: {  	_ =	shalt  }
0x80: {  	_ =	shalt  }
0x81: {  	_ =	shalt  }
0x82: {  	_ =	shalt  }
0x83: {  	_ =	shalt  }
0x84: {  	_ =	shalt  }
0x85: {  	_ =	shalt  }
0x86: {  	_ =	shalt  }
0x87: {  	_ =	shalt  }
.Lfunc_end0:
.L_simem_size_0:
called_computation.1_lowered:
.L_overlay_start_0:
0x88: {  	s2 =	sld [smem:$0x3FD9]  }
0x89: {  	s3 =	sld [smem:$0x3FFE];
	_ =	sdelay $0x1  }
0x8a: {  	s1 =	srdreg.scid  }
0x8b: {  	s0 =	sand.u32 $0x1, s1  }
0x8c: {  	s17 =	sshll.u32 s0, $0xA;
	s2 =	sadd.s32 s3, s2  }
0x8d: {  	s2 =	sadd.s32 s2, s17  }
0x8e: {  	[smem:$0x3FC3] =	sst s2  }
0x8f: {  	_ = 	snop  }
0x90: {  	s2 =	sld [smem:$0x3FC8];
	(tm) =	ssettm $0x1  }
0x91: {  	s18 =	sld [smem:$0x3FFB];
	_ =	sdelay $0x3  }
0x92: {  	_ =	strace s18  }
0x93: {  	s3 =	sld [smem:$0x3FFC];
	_ =	sdelay $0x3  }
0x94: {  	_ =	strace s3  }
0x95: {  	s3 =	sld [smem:$0x3FFD];
	_ =	sdelay $0x3  }
0x96: {  	_ =	strace s3  }
0x97: {  	_ =	strace $0x8FFFFFFF  }
0x98: {  	s19 =	sld [smem:$0x3FDB];
	_ =	sdelay $0x1  }
0x99: {  	s4 =	simm.s32 $_scs_section_size  }
0x9a: {  	s5 =	simm.s32 $_size__tile_overlayer_lowered;
	s6 =	simm.s32 $_tile_overlayer_lowered  }
0x9b: {  	s22 =	simm.s32 $0x1BFF;
	s21 =	sshll.u32 s6, $0x1;
	s3 =	sadd.s32 s4, s19  }
0x9c: {  	s7 =	simm.s32 $0x0;
	s20 =	sshll.u32 s5, $0x1;
	s5 =	sadd.s32 s21, s3  }
0x9d: {  	[timem:s7], [sflag:s22] =	dma.local [hbm:s5], s20  }
0x9e: {  	_ =	swait.ge [sflag:s22], s20  }
0x9f: {  	s4 =	ssub.s32 $0x0, s20;
	[sflag:s22] =	ssyncset.done $0x0  }
0xa0: {  	[sflag:s22] =	ssyncadd.s32 s4;
	_ =	sdelay $0x1  }
0xa1: {  	s23 =	simm.s32 $0x1B8B  }
0xa2: {  	_ =	swait.ge [sflag:s23], $0x1  }
0xa3: {  	[sflag:s23] =	ssyncset.done $0x0  }
0xa4: {  	s25 =	simm.s32 $0x1B8E;
	s24 =	sld [smem:$0x3FFE];
	[sflag:s23] =	ssyncadd.s32 $0xFFFFFFFF  }
0xa5: {  	s26 =	simm.s32 $execute0_lowered;
	[smem:$0x3FD2] =	sst s25  }
0xa6: {  	s5 =	sshll.u32 s26, $0x1;
	_ =	strace $0x80000049;
	[dreg:$0x1] =	wrdreg $0xFFFFFFFF  }
0xa7: {  	s28 =	simm.s32 $_size_execute0_lowered;
	s3 =	sadd.s32 s3, s5;
	[dreg:$0x0] =	wrdreg $0x0  }
0xa8: {  	s5 =	sshll.u32 s28, $0x1;
	[dreg:$0x2] =	wrdreg s3  }
0xa9: {  	[dreg:$0x3] =	wrdreg s5  }
0xaa: {  	[dreg:$0x4] =	wrdreg $0xC0  }
0xab: {  	_ =	task [dreg:s7], $0x5FFFF  }
0xac: {  	[dreg:$0x1] =	wrdreg $0xFFFFFFFF  }
0xad: {  	[dreg:$0x0] =	wrdreg $0x60  }
0xae: {  	[dreg:$0x2] =	wrdreg s2  }
0xaf: {  	[dreg:$0x3] =	wrdreg s24  }
0xb0: {  	[dreg:$0x4] =	wrdreg $0xAC000  }
0xb1: {  	[dreg:$0x5] =	wrdreg $0x9  }
0xb2: {  	_ =	task.clear_ibuf [dreg:s7], $0x6FFFF;
	_ =	strace $0x90000049  }
0xb3: {  	s29 =	simm.s32 $0x9;
	_ =	strace $0x8000004B  }
0xb4: {  	_ =	swait.ge [sflag:s29], $0x1  }
0xb5: {  	[sflag:s29] =	ssyncadd.s32 $0xFFFFFFFF  }
0xb6: {  	_ =	strace $0x9000004B  }
0xb7: {  	_ =	sfence  }
0xb8: {  	s30 =	sld [smem:$0x0];
	_ =	sdelay $0x2  }
0xb9: {  	s31 =	sshll.u32 s1, $0xD;
	s1 =	sshrl.u32 s1, $0x2  }
0xba: {  	s3 =	sand.u32 $0x4000, s31;
	s1 =	sadd.s32 s1, s30  }
0xbb: {  	s0 =	sor.u32 s3, s0;
	s1 =	sshll.u32 s1, $0x11  }
0xbc: {  	s0 =	sor.u32 s1, s0  }
0xbd: {  	s0 =	sadd.s32 $0x8F2B, s0  }
0xbe: {  	[sflag:s0] =	ssyncadd.remote.s32 $0x1  }
0xbf: {  	_ =	sfence.sel $0xFFFF  }
0xc0: {  	[dreg:$0x0] =	wrdreg $0xFFFFFFFF;
	(pc) =	sbr.abs _section_cstart, $3  }
0xc1: {  	[dreg:$0x1] =	wrdreg $0xFFFFFFFF  }
0xc2: {  	_ =	task.clear_ibuf [dreg:s7], $0x2FFFF;
	_ =	strace $0x9FFFFFFF  }
0xc3: {  	(tm) =	ssettm $0x7FFFFFFF  }
tec
execute0_lowered:
.L_overlay_start_1:
0x0: {  	(tag) =	ssettag $0x1  }
0x1: {  	s7 =	rddreg [dreg:$0x0]  }
0x2: {  	s0 =	rddreg [dreg:$0x1];
	s1 =	srdreg.scid  }
0x3: {  	s3 =	rddreg [dreg:$0x2];
	s8 =	stileid.u32;
	s5 =	simm.s32 $0x0  }
0x4: {  	s28 =	simm.s32 $0x1;
	s31 =	simm.s32 $0x2;
	s11 =	simm.s32 $0x600  }
0x5: {  	s12 =	simm.s32 $0xA80;
	s13 =	simm.s32 $0x700;
	s4 =	smul.u32 $0x14000, s8  }
0x6: {  	s1 =	sand.u32 $0x1, s1;
	[smem:$0x7FF] =	sst s5;
	s14 =	smul.u32 $0x50000, s8  }
0x7: {  	s5 =	sadd.s32 $0x1800, s0;
	s29 =	sadd.s32 $0x13800, s7;
	s2 =	smul.u32 $0x140000, s1  }
0x8: {  	_ =	strace $0x8000004A;
	s15 =	ssub.s32 $0x2, s1;
	s1 =	sshll.u32 s1, $0x4  }
0x9: {  	[dreg:$0xe] =	wrdreg s29;
	s6 =	sshrl.u32 s15, $0x1;
	s1 =	sor.u32 s8, s1  }
0xa: {  	s8 =	simm.s32 $0x980;
	s2 =	sadd.s32 s4, s2;
	s4 =	sshrl.u32 s14, $0x2  }
0xb: {  	s16 =	smin.u32 s1, $0x18;
	s18 =	smax.u32 s1, $0x18;
	s9 =	sadd.s32 s4, s3  }
0xc: {  	p0 =	slt.u32 s1, $0x18;
	s17 =	sadd.s32 $0x2000, s9;
	[dreg:$0x4] =	wrdreg s9  }
0xd: {  	s14 =	simm.s32 $0xB00;
	s19 =	sadd.s32 $0x4000, s9;
	[dreg:$0x5] =	wrdreg s17  }
0xe: {  	s2 =	sshrl.u32 s2, $0x3;
	s20 =	sadd.s32 $0x6000, s9;
	[dreg:$0x6] =	wrdreg s19  }
0xf: {  	s4 =	smul.u32 $0x2800, s16;
	s21 =	sadd.s32 $0x8000, s9;
	[dreg:$0x7] =	wrdreg s20  }
0x10: {  	s16 =	simm.s32 $0xB80;
	s22 =	sadd.s32 $0xA000, s9;
	[dreg:$0x8] =	wrdreg s21  }
0x11: {  	s0 =	sadd.s32 s2, s0;
	s23 =	sadd.s32 $0xC000, s9;
	[dreg:$0x9] =	wrdreg s22  }
0x12: {  	s2 =	ssub.s32 s15, s6;
	s24 =	sadd.s32 $0xE000, s9;
	[dreg:$0xa] =	wrdreg s23  }
0x13: {  	s6 =	smul.u32 $0x2400, s18;
	s25 =	sadd.s32 $0x10000, s9;
	[dreg:$0xb] =	wrdreg s24  }
0x14: {  	s15 =	simm.s32 $0xA;
	s26 =	sadd.s32 $0x12000, s9;
	[dreg:$0xc] =	wrdreg s25  }
0x15: {  	s18 =	simm.s32 $0x900;
	[dreg:$0xd] =	wrdreg s26;
	s15 =	simm.s32 @!p0 $0x9  }
.Ltmp0:
0x16: {  	s0 =	sadd.s32 $0x29800, s0;
	s30 =	smax.u32 s2, $0x1;
	(pc) =	sbr.rel .LBB2_1-.Ltmp0, $4  }
0x17: {  	s22 =	simm.s32 $0x3;
	s23 =	simm.s32 $0x80;
	s24 =	simm.s32 $0xC00  }
0x18: {  	p0 =	sne.s32 s1, $0x1F;
	s26 =	simm.s32 $0x4C00;
	s4 =	sadd.s32 s4, s6  }
0x19: {  	s2 =	simm.s32 $0x300;
	[dreg:$0xf] =	wrdreg s0;
	s4 =	sshll.u32 s4, $0x1  }
0x1a: {  	v0 =	vimm.f32 $0.0e+00;
	v1 =	vlaneseq.u32;
	[dreg:$0x10] =	wrdreg s30;
	s6 =	simm.s32 $0x0;
	s17 =	sadd.s32 $0xFFF94000, s4  }
.LBB2_11:
0x1b: {  	s0 =	stileid.u32;
	[bflag:$0x0] =	sbarrier.arrive $0xFFFF  }
0x1c: {  	s0 =	sshll.u32 s0, $0x6;
	s9 =	rddreg [dreg:$0x4]  }
0x1d: {  	s4 =	rddreg [dreg:$0xf];
	s0 =	sor.u32 $0x1C03, s0;
	s1 =	sshrl.u32 s9, $0x3  }
0x1e: {  	[hbm:s4], [sflag:s0] =	dma.local [spmem:s1], $0x2800  }
0x1f: {  	_ =	swait.ge [sflag:s22], $0x2800  }
0x20: {  	s6 =	sadd.s32 $0x1, s6;
	s30 =	rddreg [dreg:$0x10]  }
0x21: {  	p1 =	sne.s32 s6, s30  }
.Ltmp1:
0x22: {  	_ = 	snop;
	(pc) =	sbr.rel @!p1 .LBB2_12-.Ltmp1, $3  }
0x23: {  	_ =	sdelay $0x1  }
0x24: {  	[sflag:s22] =	ssyncset.done $0x0  }
0x25: {  	[sflag:s22] =	ssyncadd.s32 $0xFFFFD800  }
.LBB2_1:
0x26: {  	[dreg:$0x11] =	wrdreg s6;
	s0 =	simm.s32 $0x0;
	s4 =	simm.s32 $0x200  }
.LBB2_2:
0x27: {  	p1 =	sne.s32 s4, $0x7E00;
	[tilespmem:s0+$0x8C70] =	vst v0  }
0x28: {  	[tilespmem:s0+$0x8C00] =	vst v0  }
0x29: {  	[tilespmem:s0+$0x8C10] =	vst v0  }
.Ltmp2:
0x2a: {  	[tilespmem:s0+$0x8C20] =	vst v0;
	(pc) =	sbr.rel @p1 .LBB2_2-.Ltmp2, $4  }
0x2b: {  	[tilespmem:s0+$0x8C30] =	vst v0  }
0x2c: {  	[tilespmem:s0+$0x8C40] =	vst v0  }
0x2d: {  	[tilespmem:s0+$0x8C50] =	vst v0  }
0x2e: {  	[tilespmem:s0+$0x8C60] =	vst v0;
	s0 =	sshra.s32 s4, $0x2;
	s4 =	sadd.s32 $0x200, s4  }
0x2f: {  	[tilespmem:s0+$0x8C70] =	vst v0  }
0x30: {  	[tilespmem:s0+$0x8C00] =	vst v0  }
0x31: {  	[tilespmem:s0+$0x8C10] =	vst v0  }
0x32: {  	[tilespmem:s0+$0x8C20] =	vst v0  }
0x33: {  	[tilespmem:s0+$0x8C30] =	vst v0  }
0x34: {  	[tilespmem:s0+$0x8C40] =	vst v0  }
0x35: {  	[tilespmem:s0+$0x8C50] =	vst v0  }
0x36: {  	[tilespmem:s0+$0x8C60] =	vst v0;
	s1 =	simm.s32 $0x8C00  }
0x37: {  	[spmem:s9] =	stream.linear.scatter [tilespmem:s1], [sflag:$0x3], $0x2000, $0x38;
	[tilespmem:$0x1EC00] =	vst v63  }
0x38: {  	_ =	swait.ge [sflag:s22], $0x2000  }
0x39: {  	[sflag:s22] =	ssyncset.done $0x0  }
0x3a: {  	s7 =	rddreg [dreg:$0x5];
	[sflag:s22] =	ssyncadd.s32 $0xFFFFE000  }
0x3b: {  	[spmem:s7] =	stream.linear.scatter [tilespmem:s1], [sflag:$0x3], $0x2000, $0x38;
	[tilespmem:$0x1EC00] =	vst v63  }
0x3c: {  	_ =	swait.ge [sflag:s22], $0x2000  }
0x3d: {  	[sflag:s22] =	ssyncset.done $0x0  }
0x3e: {  	s9 =	rddreg [dreg:$0x6];
	[sflag:s22] =	ssyncadd.s32 $0xFFFFE000  }
0x3f: {  	[spmem:s9] =	stream.linear.scatter [tilespmem:s1], [sflag:$0x3], $0x2000, $0x38;
	[tilespmem:$0x1EC00] =	vst v63  }
0x40: {  	_ =	swait.ge [sflag:s22], $0x2000  }
0x41: {  	[sflag:s22] =	ssyncset.done $0x0  }
0x42: {  	s10 =	rddreg [dreg:$0x7];
	[sflag:s22] =	ssyncadd.s32 $0xFFFFE000  }
0x43: {  	[spmem:s10] =	stream.linear.scatter [tilespmem:s1], [sflag:$0x3], $0x2000, $0x38;
	[tilespmem:$0x1EC00] =	vst v63  }
0x44: {  	_ =	swait.ge [sflag:s22], $0x2000  }
0x45: {  	[sflag:s22] =	ssyncset.done $0x0  }
0x46: {  	s19 =	rddreg [dreg:$0x8];
	[sflag:s22] =	ssyncadd.s32 $0xFFFFE000  }
0x47: {  	[spmem:s19] =	stream.linear.scatter [tilespmem:s1], [sflag:$0x3], $0x2000, $0x38;
	[tilespmem:$0x1EC00] =	vst v63  }
0x48: {  	_ =	swait.ge [sflag:s22], $0x2000  }
0x49: {  	[sflag:s22] =	ssyncset.done $0x0  }
0x4a: {  	s20 =	rddreg [dreg:$0x9];
	[sflag:s22] =	ssyncadd.s32 $0xFFFFE000  }
0x4b: {  	[spmem:s20] =	stream.linear.scatter [tilespmem:s1], [sflag:$0x3], $0x2000, $0x38;
	[tilespmem:$0x1EC00] =	vst v63  }
0x4c: {  	_ =	swait.ge [sflag:s22], $0x2000  }
0x4d: {  	[sflag:s22] =	ssyncset.done $0x0  }
0x4e: {  	s21 =	rddreg [dreg:$0xa];
	[sflag:s22] =	ssyncadd.s32 $0xFFFFE000  }
0x4f: {  	[spmem:s21] =	stream.linear.scatter [tilespmem:s1], [sflag:$0x3], $0x2000, $0x38;
	[tilespmem:$0x1EC00] =	vst v63  }
0x50: {  	_ =	swait.ge [sflag:s22], $0x2000  }
0x51: {  	[sflag:s22] =	ssyncset.done $0x0  }
0x52: {  	s25 =	rddreg [dreg:$0xb];
	[sflag:s22] =	ssyncadd.s32 $0xFFFFE000  }
0x53: {  	[spmem:s25] =	stream.linear.scatter [tilespmem:s1], [sflag:$0x3], $0x2000, $0x38;
	[tilespmem:$0x1EC00] =	vst v63  }
0x54: {  	_ =	swait.ge [sflag:s22], $0x2000  }
0x55: {  	[sflag:s22] =	ssyncset.done $0x0  }
0x56: {  	s29 =	rddreg [dreg:$0xc];
	[sflag:s22] =	ssyncadd.s32 $0xFFFFE000  }
0x57: {  	[spmem:s29] =	stream.linear.scatter [tilespmem:s1], [sflag:$0x3], $0x2000, $0x38;
	[tilespmem:$0x1EC00] =	vst v63  }
0x58: {  	_ =	swait.ge [sflag:s22], $0x2000  }
0x59: {  	[sflag:s22] =	ssyncset.done $0x0  }
0x5a: {  	s30 =	rddreg [dreg:$0xd];
	[sflag:s22] =	ssyncadd.s32 $0xFFFFE000  }
0x5b: {  	[spmem:s30] =	stream.linear.scatter [tilespmem:s1], [sflag:$0x3], $0x2000, $0x38;
	[tilespmem:$0x1EC00] =	vst v63  }
0x5c: {  	_ =	swait.ge [sflag:s22], $0x2000  }
0x5d: {  	[sflag:s22] =	ssyncset.done $0x0  }
0x5e: {  	s7 =	simm.s32 $0x0;
	[sflag:s22] =	ssyncadd.s32 $0xFFFFE000  }
0x5f: {  	s20 =	simm.s32 $0x0;
	s25 =	simm.s32 $0x2710;
	[bflag:$0x0] =	sbarrier.arrive $0xFFFF  }
.LBB2_4:
0x60: {  	s0 =	sshll.u32 s7, $0xB  }
0x61: {  	s0 =	sadd.s32 s17, s0  }
0x62: {  	s1 =	rddreg [dreg:$0x0];
	s0 =	sshrl.u32 s0, $0x3  }
0x63: {  	s0 =	sadd.s32 s1, s0  }
0x64: {  	[tilespmem:s20], [sflag:$0x3] =	stream.linear.gather [hbm4b:s0+s20], $0x800, $0x38;
	[tilespmem:$0x1EC00] =	vst v63  }
0x65: {  	s10 =	simm.s32 $0x0;
	_ =	swait.ge [sflag:s22], $0x800  }
0x66: {  	s6 =	sand.u32 $0x70, s20;
	s0 =	sand.u32 $0x3FFFFF00, s10;
	[sflag:s22] =	ssyncset.done $0x0  }
0x67: {  	s0 =	sor.u32 s6, s0;
	[sflag:s22] =	ssyncadd.s32 $0xFFFFF800  }
0x68: {  	s4 =	smulhi.u32 $0x88888889, s7;
	v2 =	vld [tilespmem:s0+$0x80]  }
0x69: {  	v3 =	vld [tilespmem:s0+$0x0]  }
0x6a: {  	s19 =	sshrl.u32 s4, $0x3  }
0x6b: {  	s21 =	simm.s32 $0x0;
	s0 =	smul.u32 $0xF0, s19  }
0x6c: {  	s29 =	simm.s32 $0x20;
	s21 =	sand.u32 $0x3FFFFF80, s21  }
0x6d: {  	s30 =	sand.u32 $0x3FFFFF00, s29;
	s9 =	ssub.s32 s25, s0;
	s0 =	simm.s32 $0x10  }
0x6e: {  	s29 =	simm.s32 $0x2;
	s19 =	simm.s32 $0x1;
	s4 =	sand.u32 $0x70, s0;
	v4 =	vor.u32 s9, v1;
	vm0 =	veq.s32 v3, v2  }
0x6f: {  	s9 =	sor.u32 s6, s21;
	s21 =	smov.u32 s7;
	s6 =	smov.u32 s25;
	v2 =	vsel vm0, v4, v2  }
.LBB2_5:
0x70: {  	s21 =	sadd.s32 $0x1, s21  }
0x71: {  	p1 =	sne.s32 s29, $0x3F;
	s30 =	sor.u32 s4, s30;
	[tilespmem:s9+$0x800] =	vst v2;
	s9 =	smulhi.u32 $0x88888889, s21  }
0x72: {  	s10 =	smov.u32 s4;
	s4 =	smov.u32 s19;
	v2 =	vld [tilespmem:s30+$0x80]  }
0x73: {  	s19 =	smov.u32 s29;
	v3 =	vld [tilespmem:s30+$0x0];
	s9 =	sshrl.u32 s9, $0x3  }
0x74: {  	s9 =	smul.u32 $0xF0, s9  }
.Ltmp3:
0x75: {  	(pc) =	sbr.rel @p1 .LBB2_5-.Ltmp3, $4  }
0x76: {  	s6 =	sadd.s32 $0x10, s6  }
0x77: {  	s0 =	sadd.s32 $0x10, s0;
	s30 =	sshll.u32 s4, $0x4;
	s9 =	ssub.s32 s6, s9  }
0x78: {  	s1 =	sshll.u32 s29, $0x5;
	s4 =	sand.u32 $0x70, s0;
	v4 =	vor.u32 s9, v1;
	vm0 =	veq.s32 v3, v2;
	s9 =	sand.u32 $0x3FFFFF80, s30  }
0x79: {  	s29 =	sadd.s32 $0x1, s29;
	s30 =	sand.u32 $0x3FFFFF00, s1;
	v2 =	vsel vm0, v4, v2;
	s9 =	sor.u32 s10, s9  }
0x7a: {  	[tilespmem:s9+$0x800] =	vst v2;
	s0 =	sor.u32 s4, s30;
	s1 =	sadd.s32 $0x1, s21  }
0x7b: {  	s1 =	smulhi.u32 $0x88888889, s1;
	v2 =	vld [tilespmem:s0+$0x80]  }
0x7c: {  	v3 =	vld [tilespmem:s0+$0x0]  }
0x7d: {  	s21 =	sshrl.u32 s1, $0x3  }
0x7e: {  	s0 =	smul.u32 $0xF0, s21  }
0x7f: {  	s29 =	sadd.s32 $0x10, s6  }
0x80: {  	s30 =	sshll.u32 s19, $0x4;
	s0 =	ssub.s32 s29, s0  }
0x81: {  	s1 =	sand.u32 $0x3FFFFF80, s30;
	vm0 =	veq.s32 v3, v2;
	v4 =	vor.u32 s0, v1  }
0x82: {  	s0 =	sor.u32 s4, s1;
	v2 =	vsel vm0, v4, v2  }
0x83: {  	s4 =	simm.s32 $0x0;
	[tilespmem:s0+$0x800] =	vst v2  }
0x84: {  	[tilespmem:s24], [sflag:$0x1] =	stream.indirect.gather [hbm4b:s5+s23], $0x80, s4, s23, $0xb8;
	[tilespmem:$0x1EC00] =	vst v63  }
0x85: {  	s6 =	simm.s32 $0x100  }
0x86: {  	[tilespmem:s26], [sflag:$0x2] =	stream.indirect.gather [hbm4b:s5+s23], $0x80, s6, s23, $0xb8;
	[tilespmem:$0x1EC00] =	vst v63  }
0x87: {  	_ =	swait.ge [sflag:s28], $0x4000  }
0x88: {  	[sflag:s28] =	ssyncset.done $0x0  }
0x89: {  	s9 =	simm.s32 $0x800;
	[sflag:s28] =	ssyncadd.s32 $0xFFFFC000  }
0x8a: {  	[spmem:s3] =	stream.indirect.scatter.add.f32 [tilespmem:s24], [sflag:$0x3], $0x80, s9, s23, $0xb8;
	[tilespmem:$0x1EC00] =	vst v63  }
0x8b: {  	_ =	swait.ge [sflag:s22], $0x4000  }
0x8c: {  	[sflag:s22] =	ssyncset.done $0x0  }
0x8d: {  	s10 =	simm.s32 $0x200;
	[sflag:s22] =	ssyncadd.s32 $0xFFFFC000  }
0x8e: {  	[tilespmem:s24], [sflag:$0x1] =	stream.indirect.gather [hbm4b:s5+s23], $0x80, s10, s23, $0xb8;
	[tilespmem:$0x1EC00] =	vst v63  }
0x8f: {  	_ =	swait.ge [sflag:s31], $0x4000  }
0x90: {  	[sflag:s31] =	ssyncset.done $0x0  }
0x91: {  	s19 =	simm.s32 $0x880;
	[sflag:s31] =	ssyncadd.s32 $0xFFFFC000  }
0x92: {  	[spmem:s3] =	stream.indirect.scatter.add.f32 [tilespmem:s26], [sflag:$0x3], $0x80, s19, s23, $0xb8;
	[tilespmem:$0x1EC00] =	vst v63  }
0x93: {  	_ =	swait.ge [sflag:s22], $0x4000  }
0x94: {  	[sflag:s22] =	ssyncset.done $0x0  }
0x95: {  	[sflag:s22] =	ssyncadd.s32 $0xFFFFC000  }
0x96: {  	[tilespmem:s26], [sflag:$0x2] =	stream.indirect.gather [hbm4b:s5+s23], $0x80, s2, s23, $0xb8;
	[tilespmem:$0x1EC00] =	vst v63  }
0x97: {  	_ =	swait.ge [sflag:s28], $0x4000  }
0x98: {  	[sflag:s28] =	ssyncset.done $0x0  }
0x99: {  	[sflag:s28] =	ssyncadd.s32 $0xFFFFC000  }
0x9a: {  	[spmem:s3] =	stream.indirect.scatter.add.f32 [tilespmem:s24], [sflag:$0x3], $0x80, s18, s23, $0xb8;
	[tilespmem:$0x1EC00] =	vst v63  }
0x9b: {  	_ =	swait.ge [sflag:s22], $0x4000  }
0x9c: {  	[sflag:s22] =	ssyncset.done $0x0  }
0x9d: {  	s21 =	simm.s32 $0x400;
	[sflag:s22] =	ssyncadd.s32 $0xFFFFC000  }
0x9e: {  	[tilespmem:s24], [sflag:$0x1] =	stream.indirect.gather [hbm4b:s5+s23], $0x80, s21, s23, $0xb8;
	[tilespmem:$0x1EC00] =	vst v63  }
0x9f: {  	_ =	swait.ge [sflag:s31], $0x4000  }
0xa0: {  	[sflag:s31] =	ssyncset.done $0x0  }
0xa1: {  	[sflag:s31] =	ssyncadd.s32 $0xFFFFC000  }
0xa2: {  	[spmem:s3] =	stream.indirect.scatter.add.f32 [tilespmem:s26], [sflag:$0x3], $0x80, s8, s23, $0xb8;
	[tilespmem:$0x1EC00] =	vst v63  }
0xa3: {  	_ =	swait.ge [sflag:s22], $0x4000  }
0xa4: {  	[sflag:s22] =	ssyncset.done $0x0  }
0xa5: {  	s29 =	simm.s32 $0x500;
	[sflag:s22] =	ssyncadd.s32 $0xFFFFC000  }
0xa6: {  	[tilespmem:s26], [sflag:$0x2] =	stream.indirect.gather [hbm4b:s5+s23], $0x80, s29, s23, $0xb8;
	[tilespmem:$0x1EC00] =	vst v63  }
0xa7: {  	_ =	swait.ge [sflag:s28], $0x4000  }
0xa8: {  	[sflag:s28] =	ssyncset.done $0x0  }
0xa9: {  	s30 =	simm.s32 $0xA00;
	[sflag:s28] =	ssyncadd.s32 $0xFFFFC000  }
0xaa: {  	[spmem:s3] =	stream.indirect.scatter.add.f32 [tilespmem:s24], [sflag:$0x3], $0x80, s30, s23, $0xb8;
	[tilespmem:$0x1EC00] =	vst v63  }
0xab: {  	_ =	swait.ge [sflag:s22], $0x4000  }
0xac: {  	[sflag:s22] =	ssyncset.done $0x0  }
0xad: {  	[sflag:s22] =	ssyncadd.s32 $0xFFFFC000  }
0xae: {  	[tilespmem:s24], [sflag:$0x1] =	stream.indirect.gather [hbm4b:s5+s23], $0x80, s11, s23, $0xb8;
	[tilespmem:$0x1EC00] =	vst v63  }
0xaf: {  	_ =	swait.ge [sflag:s31], $0x4000  }
0xb0: {  	[sflag:s31] =	ssyncset.done $0x0  }
0xb1: {  	[sflag:s31] =	ssyncadd.s32 $0xFFFFC000  }
0xb2: {  	[spmem:s3] =	stream.indirect.scatter.add.f32 [tilespmem:s26], [sflag:$0x3], $0x80, s12, s23, $0xb8;
	[tilespmem:$0x1EC00] =	vst v63  }
0xb3: {  	_ =	swait.ge [sflag:s22], $0x4000  }
0xb4: {  	[sflag:s22] =	ssyncset.done $0x0  }
0xb5: {  	[sflag:s22] =	ssyncadd.s32 $0xFFFFC000  }
0xb6: {  	[tilespmem:s26], [sflag:$0x2] =	stream.indirect.gather [hbm4b:s5+s23], $0x80, s13, s23, $0xb8;
	[tilespmem:$0x1EC00] =	vst v63  }
0xb7: {  	_ =	swait.ge [sflag:s28], $0x4000  }
0xb8: {  	[sflag:s28] =	ssyncset.done $0x0  }
0xb9: {  	[sflag:s28] =	ssyncadd.s32 $0xFFFFC000  }
0xba: {  	[spmem:s3] =	stream.indirect.scatter.add.f32 [tilespmem:s24], [sflag:$0x3], $0x80, s14, s23, $0xb8;
	[tilespmem:$0x1EC00] =	vst v63  }
0xbb: {  	_ =	swait.ge [sflag:s22], $0x4000  }
0xbc: {  	[sflag:s22] =	ssyncset.done $0x0  }
0xbd: {  	[sflag:s22] =	ssyncadd.s32 $0xFFFFC000  }
0xbe: {  	s7 =	sadd.s32 $0x1, s7;
	_ =	swait.ge [sflag:s31], $0x4000  }
0xbf: {  	p1 =	sne.s32 s7, s15;
	[sflag:s31] =	ssyncset.done $0x0  }
.Ltmp4:
0xc0: {  	[sflag:s31] =	ssyncadd.s32 $0xFFFFC000;
	(pc) =	sbr.rel @p1 .LBB2_4-.Ltmp4, $4  }
0xc1: {  	[spmem:s3] =	stream.indirect.scatter.add.f32 [tilespmem:s26], [sflag:$0x3], $0x80, s16, s23, $0xb8;
	[tilespmem:$0x1EC00] =	vst v63  }
0xc2: {  	_ =	swait.ge [sflag:s22], $0x4000  }
0xc3: {  	[sflag:s22] =	ssyncset.done $0x0  }
0xc4: {  	s25 =	sadd.s32 $0x10, s25;
	[sflag:s22] =	ssyncadd.s32 $0xFFFFC000  }
.Ltmp5:
0xc5: {  	(pc) =	sbr.rel @p0 .LBB2_11-.Ltmp5, $2  }
0xc6: {  	_ =	sdelay $0x2  }
0xc7: {  	s6 =	rddreg [dreg:$0x11]  }
0xc8: {  	s0 =	simm.s32 $0x0;
	s1 =	rddreg [dreg:$0xe]  }
0xc9: {  	[tilespmem:s0], [sflag:$0x3] =	stream.linear.gather [hbm4b:s1+s0], $0x400, $0x38;
	[tilespmem:$0x1EC00] =	vst v63  }
0xca: {  	s25 =	simm.s32 $0x0;
	_ =	swait.ge [sflag:s22], $0x400  }
0xcb: {  	s9 =	sand.u32 $0x70, s0;
	s1 =	sand.u32 $0x3FFFFF00, s25;
	[sflag:s22] =	ssyncset.done $0x0  }
0xcc: {  	s0 =	smul.u32 $0x89, s0;
	s1 =	sor.u32 s9, s1;
	[sflag:s22] =	ssyncadd.s32 $0xFFFFFC00  }
0xcd: {  	v2 =	vld [tilespmem:s1+$0x80]  }
0xce: {  	s0 =	sshrl.u32 s0, $0xB;
	v3 =	vld [tilespmem:s1+$0x0]  }
0xcf: {  	s0 =	sadd.s32 $0x0, s0  }
0xd0: {  	s0 =	sshll.u32 s0, $0x4  }
0xd1: {  	s6 =	simm.s32 $0x1;
	s0 =	sand.u32 $0xF0, s0  }
0xd2: {  	s7 =	simm.s32 $0x0;
	s10 =	simm.s32 $0x20;
	s29 =	sadd.s32 $0x2710, s0  }
0xd3: {  	s30 =	sand.u32 $0x3FFFFF80, s7;
	s19 =	sand.u32 $0x3FFFFF00, s10;
	s0 =	simm.s32 $0x10;
	v4 =	vor.u32 s29, v1;
	vm0 =	veq.s32 v3, v2  }
0xd4: {  	s7 =	simm.s32 $0x2;
	s20 =	sor.u32 s9, s30;
	s4 =	sand.u32 $0x70, s0;
	v2 =	vsel vm0, v4, v2  }
.LBB2_9:
0xd5: {  	p1 =	sne.s32 s7, $0x1F;
	s1 =	sor.u32 s4, s19;
	s9 =	smul.u32 $0x89, s6;
	[tilespmem:s20+$0x800] =	vst v2  }
0xd6: {  	s10 =	smov.u32 s4;
	s4 =	smov.u32 s6;
	s6 =	smov.u32 s7;
	v2 =	vld [tilespmem:s1+$0x80]  }
0xd7: {  	v3 =	vld [tilespmem:s1+$0x0];
	s1 =	sshrl.u32 s9, $0xB  }
0xd8: {  	s1 =	sadd.s32 s1, s4  }
.Ltmp6:
0xd9: {  	s1 =	sshll.u32 s1, $0x4;
	(pc) =	sbr.rel @p1 .LBB2_9-.Ltmp6, $4  }
0xda: {  	s1 =	sand.u32 $0xF0, s1  }
0xdb: {  	s0 =	sadd.s32 $0x10, s0;
	s9 =	sshll.u32 s4, $0x4;
	s1 =	sadd.s32 $0x2710, s1  }
0xdc: {  	s19 =	sshll.u32 s7, $0x5;
	s4 =	sand.u32 $0x70, s0;
	v4 =	vor.u32 s1, v1;
	vm0 =	veq.s32 v3, v2;
	s1 =	sand.u32 $0x3FFFFF80, s9  }
0xdd: {  	s7 =	sadd.s32 $0x1, s7;
	s19 =	sand.u32 $0x3FFFFF00, s19;
	v2 =	vsel vm0, v4, v2;
	s20 =	sor.u32 s10, s1  }
0xde: {  	s0 =	sor.u32 s4, s19;
	s1 =	smul.u32 $0x89, s6;
	[tilespmem:s20+$0x800] =	vst v2  }
0xdf: {  	v2 =	vld [tilespmem:s0+$0x80]  }
0xe0: {  	v3 =	vld [tilespmem:s0+$0x0];
	s9 =	sshrl.u32 s1, $0xB  }
0xe1: {  	s0 =	sadd.s32 s9, s6  }
0xe2: {  	s0 =	sshll.u32 s0, $0x4  }
0xe3: {  	s0 =	sand.u32 $0xF0, s0  }
0xe4: {  	s10 =	sshll.u32 s6, $0x4;
	s0 =	sadd.s32 $0x2710, s0  }
0xe5: {  	s19 =	sand.u32 $0x3FFFFF80, s10;
	vm0 =	veq.s32 v3, v2;
	v4 =	vor.u32 s0, v1  }
0xe6: {  	s0 =	sor.u32 s4, s19;
	v2 =	vsel vm0, v4, v2  }
0xe7: {  	s20 =	simm.s32 $0x0;
	[tilespmem:s0+$0x800] =	vst v2  }
0xe8: {  	[tilespmem:s24], [sflag:$0x1] =	stream.indirect.gather [hbm4b:s5+s23], $0x80, s20, s23, $0xb8;
	[tilespmem:$0x1EC00] =	vst v63  }
0xe9: {  	s21 =	simm.s32 $0x100  }
0xea: {  	[tilespmem:s26], [sflag:$0x2] =	stream.indirect.gather [hbm4b:s5+s23], $0x80, s21, s23, $0xb8;
	[tilespmem:$0x1EC00] =	vst v63  }
0xeb: {  	_ =	swait.ge [sflag:s28], $0x4000  }
0xec: {  	[sflag:s28] =	ssyncset.done $0x0  }
0xed: {  	s25 =	simm.s32 $0x800;
	[sflag:s28] =	ssyncadd.s32 $0xFFFFC000  }
0xee: {  	[spmem:s3] =	stream.indirect.scatter.add.f32 [tilespmem:s24], [sflag:$0x3], $0x80, s25, s23, $0xb8;
	[tilespmem:$0x1EC00] =	vst v63  }
0xef: {  	_ =	swait.ge [sflag:s22], $0x4000  }
0xf0: {  	[sflag:s22] =	ssyncset.done $0x0  }
0xf1: {  	s29 =	simm.s32 $0x200;
	[sflag:s22] =	ssyncadd.s32 $0xFFFFC000  }
0xf2: {  	[tilespmem:s24], [sflag:$0x1] =	stream.indirect.gather [hbm4b:s5+s23], $0x80, s29, s23, $0xb8;
	[tilespmem:$0x1EC00] =	vst v63  }
0xf3: {  	_ =	swait.ge [sflag:s31], $0x4000  }
0xf4: {  	[sflag:s31] =	ssyncset.done $0x0  }
0xf5: {  	s30 =	simm.s32 $0x880;
	[sflag:s31] =	ssyncadd.s32 $0xFFFFC000  }
0xf6: {  	[spmem:s3] =	stream.indirect.scatter.add.f32 [tilespmem:s26], [sflag:$0x3], $0x80, s30, s23, $0xb8;
	[tilespmem:$0x1EC00] =	vst v63  }
0xf7: {  	_ =	swait.ge [sflag:s22], $0x4000  }
0xf8: {  	[sflag:s22] =	ssyncset.done $0x0  }
0xf9: {  	[sflag:s22] =	ssyncadd.s32 $0xFFFFC000  }
0xfa: {  	[tilespmem:s26], [sflag:$0x2] =	stream.indirect.gather [hbm4b:s5+s23], $0x80, s2, s23, $0xb8;
	[tilespmem:$0x1EC00] =	vst v63  }
0xfb: {  	_ =	swait.ge [sflag:s28], $0x4000  }
0xfc: {  	[sflag:s28] =	ssyncset.done $0x0  }
0xfd: {  	[sflag:s28] =	ssyncadd.s32 $0xFFFFC000  }
0xfe: {  	[spmem:s3] =	stream.indirect.scatter.add.f32 [tilespmem:s24], [sflag:$0x3], $0x80, s18, s23, $0xb8;
	[tilespmem:$0x1EC00] =	vst v63  }
0xff: {  	_ =	swait.ge [sflag:s22], $0x4000  }
0x100: {  	[sflag:s22] =	ssyncset.done $0x0  }
0x101: {  	[sflag:s22] =	ssyncadd.s32 $0xFFFFC000  }
0x102: {  	_ =	swait.ge [sflag:s31], $0x4000  }
0x103: {  	[sflag:s31] =	ssyncset.done $0x0  }
.Ltmp7:
0x104: {  	[sflag:s31] =	ssyncadd.s32 $0xFFFFC000;
	(pc) =	sbr.rel .LBB2_11-.Ltmp7, $4  }
0x105: {  	[spmem:s3] =	stream.indirect.scatter.add.f32 [tilespmem:s26], [sflag:$0x3], $0x80, s8, s23, $0xb8;
	[tilespmem:$0x1EC00] =	vst v63  }
0x106: {  	_ =	swait.ge [sflag:s22], $0x4000  }
0x107: {  	[sflag:s22] =	ssyncset.done $0x0  }
0x108: {  	s6 =	rddreg [dreg:$0x11];
	[sflag:s22] =	ssyncadd.s32 $0xFFFFC000  }
.LBB2_12:
0x109: {  	_ =	sfence.sel $0x180000  }
0x10a: {  	[bflag:$0x0] =	sbarrier.arrive $0xFFFF  }
0x10b: {  	_ =	strace $0x9000004A  }
0x10c: {  	s0 =	stileid.u32;
	[bflag:$0x2] =	sbarrier.arrive $0xFFFF  }
0x10d: {  	p0 =	sne.s32 s0, $0x0;
	s0 =	rddreg [dreg:$0x3]  }
0x10e: {  	s0 =	sadd.s32 @!p0 $0x100000, s0  }
0x10f: {  	[sflag:s0] =	ssyncadd.tile.s32 @!p0 $0x1;
	_ =	shalt  }
.Lfunc_end2:
_tile_overlayer_lowered:
.L_overlay_start_2:
0x110: {  	(tag) =	ssettag $0x2  }
0x111: {  	s0 =	rddreg [dreg:$0x0];
	s2 =	stileid.u32  }
0x112: {  	s1 =	rddreg [dreg:$0x1];
	p0 =	sne.s32 s2, $0x0  }
0x113: {  	s3 =	rddreg [dreg:$0x2];
	[bflag:$0x3] =	sbarrier.arrive $0xFFFF;
	s2 =	simm.s32 @!p0 $0x1C03  }
0x114: {  	[timem:s3], [sflag:s2] =	dma.local @!p0 [hbm:s0], s1  }
0x115: {  	s0 =	simm.s32 @!p0 $0x3  }
0x116: {  	_ =	swait.ge @!p0 [sflag:s0], s1  }
0x117: {  	s1 =	ssub.s32 @!p0 $0x0, s1;
	[sflag:s0] =	ssyncset.done @!p0 $0x0  }
0x118: {  	[sflag:s0] =	ssyncadd.s32 @!p0 s1  }
0x119: {  	[bflag:$0x3] =	sbarrier.arrive $0xFFFF  }
0x11a: {  	_ =	shalt  }

// kernel: kernel.7.cloned.1.call-start
scs
__scs_entry_jumppad:
0x0: {  	(pc) =	sbr.rel $0x88, $3  }
0x1: {  	(tag) =	ssettag $0x0;
	lr =	simm.s32 $0x1  }
0x2: {  	[smem:$0x3F9C] =	sst lr;
	_ =	strace $0xD0000000  }
0x3: {  	_ = 	snop  }
0x4: {  	_ = 	snop  }
0x5: {  	_ = 	snop  }
0x6: {  	_ = 	snop  }
0x7: {  	_ = 	snop  }
__scs_overlays_trampoline_lowered:
0x8: {  	[smem:$0x3FAB] =	sst s0  }
0x9: {  	[smem:$0x3FAC] =	sst s1  }
0xa: {  	[smem:$0x3FAD] =	sst s2  }
0xb: {  	[smem:$0x3FAE] =	sst s3  }
0xc: {  	[smem:$0x3FAF] =	sst s4  }
0xd: {  	[smem:$0x3FB0] =	sst s5  }
0xe: {  	[smem:$0x3FB1] =	sst s6  }
0xf: {  	[smem:$0x3FB2] =	sst s7  }
0x10: {  	[smem:$0x3FB3] =	sst s8  }
0x11: {  	[smem:$0x3FB4] =	sst s9;
	s0 =	simm.s32 @!p0 $0x0  }
0x12: {  	s1 =	sld [smem:$0x3F9A];
	s0 =	simm.s32 @p0 $0x1  }
0x13: {  	[smem:$0x3FB5] =	sst s0;
	s0 =	simm.s32 @!p1 $0x0  }
0x14: {  	s2 =	sld [smem:$0x3F99];
	s0 =	simm.s32 @p1 $0x1  }
0x15: {  	[smem:$0x3FB6] =	sst s0;
	s0 =	simm.s32 @!p2 $0x0  }
0x16: {  	s3 =	sld [smem:$0x3FDB];
	s0 =	simm.s32 @p2 $0x1  }
0x17: {  	s4 =	simm.s32 $0x1BF5;
	[smem:$0x3FB8] =	sst s0  }
0x18: {  	s0 =	sld [smem:$0x3F9B];
	_ =	swait.ge [sflag:s4], $0x0  }
0x19: {  	s7 =	sld [smem:$0x3F9C]  }
0x1a: {  	s8 =	sadd.s32 $0xFFFFE003, lr  }
0x1b: {  	s9 =	sadd.s32 $0xFFFFFEF7, lr;
	s5 =	simm.s32 $0xFFFFFFFF;
	p2 =	slt.u32 s8, $0xFFFFF086  }
0x1c: {  	p1 =	slt.u32 s9, $0xF7A;
	s5 =	simm.s32 @!p2 $0x0  }
0x1d: {  	s5 =	simm.s32 @p1 $0x1;
	p0 =	seq.s32 s7, s2  }
0x1e: {  	s7 =	smul.u32 @!p0 $0xF7A, s2;
	p2 =	seq.s32 @!p0 s5, $0x0  }
0x1f: {  	s9 =	smul.u32 $0xF7A, s1;
	s8 =	simm.s32 @!p0 $0x1BF5;
	p2 =	por !p2, p0  }
0x20: {  	[sflag:s8] =	ssyncset.s32 @!p0 $0xFFFFF086;
	s6 =	sadd.s32 @!p0 s3, s7;
	s7 =	simm.s32 @!p0 $0x108  }
0x21: {  	s3 =	sadd.s32 s3, s9;
	s6 =	sadd.s32 @!p0 $0x88, s6;
	s7 =	simm.s32 @p2 $0x1082  }
0x22: {  	[simem:s7], [sflag:s8] =	dma.local @!p0 [hbm:s6], $0xF7A  }
0x23: {  	s9 =	sor.u32 $0xD0000000, s2;
	s6 =	simm.s32 $0x108;
	_ =	swait.ge @!p0 [sflag:s8], $0x0  }
0x24: {  	s3 =	sadd.s32 $0x88, s3;
	s6 =	simm.s32 @!p1 $0x1082;
	[sflag:s4] =	ssyncset.s32 $0xFFFFF086  }
0x25: {  	[simem:s6], [sflag:s4] =	dma.local [hbm:s3], $0xF7A  }
0x26: {  	[smem:$0x3F9C] =	sst s1;
	(tag) =	ssettag s2;
	_ =	strace s9  }
0x27: {  	s1 =	sld [smem:$0x3FAC]  }
0x28: {  	s2 =	sld [smem:$0x3FAD]  }
0x29: {  	s4 =	sld [smem:$0x3FAF]  }
0x2a: {  	p0 =	seq.s32 s5, $0x0;
	s5 =	sld [smem:$0x3FB0]  }
0x2b: {  	s6 =	sld [smem:$0x3FB1]  }
0x2c: {  	s7 =	sld [smem:$0x3FB2]  }
0x2d: {  	s3 =	simm.s32 $0x108;
	s8 =	sld [smem:$0x3FB3]  }
0x2e: {  	s3 =	simm.s32 @!p0 $0x1082;
	s9 =	sld [smem:$0x3FB4]  }
0x2f: {  	lr =	sadd.s32 s0, s3;
	s0 =	sld [smem:$0x3FAB]  }
0x30: {  	s3 =	sld [smem:$0x3FAE]  }
0x31: {  	[smem:$0x3FB7] =	sst s10  }
0x32: {  	s10 =	sld [smem:$0x3FB5];
	_ =	sdelay $0x3  }
0x33: {  	p0 =	seq.s32 s10, $0x1;
	s10 =	sld [smem:$0x3FB7];
	_ =	sdelay $0x3  }
0x34: {  	[smem:$0x3FB7] =	sst s10  }
0x35: {  	s10 =	sld [smem:$0x3FB6];
	_ =	sdelay $0x3  }
0x36: {  	p1 =	seq.s32 s10, $0x1;
	s10 =	sld [smem:$0x3FB7];
	_ =	sdelay $0x3  }
0x37: {  	[smem:$0x3FB7] =	sst s10  }
0x38: {  	s10 =	sld [smem:$0x3FB8]  }
0x39: {  	_ = 	snop;
	(pc) =	sbr.ind lr, $3  }
0x3a: {  	_ = 	snop  }
0x3b: {  	_ = 	snop  }
0x3c: {  	p2 =	seq.s32 s10, $0x1;
	s10 =	sld [smem:$0x3FB7]  }
0x3d: {  	_ =	shalt  }
0x3e: {  	_ =	shalt  }
0x3f: {  	_ =	shalt  }
0x40: {  	_ =	shalt  }
0x41: {  	_ =	shalt  }
0x42: {  	_ =	shalt  }
0x43: {  	_ =	shalt  }
0x44: {  	_ =	shalt  }
0x45: {  	_ =	shalt  }
0x46: {  	_ =	shalt  }
0x47: {  	_ =	shalt  }
0x48: {  	_ =	shalt  }
0x49: {  	_ =	shalt  }
0x4a: {  	_ =	shalt  }
0x4b: {  	_ =	shalt  }
0x4c: {  	_ =	shalt  }
0x4d: {  	_ =	shalt  }
0x4e: {  	_ =	shalt  }
0x4f: {  	_ =	shalt  }
0x50: {  	_ =	shalt  }
0x51: {  	_ =	shalt  }
0x52: {  	_ =	shalt  }
0x53: {  	_ =	shalt  }
0x54: {  	_ =	shalt  }
0x55: {  	_ =	shalt  }
0x56: {  	_ =	shalt  }
0x57: {  	_ =	shalt  }
0x58: {  	_ =	shalt  }
0x59: {  	_ =	shalt  }
0x5a: {  	_ =	shalt  }
0x5b: {  	_ =	shalt  }
0x5c: {  	_ =	shalt  }
0x5d: {  	_ =	shalt  }
0x5e: {  	_ =	shalt  }
0x5f: {  	_ =	shalt  }
0x60: {  	_ =	shalt  }
0x61: {  	_ =	shalt  }
0x62: {  	_ =	shalt  }
0x63: {  	_ =	shalt  }
0x64: {  	_ =	shalt  }
0x65: {  	_ =	shalt  }
0x66: {  	_ =	shalt  }
0x67: {  	_ =	shalt  }
0x68: {  	_ =	shalt  }
0x69: {  	_ =	shalt  }
0x6a: {  	_ =	shalt  }
0x6b: {  	_ =	shalt  }
0x6c: {  	_ =	shalt  }
0x6d: {  	_ =	shalt  }
0x6e: {  	_ =	shalt  }
0x6f: {  	_ =	shalt  }
0x70: {  	_ =	shalt  }
0x71: {  	_ =	shalt  }
0x72: {  	_ =	shalt  }
0x73: {  	_ =	shalt  }
0x74: {  	_ =	shalt  }
0x75: {  	_ =	shalt  }
0x76: {  	_ =	shalt  }
0x77: {  	_ =	shalt  }
0x78: {  	_ =	shalt  }
0x79: {  	_ =	shalt  }
0x7a: {  	_ =	shalt  }
0x7b: {  	_ =	shalt  }
0x7c: {  	_ =	shalt  }
0x7d: {  	_ =	shalt  }
0x7e: {  	_ =	shalt  }
0x7f: {  	_ =	shalt  }
0x80: {  	_ =	shalt  }
0x81: {  	_ =	shalt  }
0x82: {  	_ =	shalt  }
0x83: {  	_ =	shalt  }
0x84: {  	_ =	shalt  }
0x85: {  	_ =	shalt  }
0x86: {  	_ =	shalt  }
0x87: {  	_ =	shalt  }
.Lfunc_end0:
.L_simem_size_0:
called_computation_lowered:
.L_overlay_start_0:
0x88: {  	s2 =	sld [smem:$0x3FD9]  }
0x89: {  	s3 =	sld [smem:$0x3FFE];
	_ =	sdelay $0x1  }
0x8a: {  	s1 =	srdreg.scid  }
0x8b: {  	s0 =	sand.u32 $0x1, s1  }
0x8c: {  	s18 =	sshll.u32 s0, $0xA;
	s2 =	sadd.s32 s3, s2  }
0x8d: {  	s2 =	sadd.s32 s2, s18  }
0x8e: {  	[smem:$0x3FC3] =	sst s2  }
0x8f: {  	_ = 	snop  }
0x90: {  	s2 =	sld [smem:$0x3FC8]  }
0x91: {  	s19 =	sld [smem:$0x3FD0];
	(tm) =	ssettm $0x1  }
0x92: {  	s4 =	sld [smem:$0x3FFB];
	_ =	sdelay $0x3  }
0x93: {  	_ =	strace s4  }
0x94: {  	s4 =	sld [smem:$0x3FFC];
	_ =	sdelay $0x3  }
0x95: {  	_ =	strace s4  }
0x96: {  	s4 =	sld [smem:$0x3FFD];
	_ =	sdelay $0x3  }
0x97: {  	_ =	strace s4  }
0x98: {  	_ =	strace $0x8FFFFFFF  }
0x99: {  	s20 =	sld [smem:$0x3FDB];
	_ =	sdelay $0x1  }
0x9a: {  	s5 =	simm.s32 $_scs_section_size  }
0x9b: {  	s6 =	simm.s32 $_size__tile_overlayer_lowered;
	s7 =	simm.s32 $_tile_overlayer_lowered  }
0x9c: {  	s23 =	simm.s32 $0x1BFF;
	s22 =	sshll.u32 s7, $0x1;
	s4 =	sadd.s32 s5, s20  }
0x9d: {  	s8 =	simm.s32 $0x0;
	s21 =	sshll.u32 s6, $0x1;
	s6 =	sadd.s32 s22, s4  }
0x9e: {  	[timem:s8], [sflag:s23] =	dma.local [hbm:s6], s21  }
0x9f: {  	_ =	swait.ge [sflag:s23], s21  }
0xa0: {  	s5 =	ssub.s32 $0x0, s21;
	[sflag:s23] =	ssyncset.done $0x0  }
0xa1: {  	[sflag:s23] =	ssyncadd.s32 s5;
	_ =	sdelay $0x1  }
0xa2: {  	s24 =	simm.s32 $0x1B8B  }
0xa3: {  	_ =	swait.ge [sflag:s24], $0x1  }
0xa4: {  	[sflag:s24] =	ssyncset.done $0x0  }
0xa5: {  	s25 =	simm.s32 $0x1B8E;
	[sflag:s24] =	ssyncadd.s32 $0xFFFFFFFF  }
0xa6: {  	s26 =	simm.s32 $execute0_lowered;
	[smem:$0x3FD2] =	sst s25  }
0xa7: {  	s5 =	sshll.u32 s26, $0x1;
	_ =	strace $0x80000046;
	[dreg:$0x1] =	wrdreg $0xFFFFFFFF  }
0xa8: {  	s28 =	simm.s32 $_size_execute0_lowered;
	s4 =	sadd.s32 s4, s5;
	[dreg:$0x0] =	wrdreg $0x0  }
0xa9: {  	s5 =	sshll.u32 s28, $0x1;
	[dreg:$0x2] =	wrdreg s4  }
0xaa: {  	[dreg:$0x3] =	wrdreg s5  }
0xab: {  	[dreg:$0x4] =	wrdreg $0xC0  }
0xac: {  	_ =	task [dreg:s8], $0x5FFFF  }
0xad: {  	[dreg:$0x1] =	wrdreg $0xFFFFFFFF  }
0xae: {  	[dreg:$0x0] =	wrdreg $0x60  }
0xaf: {  	[dreg:$0x2] =	wrdreg s2  }
0xb0: {  	[dreg:$0x3] =	wrdreg s19  }
0xb1: {  	[dreg:$0x4] =	wrdreg $0xF000  }
0xb2: {  	[dreg:$0x5] =	wrdreg $0x9  }
0xb3: {  	_ =	task.clear_ibuf [dreg:s8], $0x6FFFF;
	_ =	strace $0x90000046  }
0xb4: {  	s29 =	simm.s32 $0x9;
	_ =	strace $0x80000048  }
0xb5: {  	_ =	swait.ge [sflag:s29], $0x1  }
0xb6: {  	[sflag:s29] =	ssyncadd.s32 $0xFFFFFFFF  }
0xb7: {  	_ =	strace $0x90000048  }
0xb8: {  	_ =	sfence  }
0xb9: {  	s30 =	sld [smem:$0x0];
	_ =	sdelay $0x2  }
0xba: {  	s31 =	sshll.u32 s1, $0xD;
	s1 =	sshrl.u32 s1, $0x2  }
0xbb: {  	s3 =	sand.u32 $0x4000, s31;
	s1 =	sadd.s32 s1, s30  }
0xbc: {  	s0 =	sor.u32 s3, s0;
	s1 =	sshll.u32 s1, $0x11  }
0xbd: {  	s0 =	sor.u32 s1, s0  }
0xbe: {  	s0 =	sadd.s32 $0x8F2B, s0  }
0xbf: {  	[sflag:s0] =	ssyncadd.remote.s32 $0x1  }
0xc0: {  	_ =	sfence.sel $0xFFFF  }
0xc1: {  	[dreg:$0x0] =	wrdreg $0xFFFFFFFF;
	(pc) =	sbr.abs _section_cstart, $3  }
0xc2: {  	[dreg:$0x1] =	wrdreg $0xFFFFFFFF  }
0xc3: {  	_ =	task.clear_ibuf [dreg:s8], $0x2FFFF;
	_ =	strace $0x9FFFFFFF  }
0xc4: {  	(tm) =	ssettm $0x7FFFFFFF  }
0xc5: {  	_ =	shalt  }
tec
execute0_lowered:
.L_overlay_start_1:
0x0: {  	(tag) =	ssettag $0x1  }
0x1: {  	s0 =	rddreg [dreg:$0x0]  }
0x2: {  	s1 =	srdreg.scid;
	s9 =	rddreg [dreg:$0x1]  }
0x3: {  	s3 =	rddreg [dreg:$0x2];
	s2 =	stileid.u32;
	s12 =	simm.s32 $0x1  }
0x4: {  	s13 =	simm.s32 $0x80;
	s14 =	simm.s32 $0xC00;
	s16 =	simm.s32 $0x20  }
0x5: {  	s17 =	simm.s32 $0x10;
	s6 =	sand.u32 $0x1, s1;
	s5 =	smul.u32 $0xA00, s2  }
0x6: {  	s1 =	rddreg [dreg:$0x3];
	s29 =	smul.u32 $0x500, s2;
	s31 =	sshll.u32 s2, $0x6  }
0x7: {  	s4 =	sshll.u32 s6, $0x4;
	s8 =	ssub.s32 $0x2, s6;
	s30 =	sshll.u32 s6, $0x7  }
0x8: {  	s6 =	simm.s32 $0xA;
	s15 =	sor.u32 s2, s4;
	s4 =	simm.s32 $0x0  }
0x9: {  	s11 =	sshrl.u32 s8, $0x1;
	s5 =	sshrl.u32 s5, $0x2;
	s7 =	smin.u32 s15, $0x18  }
0xa: {  	s10 =	smax.u32 s15, $0x18;
	[smem:$0x7FF] =	sst s4;
	s7 =	smul.u32 $0x2800, s7  }
0xb: {  	s11 =	ssub.s32 s8, s11;
	s5 =	sadd.s32 s5, s3;
	s10 =	smul.u32 $0x2400, s10  }
.Ltmp0:
0xc: {  	p0 =	slt.u32 s15, $0x18;
	s8 =	sor.u32 s30, s29;
	(pc) =	sbr.rel .LBB2_1-.Ltmp0, $4  }
0xd: {  	_ =	strace $0x80000047;
	s6 =	simm.s32 @!p0 $0x9;
	p0 =	sne.s32 s15, $0x1F  }
0xe: {  	s15 =	sor.u32 $0x1C01, s31;
	s7 =	sadd.s32 s7, s10;
	s10 =	sshrl.u32 s8, $0x3  }
0xf: {  	s8 =	sadd.s32 $0x13800, s0;
	s7 =	sshll.u32 s7, $0x1;
	s9 =	sadd.s32 s9, s10  }
0x10: {  	v0 =	vimm.f32 $0.0e+00;
	v1 =	vimm.f32 $1.000000000e+00;
	s10 =	smax.u32 s11, $0x1;
	s11 =	simm.s32 $0xC80;
	s7 =	sadd.s32 $0xFFF94000, s7  }
.LBB2_9:
0x11: {  	s4 =	sadd.s32 $0x1, s4  }
0x12: {  	p1 =	sne.s32 s4, s10  }
.Ltmp1:
0x13: {  	[bflag:$0x0] =	sbarrier.arrive $0xFFFF;
	s18 =	sshrl.u32 s5, $0x3;
	(pc) =	sbr.rel @!p1 .LBB2_10-.Ltmp1, $4  }
0x14: {  	[hbm:s9@s16], [sflag:s15] =	dma.strided [spmem:s18@s17], $0x50, s12, $0x10   }
0x15: {  	_ =	swait.ge [sflag:s12], $0x50  }
0x16: {  	[sflag:s12] =	ssyncset.done $0x0  }
0x17: {  	[sflag:s12] =	ssyncadd.s32 $0xFFFFFFB0  }
.LBB2_1:
0x18: {  	[tilespmem:$0xC80] =	vst v0  }
0x19: {  	[tilespmem:$0xC90] =	vst v0  }
0x1a: {  	[tilespmem:$0xCA0] =	vst v0  }
0x1b: {  	[tilespmem:$0xCB0] =	vst v0  }
0x1c: {  	[tilespmem:$0xCC0] =	vst v0  }
0x1d: {  	[tilespmem:$0xCD0] =	vst v0  }
0x1e: {  	[tilespmem:$0xCE0] =	vst v0  }
0x1f: {  	[tilespmem:$0xCF0] =	vst v0  }
0x20: {  	[tilespmem:$0xD00] =	vst v0  }
0x21: {  	[tilespmem:$0xD10] =	vst v0  }
0x22: {  	[tilespmem:$0xD20] =	vst v0  }
0x23: {  	[tilespmem:$0xD30] =	vst v0  }
0x24: {  	[tilespmem:$0xD40] =	vst v0  }
0x25: {  	[tilespmem:$0xD50] =	vst v0  }
0x26: {  	[tilespmem:$0xD60] =	vst v0  }
0x27: {  	[tilespmem:$0xD70] =	vst v0  }
0x28: {  	[tilespmem:$0xD80] =	vst v0  }
0x29: {  	[tilespmem:$0xD90] =	vst v0  }
0x2a: {  	[tilespmem:$0xDA0] =	vst v0  }
0x2b: {  	[tilespmem:$0xDB0] =	vst v0  }
0x2c: {  	[tilespmem:$0xDC0] =	vst v0  }
0x2d: {  	[tilespmem:$0xDD0] =	vst v0  }
0x2e: {  	[tilespmem:$0xDE0] =	vst v0  }
0x2f: {  	[tilespmem:$0xDF0] =	vst v0  }
0x30: {  	[tilespmem:$0xE00] =	vst v0  }
0x31: {  	[tilespmem:$0xE10] =	vst v0  }
0x32: {  	[tilespmem:$0xE20] =	vst v0  }
0x33: {  	[tilespmem:$0xE30] =	vst v0  }
0x34: {  	[tilespmem:$0xE40] =	vst v0  }
0x35: {  	[tilespmem:$0xE50] =	vst v0  }
0x36: {  	[tilespmem:$0xE60] =	vst v0  }
0x37: {  	[tilespmem:$0xE70] =	vst v0  }
0x38: {  	[tilespmem:$0xE80] =	vst v0  }
0x39: {  	[tilespmem:$0xE90] =	vst v0  }
0x3a: {  	[tilespmem:$0xEA0] =	vst v0  }
0x3b: {  	[tilespmem:$0xEB0] =	vst v0  }
0x3c: {  	[tilespmem:$0xEC0] =	vst v0  }
0x3d: {  	[tilespmem:$0xED0] =	vst v0  }
0x3e: {  	[tilespmem:$0xEE0] =	vst v0  }
0x3f: {  	[tilespmem:$0xEF0] =	vst v0  }
0x40: {  	[spmem:s5] =	stream.linear.scatter [tilespmem:s11], [sflag:$0x1], $0x280, $0x38;
	[tilespmem:$0x1180] =	vst v63  }
0x41: {  	_ =	swait.ge [sflag:s12], $0x280  }
0x42: {  	[sflag:s12] =	ssyncset.done $0x0  }
0x43: {  	[sflag:s12] =	ssyncadd.s32 $0xFFFFFD80  }
0x44: {  	s18 =	simm.s32 $0x0;
	[bflag:$0x0] =	sbarrier.arrive $0xFFFF  }
.LBB2_2:
0x45: {  	s19 =	sshll.u32 s18, $0xB  }
0x46: {  	s19 =	sadd.s32 s7, s19  }
0x47: {  	s19 =	sshrl.u32 s19, $0x3  }
0x48: {  	s20 =	simm.s32 $0x0;
	s19 =	sadd.s32 s0, s19  }
0x49: {  	[tilespmem:s20], [sflag:$0x1] =	stream.linear.gather [hbm4b:s19+s20], $0x800, $0x38;
	[tilespmem:$0x1180] =	vst v63  }
0x4a: {  	_ =	swait.ge [sflag:s12], $0x800  }
0x4b: {  	[sflag:s12] =	ssyncset.done $0x0  }
0x4c: {  	s19 =	simm.s32 $0x80;
	[sflag:s12] =	ssyncadd.s32 $0xFFFFF800  }
0x4d: {  	v2 =	vld [tilespmem:s19+$0x0]  }
0x4e: {  	v3 =	vld [tilespmem:s19+$0xFFFFFF80];
	_ =	sdelay $0x4  }
0x4f: {  	s20 =	simm.s32 $0x0;
	vm0 =	veq.s32 v3, v2  }
0x50: {  	[tilespmem:s20+$0x800] =	vst v3;
	v2 =	vsel vm0, $0x0, v1  }
0x51: {  	[tilespmem:$0xC00] =	vst v2  }
0x52: {  	v2 =	vld [tilespmem:s19+$0xFFFFFF90]  }
0x53: {  	v3 =	vld [tilespmem:s19+$0x10];
	_ =	sdelay $0x4  }
0x54: {  	vm10 =	veq.s32 v2, v3  }
0x55: {  	[tilespmem:s20+$0x810] =	vst v2;
	v2 =	vsel vm10, $0x0, v1  }
0x56: {  	[tilespmem:$0xC10] =	vst v2  }
0x57: {  	v2 =	vld [tilespmem:s19+$0xFFFFFFA0]  }
0x58: {  	v3 =	vld [tilespmem:s19+$0x20];
	_ =	sdelay $0x4  }
0x59: {  	vm11 =	veq.s32 v2, v3  }
0x5a: {  	[tilespmem:s20+$0x820] =	vst v2;
	v2 =	vsel vm11, $0x0, v1  }
0x5b: {  	[tilespmem:$0xC20] =	vst v2  }
0x5c: {  	v2 =	vld [tilespmem:s19+$0xFFFFFFB0]  }
0x5d: {  	v3 =	vld [tilespmem:s19+$0x30];
	_ =	sdelay $0x4  }
0x5e: {  	vm12 =	veq.s32 v2, v3  }
0x5f: {  	[tilespmem:s20+$0x830] =	vst v2;
	v2 =	vsel vm12, $0x0, v1  }
0x60: {  	[tilespmem:$0xC30] =	vst v2  }
0x61: {  	v2 =	vld [tilespmem:s19+$0xFFFFFFC0]  }
0x62: {  	v3 =	vld [tilespmem:s19+$0x40];
	_ =	sdelay $0x4  }
0x63: {  	vm13 =	veq.s32 v2, v3  }
0x64: {  	[tilespmem:s20+$0x840] =	vst v2;
	v2 =	vsel vm13, $0x0, v1  }
0x65: {  	[tilespmem:$0xC40] =	vst v2  }
0x66: {  	v2 =	vld [tilespmem:s19+$0xFFFFFFD0]  }
0x67: {  	v3 =	vld [tilespmem:s19+$0x50];
	_ =	sdelay $0x4  }
0x68: {  	vm14 =	veq.s32 v2, v3  }
0x69: {  	[tilespmem:s20+$0x850] =	vst v2;
	v2 =	vsel vm14, $0x0, v1  }
0x6a: {  	[tilespmem:$0xC50] =	vst v2  }
0x6b: {  	v2 =	vld [tilespmem:s19+$0xFFFFFFE0]  }
0x6c: {  	v3 =	vld [tilespmem:s19+$0x60];
	_ =	sdelay $0x4  }
0x6d: {  	vm15 =	veq.s32 v2, v3  }
0x6e: {  	[tilespmem:s20+$0x860] =	vst v2;
	v2 =	vsel vm15, $0x0, v1  }
0x6f: {  	[tilespmem:$0xC60] =	vst v2  }
0x70: {  	v2 =	vld [tilespmem:s19+$0xFFFFFFF0]  }
0x71: {  	s21 =	simm.s32 $0x200;
	s22 =	simm.s32 $0x800;
	v3 =	vld [tilespmem:s19+$0x70]  }
.LBB2_3:
0x72: {  	_ =	sdelay $0x1  }
0x73: {  	p1 =	sne.s32 s21, $0xE00  }
0x74: {  	s19 =	sadd.s32 $0x100, s19;
	[tilespmem:s20+$0x870] =	vst v2;
	s20 =	smov.u32 s21;
	s21 =	sadd.s32 $0x200, s21  }
0x75: {  	vm0 =	veq.s32 v2, v3  }
0x76: {  	v2 =	vsel vm0, $0x0, v1  }
0x77: {  	[tilespmem:$0xC70] =	vst v2  }
0x78: {  	[spmem:s3] =	stream.indirect.scatter.add.f32 [tilespmem:s14], [sflag:$0x1], $0x1, s22, s13, $0xb8;
	[tilespmem:$0x1180] =	vst v63  }
0x79: {  	_ =	swait.ge [sflag:s12], $0x80  }
0x7a: {  	[sflag:s12] =	ssyncset.done $0x0  }
0x7b: {  	[sflag:s12] =	ssyncadd.s32 $0xFFFFFF80  }
0x7c: {  	v2 =	vld [tilespmem:s19+$0x0]  }
0x7d: {  	v3 =	vld [tilespmem:s19+$0xFFFFFF80];
	_ =	sdelay $0x4  }
0x7e: {  	s20 =	sshra.s32 s20, $0x2;
	vm0 =	veq.s32 v3, v2  }
0x7f: {  	[tilespmem:s20+$0x800] =	vst v3;
	v2 =	vsel vm0, $0x0, v1  }
0x80: {  	[tilespmem:$0xC00] =	vst v2  }
0x81: {  	v2 =	vld [tilespmem:s19+$0xFFFFFF90]  }
0x82: {  	v3 =	vld [tilespmem:s19+$0x10];
	_ =	sdelay $0x4  }
0x83: {  	vm0 =	veq.s32 v2, v3  }
0x84: {  	[tilespmem:s20+$0x810] =	vst v2;
	v2 =	vsel vm0, $0x0, v1  }
0x85: {  	[tilespmem:$0xC10] =	vst v2  }
0x86: {  	v2 =	vld [tilespmem:s19+$0xFFFFFFA0]  }
0x87: {  	v3 =	vld [tilespmem:s19+$0x20];
	_ =	sdelay $0x3  }
0x88: {  	[tilespmem:s20+$0x820] =	vst v2  }
0x89: {  	vm0 =	veq.s32 v2, v3  }
0x8a: {  	v2 =	vsel vm0, $0x0, v1  }
0x8b: {  	[tilespmem:$0xC20] =	vst v2  }
0x8c: {  	v2 =	vld [tilespmem:s19+$0xFFFFFFB0]  }
0x8d: {  	v3 =	vld [tilespmem:s19+$0x30];
	_ =	sdelay $0x3  }
0x8e: {  	[tilespmem:s20+$0x830] =	vst v2  }
0x8f: {  	vm0 =	veq.s32 v2, v3  }
0x90: {  	v2 =	vsel vm0, $0x0, v1  }
0x91: {  	[tilespmem:$0xC30] =	vst v2  }
0x92: {  	v2 =	vld [tilespmem:s19+$0xFFFFFFC0]  }
0x93: {  	v3 =	vld [tilespmem:s19+$0x40];
	_ =	sdelay $0x3  }
0x94: {  	[tilespmem:s20+$0x840] =	vst v2  }
0x95: {  	vm0 =	veq.s32 v2, v3  }
0x96: {  	v2 =	vsel vm0, $0x0, v1  }
0x97: {  	[tilespmem:$0xC40] =	vst v2  }
0x98: {  	v2 =	vld [tilespmem:s19+$0xFFFFFFD0]  }
0x99: {  	v3 =	vld [tilespmem:s19+$0x50];
	_ =	sdelay $0x3  }
0x9a: {  	[tilespmem:s20+$0x850] =	vst v2  }
0x9b: {  	vm0 =	veq.s32 v2, v3  }
0x9c: {  	v2 =	vsel vm0, $0x0, v1  }
0x9d: {  	[tilespmem:$0xC50] =	vst v2  }
0x9e: {  	v2 =	vld [tilespmem:s19+$0xFFFFFFE0]  }
0x9f: {  	v3 =	vld [tilespmem:s19+$0x60];
	_ =	sdelay $0x3  }
0xa0: {  	[tilespmem:s20+$0x860] =	vst v2  }
.Ltmp2:
0xa1: {  	vm0 =	veq.s32 v2, v3;
	(pc) =	sbr.rel @p1 .LBB2_3-.Ltmp2, $4  }
0xa2: {  	v2 =	vsel vm0, $0x0, v1  }
0xa3: {  	[tilespmem:$0xC60] =	vst v2  }
0xa4: {  	v2 =	vld [tilespmem:s19+$0xFFFFFFF0]  }
0xa5: {  	s22 =	sadd.s32 $0x800, s20;
	v3 =	vld [tilespmem:s19+$0x70]  }
0xa6: {  	_ =	sdelay $0x3  }
0xa7: {  	s18 =	sadd.s32 $0x1, s18;
	vm0 =	veq.s32 v2, v3  }
0xa8: {  	p1 =	sne.s32 s18, s6;
	[tilespmem:s20+$0x870] =	vst v2;
	v2 =	vsel vm0, $0x0, v1  }
.Ltmp3:
0xa9: {  	[tilespmem:$0xC70] =	vst v2;
	(pc) =	sbr.rel @p1 .LBB2_2-.Ltmp3, $4  }
0xaa: {  	[spmem:s3] =	stream.indirect.scatter.add.f32 [tilespmem:s14], [sflag:$0x1], $0x1, s22, s13, $0xb8;
	[tilespmem:$0x1180] =	vst v63  }
0xab: {  	_ =	swait.ge [sflag:s12], $0x80  }
0xac: {  	[sflag:s12] =	ssyncset.done $0x0  }
0xad: {  	[sflag:s12] =	ssyncadd.s32 $0xFFFFFF80  }
.Ltmp4:
0xae: {  	(pc) =	sbr.rel @p0 .LBB2_9-.Ltmp4, $1  }
0xaf: {  	_ =	sdelay $0x3  }
0xb0: {  	s18 =	simm.s32 $0x0  }
0xb1: {  	[tilespmem:s18], [sflag:$0x1] =	stream.linear.gather [hbm4b:s8+s18], $0x400, $0x38;
	[tilespmem:$0x1180] =	vst v63  }
0xb2: {  	_ =	swait.ge [sflag:s12], $0x400  }
0xb3: {  	[sflag:s12] =	ssyncset.done $0x0  }
0xb4: {  	s18 =	simm.s32 $0x80;
	[sflag:s12] =	ssyncadd.s32 $0xFFFFFC00  }
0xb5: {  	v2 =	vld [tilespmem:s18+$0x0]  }
0xb6: {  	v3 =	vld [tilespmem:s18+$0xFFFFFF80];
	_ =	sdelay $0x4  }
0xb7: {  	s19 =	simm.s32 $0x0;
	vm0 =	veq.s32 v3, v2  }
0xb8: {  	[tilespmem:s19+$0x800] =	vst v3;
	v2 =	vsel vm0, $0x0, v1  }
0xb9: {  	[tilespmem:$0xC00] =	vst v2  }
0xba: {  	v2 =	vld [tilespmem:s18+$0xFFFFFF90]  }
0xbb: {  	v3 =	vld [tilespmem:s18+$0x10];
	_ =	sdelay $0x4  }
0xbc: {  	vm10 =	veq.s32 v2, v3  }
0xbd: {  	[tilespmem:s19+$0x810] =	vst v2;
	v2 =	vsel vm10, $0x0, v1  }
0xbe: {  	[tilespmem:$0xC10] =	vst v2  }
0xbf: {  	v2 =	vld [tilespmem:s18+$0xFFFFFFA0]  }
0xc0: {  	v3 =	vld [tilespmem:s18+$0x20];
	_ =	sdelay $0x4  }
0xc1: {  	vm11 =	veq.s32 v2, v3  }
0xc2: {  	[tilespmem:s19+$0x820] =	vst v2;
	v2 =	vsel vm11, $0x0, v1  }
0xc3: {  	[tilespmem:$0xC20] =	vst v2  }
0xc4: {  	v2 =	vld [tilespmem:s18+$0xFFFFFFB0]  }
0xc5: {  	v3 =	vld [tilespmem:s18+$0x30];
	_ =	sdelay $0x4  }
0xc6: {  	vm12 =	veq.s32 v2, v3  }
0xc7: {  	[tilespmem:s19+$0x830] =	vst v2;
	v2 =	vsel vm12, $0x0, v1  }
0xc8: {  	[tilespmem:$0xC30] =	vst v2  }
0xc9: {  	v2 =	vld [tilespmem:s18+$0xFFFFFFC0]  }
0xca: {  	v3 =	vld [tilespmem:s18+$0x40];
	_ =	sdelay $0x4  }
0xcb: {  	vm13 =	veq.s32 v2, v3  }
0xcc: {  	[tilespmem:s19+$0x840] =	vst v2;
	v2 =	vsel vm13, $0x0, v1  }
0xcd: {  	[tilespmem:$0xC40] =	vst v2  }
0xce: {  	v2 =	vld [tilespmem:s18+$0xFFFFFFD0]  }
0xcf: {  	v3 =	vld [tilespmem:s18+$0x50];
	_ =	sdelay $0x4  }
0xd0: {  	vm14 =	veq.s32 v2, v3  }
0xd1: {  	[tilespmem:s19+$0x850] =	vst v2;
	v2 =	vsel vm14, $0x0, v1  }
0xd2: {  	[tilespmem:$0xC50] =	vst v2  }
0xd3: {  	v2 =	vld [tilespmem:s18+$0xFFFFFFE0]  }
0xd4: {  	v3 =	vld [tilespmem:s18+$0x60];
	_ =	sdelay $0x4  }
0xd5: {  	vm15 =	veq.s32 v2, v3  }
0xd6: {  	[tilespmem:s19+$0x860] =	vst v2;
	v2 =	vsel vm15, $0x0, v1  }
0xd7: {  	[tilespmem:$0xC60] =	vst v2  }
0xd8: {  	v2 =	vld [tilespmem:s18+$0xFFFFFFF0]  }
0xd9: {  	s20 =	simm.s32 $0x200;
	s21 =	simm.s32 $0x800;
	v3 =	vld [tilespmem:s18+$0x70]  }
.LBB2_7:
0xda: {  	_ =	sdelay $0x1  }
0xdb: {  	p1 =	sne.s32 s20, $0x600  }
0xdc: {  	s18 =	sadd.s32 $0x100, s18;
	[tilespmem:s19+$0x870] =	vst v2;
	s19 =	smov.u32 s20;
	s20 =	sadd.s32 $0x200, s20  }
0xdd: {  	vm0 =	veq.s32 v2, v3  }
0xde: {  	v2 =	vsel vm0, $0x0, v1  }
0xdf: {  	[tilespmem:$0xC70] =	vst v2  }
0xe0: {  	[spmem:s3] =	stream.indirect.scatter.add.f32 [tilespmem:s14], [sflag:$0x1], $0x1, s21, s13, $0xb8;
	[tilespmem:$0x1180] =	vst v63  }
0xe1: {  	_ =	swait.ge [sflag:s12], $0x80  }
0xe2: {  	[sflag:s12] =	ssyncset.done $0x0  }
0xe3: {  	[sflag:s12] =	ssyncadd.s32 $0xFFFFFF80  }
0xe4: {  	v2 =	vld [tilespmem:s18+$0x0]  }
0xe5: {  	v3 =	vld [tilespmem:s18+$0xFFFFFF80];
	_ =	sdelay $0x4  }
0xe6: {  	s19 =	sshra.s32 s19, $0x2;
	vm0 =	veq.s32 v3, v2  }
0xe7: {  	[tilespmem:s19+$0x800] =	vst v3;
	v2 =	vsel vm0, $0x0, v1  }
0xe8: {  	[tilespmem:$0xC00] =	vst v2  }
0xe9: {  	v2 =	vld [tilespmem:s18+$0xFFFFFF90]  }
0xea: {  	v3 =	vld [tilespmem:s18+$0x10];
	_ =	sdelay $0x4  }
0xeb: {  	vm0 =	veq.s32 v2, v3  }
0xec: {  	[tilespmem:s19+$0x810] =	vst v2;
	v2 =	vsel vm0, $0x0, v1  }
0xed: {  	[tilespmem:$0xC10] =	vst v2  }
0xee: {  	v2 =	vld [tilespmem:s18+$0xFFFFFFA0]  }
0xef: {  	v3 =	vld [tilespmem:s18+$0x20];
	_ =	sdelay $0x3  }
0xf0: {  	[tilespmem:s19+$0x820] =	vst v2  }
0xf1: {  	vm0 =	veq.s32 v2, v3  }
0xf2: {  	v2 =	vsel vm0, $0x0, v1  }
0xf3: {  	[tilespmem:$0xC20] =	vst v2  }
0xf4: {  	v2 =	vld [tilespmem:s18+$0xFFFFFFB0]  }
0xf5: {  	v3 =	vld [tilespmem:s18+$0x30];
	_ =	sdelay $0x3  }
0xf6: {  	[tilespmem:s19+$0x830] =	vst v2  }
0xf7: {  	vm0 =	veq.s32 v2, v3  }
0xf8: {  	v2 =	vsel vm0, $0x0, v1  }
0xf9: {  	[tilespmem:$0xC30] =	vst v2  }
0xfa: {  	v2 =	vld [tilespmem:s18+$0xFFFFFFC0]  }
0xfb: {  	v3 =	vld [tilespmem:s18+$0x40];
	_ =	sdelay $0x3  }
0xfc: {  	[tilespmem:s19+$0x840] =	vst v2  }
0xfd: {  	vm0 =	veq.s32 v2, v3  }
0xfe: {  	v2 =	vsel vm0, $0x0, v1  }
0xff: {  	[tilespmem:$0xC40] =	vst v2  }
0x100: {  	v2 =	vld [tilespmem:s18+$0xFFFFFFD0]  }
0x101: {  	v3 =	vld [tilespmem:s18+$0x50];
	_ =	sdelay $0x3  }
0x102: {  	[tilespmem:s19+$0x850] =	vst v2  }
0x103: {  	vm0 =	veq.s32 v2, v3  }
0x104: {  	v2 =	vsel vm0, $0x0, v1  }
0x105: {  	[tilespmem:$0xC50] =	vst v2  }
0x106: {  	v2 =	vld [tilespmem:s18+$0xFFFFFFE0]  }
0x107: {  	v3 =	vld [tilespmem:s18+$0x60];
	_ =	sdelay $0x3  }
0x108: {  	[tilespmem:s19+$0x860] =	vst v2  }
.Ltmp5:
0x109: {  	vm0 =	veq.s32 v2, v3;
	(pc) =	sbr.rel @p1 .LBB2_7-.Ltmp5, $4  }
0x10a: {  	v2 =	vsel vm0, $0x0, v1  }
0x10b: {  	[tilespmem:$0xC60] =	vst v2  }
0x10c: {  	v2 =	vld [tilespmem:s18+$0xFFFFFFF0]  }
0x10d: {  	s21 =	sadd.s32 $0x800, s19;
	v3 =	vld [tilespmem:s18+$0x70]  }
0x10e: {  	_ =	sdelay $0x3  }
0x10f: {  	vm0 =	veq.s32 v2, v3  }
0x110: {  	[tilespmem:s19+$0x870] =	vst v2;
	v2 =	vsel vm0, $0x0, v1  }
.Ltmp6:
0x111: {  	[tilespmem:$0xC70] =	vst v2;
	(pc) =	sbr.rel .LBB2_9-.Ltmp6, $4  }
0x112: {  	[spmem:s3] =	stream.indirect.scatter.add.f32 [tilespmem:s14], [sflag:$0x1], $0x1, s21, s13, $0xb8;
	[tilespmem:$0x1180] =	vst v63  }
0x113: {  	_ =	swait.ge [sflag:s12], $0x80  }
0x114: {  	[sflag:s12] =	ssyncset.done $0x0  }
0x115: {  	[sflag:s12] =	ssyncadd.s32 $0xFFFFFF80  }
.LBB2_10:
0x116: {  	_ =	sfence.sel $0x180000  }
0x117: {  	[bflag:$0x0] =	sbarrier.arrive $0xFFFF  }
0x118: {  	p0 =	sne.s32 s2, $0x0;
	_ =	strace $0x90000047  }
0x119: {  	s0 =	sadd.s32 @!p0 $0x100000, s1;
	[bflag:$0x2] =	sbarrier.arrive $0xFFFF  }
0x11a: {  	[sflag:s0] =	ssyncadd.tile.s32 @!p0 $0x1;
	_ =	shalt  }
.Lfunc_end2:
_tile_overlayer_lowered:
.L_overlay_start_2:
0x11b: {  	(tag) =	ssettag $0x2  }
0x11c: {  	s0 =	rddreg [dreg:$0x0];
	s2 =	stileid.u32  }
0x11d: {  	s1 =	rddreg [dreg:$0x1];
	p0 =	sne.s32 s2, $0x0  }
0x11e: {  	s3 =	rddreg [dreg:$0x2];
	[bflag:$0x3] =	sbarrier.arrive $0xFFFF;
	s2 =	simm.s32 @!p0 $0x1C01  }
0x11f: {  	[timem:s3], [sflag:s2] =	dma.local @!p0 [hbm:s0], s1  }
0x120: {  	s0 =	simm.s32 @!p0 $0x1  }
0x121: {  	_ =	swait.ge @!p0 [sflag:s0], s1  }
0x122: {  	s1 =	ssub.s32 @!p0 $0x0, s1;
	[sflag:s0] =	ssyncset.done @!p0 $0x0  }
0x123: {  	[sflag:s0] =	ssyncadd.s32 @!p0 s1  }
0x124: {  	[bflag:$0x3] =	sbarrier.arrive $0xFFFF  }
0x125: {  	_ =	shalt  }

</sc_bundles>
